<compile_context>
chip_gen: v7x
topology: tpu7x:2x2x1
jax: 0.10.2.dev20260603
libtpu: 0.0.44.dev20260713+nightly
codegen_flags: <defaults>
</compile_context>

<pallas_src>
import functools

import jax
import jax.numpy as jnp
from jax import lax
from jax.experimental import pallas as pl
from jax.experimental.pallas import tpu as pltpu
from jax.experimental.pallas import tpu_sc as plsc

N_NODES = 10000
N_EDGES = 320000
DIM = 128
BATCH = 4096

NC = 2
NS = 16
NW = NC * NS

K = 128
CH_PER_W = 80
NCHUNK = CH_PER_W * NW
E_PAD = NCHUNK * K

NPAD = 10112
ROWS_PER_TILE = NPAD // NS

NBUF = 2
NHALF = 2
M = CH_PER_W // NHALF

_mesh = plsc.VectorSubcoreMesh(core_axis_name="c", subcore_axis_name="s")


@functools.partial(
    pl.kernel,
    mesh=_mesh,
    out_type=jax.ShapeDtypeStruct((NC, NPAD, DIM), jnp.float32),
    scratch_types=[
        pltpu.VMEM((M, K), jnp.int32),
        pltpu.VMEM((M, K), jnp.int32),
        pltpu.VMEM((NBUF, K, DIM), jnp.float32),
        pltpu.VMEM_SHARED((NPAD, DIM), jnp.float32),
        pltpu.SemaphoreType.DMA((NBUF,)),
        pltpu.SemaphoreType.DMA((NBUF,)),
    ],
)
def _sc_segment_sum(table, edges, zeros, out, src_v, dst_v, rows_v, acc,
                    gsem, ssem):
    c = lax.axis_index("c")
    s = lax.axis_index("s")
    wid = c * NS + s

    pltpu.sync_copy(zeros.at[pl.ds(s * ROWS_PER_TILE, ROWS_PER_TILE)],
                    acc.at[pl.ds(s * ROWS_PER_TILE, ROWS_PER_TILE)])
    plsc.subcore_barrier()

    for h in range(NHALF):
        pltpu.sync_copy(edges.at[0, pl.ds(wid * CH_PER_W + h * M, M)], src_v)
        pltpu.sync_copy(edges.at[1, pl.ds(wid * CH_PER_W + h * M, M)], dst_v)

        def step(j, carry):
            b = lax.rem(j, NBUF)

            @pl.when(j < M)
            def _gather():
                @pl.when(j >= NBUF)
                def _free():
                    pltpu.make_async_copy(rows_v.at[b],
                                          acc.at[dst_v.at[j - NBUF]],
                                          ssem.at[b]).wait()

                pltpu.async_copy(table.at[src_v.at[j]], rows_v.at[b],
                                 gsem.at[b])

            @pl.when(j >= 1)
            def _scatter():
                b2 = lax.rem(j - 1, NBUF)
                pltpu.make_async_copy(table.at[src_v.at[j - 1]],
                                      rows_v.at[b2], gsem.at[b2]).wait()
                pltpu.async_copy(rows_v.at[b2], acc.at[dst_v.at[j - 1]],
                                 ssem.at[b2], add=True)

            return carry

        lax.fori_loop(0, M + 1, step, 0)
        for bb in range(NBUF):
            pltpu.make_async_copy(rows_v.at[bb], acc.at[dst_v.at[0]],
                                  ssem.at[bb]).wait()

    plsc.subcore_barrier()
    pltpu.sync_copy(acc.at[pl.ds(s * ROWS_PER_TILE, ROWS_PER_TILE)],
                    out.at[c, pl.ds(s * ROWS_PER_TILE, ROWS_PER_TILE)])


B_PER_W = BATCH // NW


@functools.partial(
    pl.kernel,
    mesh=_mesh,
    out_type=[
        jax.ShapeDtypeStruct((BATCH, DIM), jnp.float32),
        jax.ShapeDtypeStruct((BATCH, DIM), jnp.float32),
        jax.ShapeDtypeStruct((BATCH, DIM), jnp.float32),
        jax.ShapeDtypeStruct((BATCH, DIM), jnp.float32),
    ],
    scratch_types=[
        pltpu.VMEM((6, B_PER_W), jnp.int32),
        pltpu.VMEM((2, B_PER_W, DIM), jnp.float32),
        pltpu.SemaphoreType.DMA((6,)),
        pltpu.SemaphoreType.DMA((2,)),
        pltpu.SemaphoreType.DMA((2,)),
    ],
)
def _sc_gather(p2, rel_emb, norm_emb, heads_lo, heads_hi, tails_lo, tails_hi,
               rels, times, out_h, out_t, out_r, out_nv, idx_v, buf,
               isem, gsem, wsem):
    c = lax.axis_index("c")
    s = lax.axis_index("s")
    wid = c * NS + s
    base = wid * B_PER_W
    idx_src = (heads_lo, heads_hi, tails_lo, tails_hi, rels, times)
    for k, idx_hbm in enumerate(idx_src):
        pltpu.async_copy(idx_hbm.at[pl.ds(base, B_PER_W)], idx_v.at[k], isem.at[k])
    plans = ((p2, 0, 1, out_h), (p2, 2, 3, out_t),
             (rel_emb, 4, None, out_r), (norm_emb, 5, None, out_nv))
    for k, (tbl, i0, i1, dst) in enumerate(plans):
        b = k % 2
        if k >= 2:
            pltpu.make_async_copy(buf.at[b], dst.at[pl.ds(base, B_PER_W)],
                                  wsem.at[b]).wait()
        pltpu.make_async_copy(idx_src[i0].at[pl.ds(base, B_PER_W)],
                              idx_v.at[i0], isem.at[i0]).wait()
        pltpu.async_copy(tbl.at[idx_v.at[i0]], buf.at[b], gsem.at[b]).wait()
        if i1 is not None:
            pltpu.make_async_copy(idx_src[i1].at[pl.ds(base, B_PER_W)],
                                  idx_v.at[i1], isem.at[i1]).wait()
            pltpu.async_copy(tbl.at[idx_v.at[i1]], buf.at[b], gsem.at[b],
                             add=True).wait()
        pltpu.async_copy(buf.at[b], dst.at[pl.ds(base, B_PER_W)], wsem.at[b])
    for b in range(2):
        pltpu.make_async_copy(buf.at[b], out_r.at[pl.ds(base, B_PER_W)],
                              wsem.at[b]).wait()


ACT_BLK = 2000


def _act_body(p_ref, w_ref, b_ref, o_ref):
    agg = p_ref[0] + p_ref[1]
    y = lax.dot_general(agg, w_ref[...], (((1,), (1,)), ((), ())),
                        preferred_element_type=jnp.float32)
    o_ref[...] = jnp.tanh(y + b_ref[...])


_tc_act = pl.pallas_call(
    _act_body,
    grid=(N_NODES // ACT_BLK,),
    in_specs=[
        pl.BlockSpec((NC, ACT_BLK, DIM), lambda i: (0, i, 0)),
        pl.BlockSpec((DIM, DIM), lambda i: (0, 0)),
        pl.BlockSpec((1, DIM), lambda i: (0, 0)),
    ],
    out_specs=pl.BlockSpec((ACT_BLK, DIM), lambda i: (i, 0)),
    out_shape=jax.ShapeDtypeStruct((N_NODES, DIM), jnp.float32),
)

SCORE_BLK = 4096


def _l2n(e, eps=1e-12):
    n = jnp.sqrt(jnp.sum(e * e, axis=-1, keepdims=True))
    return e / jnp.maximum(n, eps)


def _score_body(h_ref, t_ref, r_ref, nv_ref, w_ref, b_ref, o_ref):
    def act(p_ref):
        y = lax.dot_general(p_ref[...], w_ref[...], (((1,), (1,)), ((), ())),
                            preferred_element_type=jnp.float32)
        return jnp.tanh(y + b_ref[...])

    nvn = _l2n(nv_ref[...])

    def proj(e):
        return e - jnp.sum(nvn * e, axis=-1, keepdims=True) * nvn

    h = _l2n(proj(act(h_ref)))
    r = _l2n(proj(r_ref[...]))
    t = _l2n(proj(act(t_ref)))
    d = h + r - t
    o_ref[...] = jnp.sqrt(jnp.sum(d * d, axis=-1, keepdims=True))


_tc_score = pl.pallas_call(
    _score_body,
    grid=(BATCH // SCORE_BLK,),
    in_specs=[
        pl.BlockSpec((SCORE_BLK, DIM), lambda i: (i, 0)),
        pl.BlockSpec((SCORE_BLK, DIM), lambda i: (i, 0)),
        pl.BlockSpec((SCORE_BLK, DIM), lambda i: (i, 0)),
        pl.BlockSpec((SCORE_BLK, DIM), lambda i: (i, 0)),
        pl.BlockSpec((DIM, DIM), lambda i: (0, 0)),
        pl.BlockSpec((1, DIM), lambda i: (0, 0)),
    ],
    out_specs=pl.BlockSpec((SCORE_BLK, 1), lambda i: (i, 0)),
    out_shape=jax.ShapeDtypeStruct((BATCH, 1), jnp.float32),
)


def kernel(x, edge_index, head_batched, rel_batched, tail_batched, time_batched,
           gcn_W, gcn_b, rel_emb, norm_emb):
    src = edge_index[0]
    dst = edge_index[1]
    pad = E_PAD - N_EDGES
    pad_i = jnp.arange(pad, dtype=jnp.int32)
    src_pad = pad_i % N_NODES
    dst_pad = N_NODES + pad_i % (NPAD - N_NODES)
    pads = jnp.stack([src_pad, dst_pad]).reshape(2, E_PAD - N_EDGES)
    edges = jnp.concatenate(
        [edge_index.reshape(2, N_EDGES // K, K),
         pads.reshape(2, (E_PAD - N_EDGES) // K, K)], axis=1)
    zeros = jnp.zeros((NPAD, DIM), jnp.float32)
    b2 = gcn_b.reshape(1, DIM)

    p1 = _sc_segment_sum(x, edges, zeros)
    h1 = _tc_act(p1, gcn_W, b2)
    p2 = _sc_segment_sum(h1, edges, zeros)

    h_agg, t_agg, r, nv = _sc_gather(
        p2.reshape(NC * NPAD, DIM), rel_emb, norm_emb,
        head_batched, head_batched + NPAD, tail_batched, tail_batched + NPAD,
        rel_batched, time_batched)
    return _tc_score(h_agg, t_agg, r, nv, gcn_W, b2).reshape(-1)

# --- scband reference (transcript-rebuilt; emitter-appended) ---
"""Pipeline reference for scband-hy-te-687194768344 (READ-ONLY COPY).

The authoritative reference and input builder live on the scoring server;
editing this copy changes nothing except your own understanding.
"""

import jax, jax.numpy as jnp
import numpy as np

N_NODES = 10000
N_EDGES = 320000
DIM = 128
REL_NUM = 500
TIME_NUM = 365
BATCH = 4096


def f_normalize(v, eps=1e-12):
    n = jnp.linalg.norm(v, ord=2, axis=-1, keepdims=True)
    return v / jnp.maximum(n, eps)


def setup_inputs(seed: int = 0) -> dict:
    key = jax.random.key(seed)
    ks = jax.random.split(key, 10)
    x = jax.random.normal(ks[0], (N_NODES, DIM), dtype=jnp.float32)
    edge_index = jax.random.randint(ks[1], (2, N_EDGES), 0, N_NODES, dtype=jnp.int32)
    head_batched = jax.random.randint(ks[2], (BATCH,), 0, N_NODES, dtype=jnp.int32)
    rel_batched = jax.random.randint(ks[3], (BATCH,), 0, REL_NUM, dtype=jnp.int32)
    tail_batched = jax.random.randint(ks[4], (BATCH,), 0, N_NODES, dtype=jnp.int32)
    time_batched = jax.random.randint(ks[5], (BATCH,), 0, TIME_NUM, dtype=jnp.int32)
    # learned parameters
    lim_w = float(np.sqrt(6.0 / (DIM + DIM)))
    gcn_W = jax.random.uniform(ks[6], (DIM, DIM), dtype=jnp.float32, minval=-lim_w, maxval=lim_w)
    gcn_b = jnp.zeros((DIM,), dtype=jnp.float32)
    rel_emb = jax.random.uniform(ks[7], (REL_NUM, DIM), dtype=jnp.float32, minval=-lim_w, maxval=lim_w)
    norm_emb = jax.random.uniform(ks[8], (TIME_NUM, DIM), dtype=jnp.float32, minval=-lim_w, maxval=lim_w)
    return {
        'x': x, 'edge_index': edge_index,
        'head_batched': head_batched, 'rel_batched': rel_batched,
        'tail_batched': tail_batched, 'time_batched': time_batched,
        'gcn_W': gcn_W, 'gcn_b': gcn_b, 'rel_emb': rel_emb, 'norm_emb': norm_emb,
    }


def reference(x, edge_index, head_batched, rel_batched, tail_batched, time_batched, gcn_W, gcn_b, rel_emb, norm_emb):
    src = edge_index[0]
    dst = edge_index[1]

    def gcn_layer(h):
        # DGL update_all(copy_src, sum): aggregate src features into dst by sum
        msg = jnp.take(h, src, axis=0)
        agg = jax.ops.segment_sum(msg, dst, num_segments=N_NODES)
        return jnp.tanh(agg @ gcn_W.T + gcn_b)

    # GCN applies the same (shared) layer twice
    feat = gcn_layer(gcn_layer(x))

    # entity embeddings replaced by GCN node features
    h = jnp.take(feat, head_batched, axis=0)
    r = jnp.take(rel_emb, rel_batched, axis=0)
    t = jnp.take(feat, tail_batched, axis=0)
    norm_vector = jnp.take(norm_emb, time_batched, axis=0)

    def transform_time(e, nv):
        nvn = f_normalize(nv)
        e3 = e.reshape(-1, nvn.shape[0], e.shape[-1])
        nv3 = nvn.reshape(-1, nvn.shape[0], nvn.shape[-1])
        e3 = e3 - jnp.sum(nv3 * e3, -1, keepdims=True) * nv3
        return e3.reshape(-1, e3.shape[-1])

    h = transform_time(h, norm_vector)
    r = transform_time(r, norm_vector)
    t = transform_time(t, norm_vector)

    # cal: TransE-style score with L2-normalized embeddings
    h = f_normalize(h)
    r = f_normalize(r)
    t = f_normalize(t)
    h = h.reshape(-1, r.shape[0], h.shape[-1])
    r3 = r.reshape(-1, r.shape[0], r.shape[-1])
    t = t.reshape(-1, r3.shape[1], t.shape[-1])
    score = jnp.linalg.norm(h + r3 - t, ord=2, axis=-1).flatten()
    return score

if __name__ == "__main__":
    import jax
    _d = setup_inputs()
    print(jax.jit(kernel)(*tuple(_d.values())))

</pallas_src>

<mosaic_0001>
#map = affine_map<(d0, d1) -> (0, 0)>
#map1 = affine_map<(d0, d1) -> (0, 0, 0)>
module attributes {stable_mosaic.version = 14 : i64} {
  func.func @_sc_segment_sum(%arg0: i32, %arg1: i32, %arg2: memref<10000x128xf32, #tpu.memory_space<hbm>>, %arg3: memref<2x2560x128xi32, #tpu.memory_space<hbm>>, %arg4: memref<10112x128xf32, #tpu.memory_space<hbm>>, %arg5: memref<2x10112x128xf32, #tpu.memory_space<hbm>>, %arg6: memref<40x128xi32, #tpu.memory_space<vmem>>, %arg7: memref<40x128xi32, #tpu.memory_space<vmem>>, %arg8: memref<2x128x128xf32, #tpu.memory_space<vmem>>, %arg9: memref<10112x128xf32, #tpu.memory_space<vmem_shared>>, %arg10: memref<2x!tpu.dma_semaphore, #tpu.memory_space<semaphore_mem>>, %arg11: memref<2x!tpu.dma_semaphore, #tpu.memory_space<semaphore_mem>>) attributes {dimension_semantics = [#tpu.dimension_semantics<core_parallel>, #tpu.dimension_semantics<subcore_parallel>], iteration_bounds = array<i64: 2, 16>, scalar_prefetch = 0 : i64, scratch_operands = 6 : i64, tpu.core_type = #tpu.core_type<sc_vector_subcore>, window_params = [{transform_indices = #map}, {transform_indices = #map1}, {transform_indices = #map}, {transform_indices = #map1}]} {
    %mul3A = arith.constant 16 : i32
    %mul3A_0 = arith.muli %arg0, %mul3A : i32
    %add3A = arith.addi %mul3A_0, %arg1 : i32
    %mul3A_1 = arith.constant 632 : i32
    %mul3A_2 = arith.muli %arg1, %mul3A_1 : i32
    %mul3A_3 = arith.constant 632 : i32
    %mul3A_4 = arith.muli %arg1, %mul3A_3 : i32
    "tpu.region"() ({
      %run_scoped3A_99 = tpu.sem_alloc : memref<!tpu.dma_semaphore, #tpu.memory_space<semaphore_mem>>
      %dma_start3A = arith.constant 0 : i32
      %dma_start3A_100 = tpu.memref_slice %arg9[%mul3A_4, %dma_start3A] : memref<10112x128xf32, #tpu.memory_space<vmem_shared>> -> memref<632x128xf32, #tpu.memory_space<vmem_shared>>
      %dma_start3A_101 = arith.constant 0 : i32
      %dma_start3A_102 = tpu.memref_slice %arg4[%mul3A_2, %dma_start3A_101] : memref<10112x128xf32, #tpu.memory_space<hbm>> -> memref<632x128xf32, #tpu.memory_space<hbm>>
      tpu.enqueue_dma source(%dma_start3A_102 : memref<632x128xf32, #tpu.memory_space<hbm>>) target(%dma_start3A_100 : memref<632x128xf32, #tpu.memory_space<vmem_shared>>) target_semaphore(%run_scoped3A_99 : memref<!tpu.dma_semaphore, #tpu.memory_space<semaphore_mem>>)
      %dma_wait3A_103 = arith.constant 0 : i32
      %dma_wait3A_104 = tpu.memref_slice %arg9[%mul3A_4, %dma_wait3A_103] : memref<10112x128xf32, #tpu.memory_space<vmem_shared>> -> memref<632x128xf32, #tpu.memory_space<vmem_shared>>
      %dma_wait3A_105 = arith.constant 0 : i32
      %dma_wait3A_106 = tpu.memref_slice %arg4[%mul3A_2, %dma_wait3A_105] : memref<10112x128xf32, #tpu.memory_space<hbm>> -> memref<632x128xf32, #tpu.memory_space<hbm>>
      tpu.wait_dma2 semaphore(%run_scoped3A_99 : memref<!tpu.dma_semaphore, #tpu.memory_space<semaphore_mem>>) src(%dma_wait3A_106 : memref<632x128xf32, #tpu.memory_space<hbm>>) dst(%dma_wait3A_104 : memref<632x128xf32, #tpu.memory_space<vmem_shared>>)
      tpu.yield
    }) : () -> ()
    %barrier3A = arith.constant 0 : index
    tpu.barrier barrier_id(%barrier3A)
    %mul3A_5 = arith.constant 80 : i32
    %mul3A_6 = arith.muli %add3A, %mul3A_5 : i32
    %add3A_7 = arith.constant 0 : i32
    %add3A_8 = arith.addi %mul3A_6, %add3A_7 : i32
    %run_scoped3A = arith.constant 0 : i32
    "tpu.region"() ({
      %run_scoped3A_99 = tpu.sem_alloc : memref<!tpu.dma_semaphore, #tpu.memory_space<semaphore_mem>>
      %dma_start3A = arith.constant 0 : i32
      %dma_start3A_100 = tpu.memref_slice %arg3[%run_scoped3A, %add3A_8, %dma_start3A] : memref<2x2560x128xi32, #tpu.memory_space<hbm>> -> memref<1x40x128xi32, #tpu.memory_space<hbm>>
      %dma_start3A_101 = tpu.memref_squeeze %dma_start3A_100 : memref<1x40x128xi32, #tpu.memory_space<hbm>> -> memref<40x128xi32, #tpu.memory_space<hbm>>
      %dma_start3A_102 = arith.constant 0 : i32
      %dma_start3A_103 = tpu.memref_slice %arg3[%run_scoped3A, %add3A_8, %dma_start3A_102] : memref<2x2560x128xi32, #tpu.memory_space<hbm>> -> memref<1x40x128xi32, #tpu.memory_space<hbm>>
      %dma_start3A_104 = tpu.memref_squeeze %dma_start3A_103 : memref<1x40x128xi32, #tpu.memory_space<hbm>> -> memref<40x128xi32, #tpu.memory_space<hbm>>
      tpu.enqueue_dma source(%dma_start3A_104 : memref<40x128xi32, #tpu.memory_space<hbm>>) target(%arg6 : memref<40x128xi32, #tpu.memory_space<vmem>>) target_semaphore(%run_scoped3A_99 : memref<!tpu.dma_semaphore, #tpu.memory_space<semaphore_mem>>)
      %dma_wait3A_105 = arith.constant 0 : i32
      %dma_wait3A_106 = tpu.memref_slice %arg3[%run_scoped3A, %add3A_8, %dma_wait3A_105] : memref<2x2560x128xi32, #tpu.memory_space<hbm>> -> memref<1x40x128xi32, #tpu.memory_space<hbm>>
      %dma_wait3A_107 = tpu.memref_squeeze %dma_wait3A_106 : memref<1x40x128xi32, #tpu.memory_space<hbm>> -> memref<40x128xi32, #tpu.memory_space<hbm>>
      %dma_wait3A_108 = arith.constant 0 : i32
      %dma_wait3A_109 = tpu.memref_slice %arg3[%run_scoped3A, %add3A_8, %dma_wait3A_108] : memref<2x2560x128xi32, #tpu.memory_space<hbm>> -> memref<1x40x128xi32, #tpu.memory_space<hbm>>
      %dma_wait3A_110 = tpu.memref_squeeze %dma_wait3A_109 : memref<1x40x128xi32, #tpu.memory_space<hbm>> -> memref<40x128xi32, #tpu.memory_space<hbm>>
      tpu.wait_dma2 semaphore(%run_scoped3A_99 : memref<!tpu.dma_semaphore, #tpu.memory_space<semaphore_mem>>) src(%dma_wait3A_110 : memref<40x128xi32, #tpu.memory_space<hbm>>) dst(%arg6 : memref<40x128xi32, #tpu.memory_space<vmem>>)
      tpu.yield
    }) : () -> ()
    %mul3A_9 = arith.constant 80 : i32
    %mul3A_10 = arith.muli %add3A, %mul3A_9 : i32
    %add3A_11 = arith.constant 0 : i32
    %add3A_12 = arith.addi %mul3A_10, %add3A_11 : i32
    %run_scoped3A_13 = arith.constant 1 : i32
    "tpu.region"() ({
      %run_scoped3A_99 = tpu.sem_alloc : memref<!tpu.dma_semaphore, #tpu.memory_space<semaphore_mem>>
      %dma_start3A = arith.constant 0 : i32
      %dma_start3A_100 = tpu.memref_slice %arg3[%run_scoped3A_13, %add3A_12, %dma_start3A] : memref<2x2560x128xi32, #tpu.memory_space<hbm>> -> memref<1x40x128xi32, #tpu.memory_space<hbm>>
      %dma_start3A_101 = tpu.memref_squeeze %dma_start3A_100 : memref<1x40x128xi32, #tpu.memory_space<hbm>> -> memref<40x128xi32, #tpu.memory_space<hbm>>
      %dma_start3A_102 = arith.constant 0 : i32
      %dma_start3A_103 = tpu.memref_slice %arg3[%run_scoped3A_13, %add3A_12, %dma_start3A_102] : memref<2x2560x128xi32, #tpu.memory_space<hbm>> -> memref<1x40x128xi32, #tpu.memory_space<hbm>>
      %dma_start3A_104 = tpu.memref_squeeze %dma_start3A_103 : memref<1x40x128xi32, #tpu.memory_space<hbm>> -> memref<40x128xi32, #tpu.memory_space<hbm>>
      tpu.enqueue_dma source(%dma_start3A_104 : memref<40x128xi32, #tpu.memory_space<hbm>>) target(%arg7 : memref<40x128xi32, #tpu.memory_space<vmem>>) target_semaphore(%run_scoped3A_99 : memref<!tpu.dma_semaphore, #tpu.memory_space<semaphore_mem>>)
      %dma_wait3A_105 = arith.constant 0 : i32
      %dma_wait3A_106 = tpu.memref_slice %arg3[%run_scoped3A_13, %add3A_12, %dma_wait3A_105] : memref<2x2560x128xi32, #tpu.memory_space<hbm>> -> memref<1x40x128xi32, #tpu.memory_space<hbm>>
      %dma_wait3A_107 = tpu.memref_squeeze %dma_wait3A_106 : memref<1x40x128xi32, #tpu.memory_space<hbm>> -> memref<40x128xi32, #tpu.memory_space<hbm>>
      %dma_wait3A_108 = arith.constant 0 : i32
      %dma_wait3A_109 = tpu.memref_slice %arg3[%run_scoped3A_13, %add3A_12, %dma_wait3A_108] : memref<2x2560x128xi32, #tpu.memory_space<hbm>> -> memref<1x40x128xi32, #tpu.memory_space<hbm>>
      %dma_wait3A_110 = tpu.memref_squeeze %dma_wait3A_109 : memref<1x40x128xi32, #tpu.memory_space<hbm>> -> memref<40x128xi32, #tpu.memory_space<hbm>>
      tpu.wait_dma2 semaphore(%run_scoped3A_99 : memref<!tpu.dma_semaphore, #tpu.memory_space<semaphore_mem>>) src(%dma_wait3A_110 : memref<40x128xi32, #tpu.memory_space<hbm>>) dst(%arg7 : memref<40x128xi32, #tpu.memory_space<vmem>>)
      tpu.yield
    }) : () -> ()
    %scan3A = arith.constant 0 : i32
    %scan3A_14 = arith.constant 0 : i32
    %scan3A_15 = arith.constant 41 : i32
    %scan3A_16 = arith.addi %scan3A_14, %scan3A_15 : i32
    %scan3A_17 = arith.constant 1 : i32
    scf.for %scan3A_99 = %scan3A_14 to %scan3A_16 step %scan3A_17  : i32 {
      %rem3A = arith.constant 2 : i32
      %rem3A_100 = arith.remsi %scan3A_99, %rem3A : i32
      %lt3A = arith.constant 40 : i32
      %lt3A_101 = arith.cmpi slt, %scan3A_99, %lt3A : i32
      %convert_element_type3A = arith.extui %lt3A_101 : i1 to i32
      %cond3A = arith.constant 0 : i32
      %cond3A_102 = arith.cmpi ne, %convert_element_type3A, %cond3A : i32
      scf.if %cond3A_102 {
        %ge3A_107 = arith.constant 2 : i32
        %ge3A_108 = arith.cmpi sge, %scan3A_99, %ge3A_107 : i32
        %convert_element_type3A_109 = arith.extui %ge3A_108 : i1 to i32
        %cond3A_110 = arith.constant 0 : i32
        %cond3A_111 = arith.cmpi ne, %convert_element_type3A_109, %cond3A_110 : i32
        scf.if %cond3A_111 {
          %sub3A = arith.constant 2 : i32
          %sub3A_123 = arith.subi %scan3A_99, %sub3A : i32
          %dma_wait3A_124 = arith.constant 0 : i32
          %dma_wait3A_125 = arith.constant 0 : i32
          %dma_wait3A_126 = tpu.memref_slice %arg8[%rem3A_100, %dma_wait3A_124, %dma_wait3A_125] : memref<2x128x128xf32, #tpu.memory_space<vmem>> -> memref<1x128x128xf32, #tpu.memory_space<vmem>>
          %dma_wait3A_127 = tpu.memref_squeeze %dma_wait3A_126 : memref<1x128x128xf32, #tpu.memory_space<vmem>> -> memref<128x128xf32, #tpu.memory_space<vmem>>
          %dma_wait3A_128 = arith.constant 0 : i32
          %dma_wait3A_129 = tpu.memref_slice %arg7[%sub3A_123, %dma_wait3A_128] : memref<40x128xi32, #tpu.memory_space<vmem>> -> memref<1x128xi32, #tpu.memory_space<vmem>>
          %dma_wait3A_130 = tpu.memref_squeeze %dma_wait3A_129 : memref<1x128xi32, #tpu.memory_space<vmem>> -> memref<128xi32, #tpu.memory_space<vmem>>
          %dma_wait3A_131 = arith.constant 0 : i32
          %dma_wait3A_132 = arith.constant 0 : i32
          %dma_wait3A_133 = tpu.memref_slice %arg9[%dma_wait3A_131, %dma_wait3A_132] : memref<10112x128xf32, #tpu.memory_space<vmem_shared>> -> memref<10112x128xf32, #tpu.memory_space<vmem_shared>>
          %dma_wait3A_134 = tpu.memref_slice %arg11[%rem3A_100] : memref<2x!tpu.dma_semaphore, #tpu.memory_space<semaphore_mem>> -> memref<1x!tpu.dma_semaphore, #tpu.memory_space<semaphore_mem>>
          %dma_wait3A_135 = tpu.memref_squeeze %dma_wait3A_134 : memref<1x!tpu.dma_semaphore, #tpu.memory_space<semaphore_mem>> -> memref<!tpu.dma_semaphore, #tpu.memory_space<semaphore_mem>>
          tpu.wait_indirect_dma semaphore(%dma_wait3A_135 : memref<!tpu.dma_semaphore, #tpu.memory_space<semaphore_mem>>) src(%dma_wait3A_127 : memref<128x128xf32, #tpu.memory_space<vmem>>) dst(%dma_wait3A_133 : memref<10112x128xf32, #tpu.memory_space<vmem_shared>>)
        } else {
        }
        %dma_start3A = arith.constant 0 : i32
        %dma_start3A_112 = arith.constant 0 : i32
        %dma_start3A_113 = tpu.memref_slice %arg8[%rem3A_100, %dma_start3A, %dma_start3A_112] : memref<2x128x128xf32, #tpu.memory_space<vmem>> -> memref<1x128x128xf32, #tpu.memory_space<vmem>>
        %dma_start3A_114 = tpu.memref_squeeze %dma_start3A_113 : memref<1x128x128xf32, #tpu.memory_space<vmem>> -> memref<128x128xf32, #tpu.memory_space<vmem>>
        %dma_start3A_115 = arith.constant 0 : i32
        %dma_start3A_116 = tpu.memref_slice %arg6[%scan3A_99, %dma_start3A_115] : memref<40x128xi32, #tpu.memory_space<vmem>> -> memref<1x128xi32, #tpu.memory_space<vmem>>
        %dma_start3A_117 = tpu.memref_squeeze %dma_start3A_116 : memref<1x128xi32, #tpu.memory_space<vmem>> -> memref<128xi32, #tpu.memory_space<vmem>>
        %dma_start3A_118 = arith.constant 0 : i32
        %dma_start3A_119 = arith.constant 0 : i32
        %dma_start3A_120 = tpu.memref_slice %arg2[%dma_start3A_118, %dma_start3A_119] : memref<10000x128xf32, #tpu.memory_space<hbm>> -> memref<10000x128xf32, #tpu.memory_space<hbm>>
        %dma_start3A_121 = tpu.memref_slice %arg10[%rem3A_100] : memref<2x!tpu.dma_semaphore, #tpu.memory_space<semaphore_mem>> -> memref<1x!tpu.dma_semaphore, #tpu.memory_space<semaphore_mem>>
        %dma_start3A_122 = tpu.memref_squeeze %dma_start3A_121 : memref<1x!tpu.dma_semaphore, #tpu.memory_space<semaphore_mem>> -> memref<!tpu.dma_semaphore, #tpu.memory_space<semaphore_mem>>
        tpu.enqueue_indirect_dma source(%dma_start3A_120 : memref<10000x128xf32, #tpu.memory_space<hbm>>) target(%dma_start3A_114 : memref<128x128xf32, #tpu.memory_space<vmem>>) offsets(%dma_start3A_117 : memref<128xi32, #tpu.memory_space<vmem>>) semaphore(%dma_start3A_122 : memref<!tpu.dma_semaphore, #tpu.memory_space<semaphore_mem>>)
      } else {
      }
      %ge3A = arith.constant 1 : i32
      %ge3A_103 = arith.cmpi sge, %scan3A_99, %ge3A : i32
      %convert_element_type3A_104 = arith.extui %ge3A_103 : i1 to i32
      %cond3A_105 = arith.constant 0 : i32
      %cond3A_106 = arith.cmpi ne, %convert_element_type3A_104, %cond3A_105 : i32
      scf.if %cond3A_106 {
        %sub3A = arith.constant 1 : i32
        %sub3A_107 = arith.subi %scan3A_99, %sub3A : i32
        %rem3A_108 = arith.constant 2 : i32
        %rem3A_109 = arith.remsi %sub3A_107, %rem3A_108 : i32
        %sub3A_110 = arith.constant 1 : i32
        %sub3A_111 = arith.subi %scan3A_99, %sub3A_110 : i32
        %dma_wait3A_112 = arith.constant 0 : i32
        %dma_wait3A_113 = arith.constant 0 : i32
        %dma_wait3A_114 = tpu.memref_slice %arg8[%rem3A_109, %dma_wait3A_112, %dma_wait3A_113] : memref<2x128x128xf32, #tpu.memory_space<vmem>> -> memref<1x128x128xf32, #tpu.memory_space<vmem>>
        %dma_wait3A_115 = tpu.memref_squeeze %dma_wait3A_114 : memref<1x128x128xf32, #tpu.memory_space<vmem>> -> memref<128x128xf32, #tpu.memory_space<vmem>>
        %dma_wait3A_116 = arith.constant 0 : i32
        %dma_wait3A_117 = tpu.memref_slice %arg6[%sub3A_111, %dma_wait3A_116] : memref<40x128xi32, #tpu.memory_space<vmem>> -> memref<1x128xi32, #tpu.memory_space<vmem>>
        %dma_wait3A_118 = tpu.memref_squeeze %dma_wait3A_117 : memref<1x128xi32, #tpu.memory_space<vmem>> -> memref<128xi32, #tpu.memory_space<vmem>>
        %dma_wait3A_119 = arith.constant 0 : i32
        %dma_wait3A_120 = arith.constant 0 : i32
        %dma_wait3A_121 = tpu.memref_slice %arg2[%dma_wait3A_119, %dma_wait3A_120] : memref<10000x128xf32, #tpu.memory_space<hbm>> -> memref<10000x128xf32, #tpu.memory_space<hbm>>
        %dma_wait3A_122 = tpu.memref_slice %arg10[%rem3A_109] : memref<2x!tpu.dma_semaphore, #tpu.memory_space<semaphore_mem>> -> memref<1x!tpu.dma_semaphore, #tpu.memory_space<semaphore_mem>>
        %dma_wait3A_123 = tpu.memref_squeeze %dma_wait3A_122 : memref<1x!tpu.dma_semaphore, #tpu.memory_space<semaphore_mem>> -> memref<!tpu.dma_semaphore, #tpu.memory_space<semaphore_mem>>
        tpu.wait_indirect_dma semaphore(%dma_wait3A_123 : memref<!tpu.dma_semaphore, #tpu.memory_space<semaphore_mem>>) src(%dma_wait3A_121 : memref<10000x128xf32, #tpu.memory_space<hbm>>) dst(%dma_wait3A_115 : memref<128x128xf32, #tpu.memory_space<vmem>>)
        %sub3A_124 = arith.constant 1 : i32
        %sub3A_125 = arith.subi %scan3A_99, %sub3A_124 : i32
        %dma_start3A = arith.constant 0 : i32
        %dma_start3A_126 = arith.constant 0 : i32
        %dma_start3A_127 = tpu.memref_slice %arg8[%rem3A_109, %dma_start3A, %dma_start3A_126] : memref<2x128x128xf32, #tpu.memory_space<vmem>> -> memref<1x128x128xf32, #tpu.memory_space<vmem>>
        %dma_start3A_128 = tpu.memref_squeeze %dma_start3A_127 : memref<1x128x128xf32, #tpu.memory_space<vmem>> -> memref<128x128xf32, #tpu.memory_space<vmem>>
        %dma_start3A_129 = arith.constant 0 : i32
        %dma_start3A_130 = tpu.memref_slice %arg7[%sub3A_125, %dma_start3A_129] : memref<40x128xi32, #tpu.memory_space<vmem>> -> memref<1x128xi32, #tpu.memory_space<vmem>>
        %dma_start3A_131 = tpu.memref_squeeze %dma_start3A_130 : memref<1x128xi32, #tpu.memory_space<vmem>> -> memref<128xi32, #tpu.memory_space<vmem>>
        %dma_start3A_132 = arith.constant 0 : i32
        %dma_start3A_133 = arith.constant 0 : i32
        %dma_start3A_134 = tpu.memref_slice %arg9[%dma_start3A_132, %dma_start3A_133] : memref<10112x128xf32, #tpu.memory_space<vmem_shared>> -> memref<10112x128xf32, #tpu.memory_space<vmem_shared>>
        %dma_start3A_135 = tpu.memref_slice %arg11[%rem3A_109] : memref<2x!tpu.dma_semaphore, #tpu.memory_space<semaphore_mem>> -> memref<1x!tpu.dma_semaphore, #tpu.memory_space<semaphore_mem>>
        %dma_start3A_136 = tpu.memref_squeeze %dma_start3A_135 : memref<1x!tpu.dma_semaphore, #tpu.memory_space<semaphore_mem>> -> memref<!tpu.dma_semaphore, #tpu.memory_space<semaphore_mem>>
        tpu.enqueue_indirect_dma source(%dma_start3A_128 : memref<128x128xf32, #tpu.memory_space<vmem>>) target(%dma_start3A_134 : memref<10112x128xf32, #tpu.memory_space<vmem_shared>>) offsets(%dma_start3A_131 : memref<128xi32, #tpu.memory_space<vmem>>) semaphore(%dma_start3A_136 : memref<!tpu.dma_semaphore, #tpu.memory_space<semaphore_mem>>) {add = true}
      } else {
      }
    }
    %scan3A_18 = arith.constant 41 : i32
    %dma_wait3A = arith.constant 0 : i32
    %dma_wait3A_19 = arith.constant 0 : i32
    %dma_wait3A_20 = arith.constant 0 : i32
    %dma_wait3A_21 = arith.constant 0 : i32
    %dma_wait3A_22 = arith.constant 0 : i32
    %dma_wait3A_23 = tpu.memref_slice %arg8[%dma_wait3A, %dma_wait3A_21, %dma_wait3A_22] : memref<2x128x128xf32, #tpu.memory_space<vmem>> -> memref<1x128x128xf32, #tpu.memory_space<vmem>>
    %dma_wait3A_24 = tpu.memref_squeeze %dma_wait3A_23 : memref<1x128x128xf32, #tpu.memory_space<vmem>> -> memref<128x128xf32, #tpu.memory_space<vmem>>
    %dma_wait3A_25 = arith.constant 0 : i32
    %dma_wait3A_26 = tpu.memref_slice %arg7[%dma_wait3A_19, %dma_wait3A_25] : memref<40x128xi32, #tpu.memory_space<vmem>> -> memref<1x128xi32, #tpu.memory_space<vmem>>
    %dma_wait3A_27 = tpu.memref_squeeze %dma_wait3A_26 : memref<1x128xi32, #tpu.memory_space<vmem>> -> memref<128xi32, #tpu.memory_space<vmem>>
    %dma_wait3A_28 = arith.constant 0 : i32
    %dma_wait3A_29 = arith.constant 0 : i32
    %dma_wait3A_30 = tpu.memref_slice %arg9[%dma_wait3A_28, %dma_wait3A_29] : memref<10112x128xf32, #tpu.memory_space<vmem_shared>> -> memref<10112x128xf32, #tpu.memory_space<vmem_shared>>
    %dma_wait3A_31 = tpu.memref_slice %arg11[%dma_wait3A_20] : memref<2x!tpu.dma_semaphore, #tpu.memory_space<semaphore_mem>> -> memref<1x!tpu.dma_semaphore, #tpu.memory_space<semaphore_mem>>
    %dma_wait3A_32 = tpu.memref_squeeze %dma_wait3A_31 : memref<1x!tpu.dma_semaphore, #tpu.memory_space<semaphore_mem>> -> memref<!tpu.dma_semaphore, #tpu.memory_space<semaphore_mem>>
    tpu.wait_indirect_dma semaphore(%dma_wait3A_32 : memref<!tpu.dma_semaphore, #tpu.memory_space<semaphore_mem>>) src(%dma_wait3A_24 : memref<128x128xf32, #tpu.memory_space<vmem>>) dst(%dma_wait3A_30 : memref<10112x128xf32, #tpu.memory_space<vmem_shared>>)
    %dma_wait3A_33 = arith.constant 1 : i32
    %dma_wait3A_34 = arith.constant 0 : i32
    %dma_wait3A_35 = arith.constant 1 : i32
    %dma_wait3A_36 = arith.constant 0 : i32
    %dma_wait3A_37 = arith.constant 0 : i32
    %dma_wait3A_38 = tpu.memref_slice %arg8[%dma_wait3A_33, %dma_wait3A_36, %dma_wait3A_37] : memref<2x128x128xf32, #tpu.memory_space<vmem>> -> memref<1x128x128xf32, #tpu.memory_space<vmem>>
    %dma_wait3A_39 = tpu.memref_squeeze %dma_wait3A_38 : memref<1x128x128xf32, #tpu.memory_space<vmem>> -> memref<128x128xf32, #tpu.memory_space<vmem>>
    %dma_wait3A_40 = arith.constant 0 : i32
    %dma_wait3A_41 = tpu.memref_slice %arg7[%dma_wait3A_34, %dma_wait3A_40] : memref<40x128xi32, #tpu.memory_space<vmem>> -> memref<1x128xi32, #tpu.memory_space<vmem>>
    %dma_wait3A_42 = tpu.memref_squeeze %dma_wait3A_41 : memref<1x128xi32, #tpu.memory_space<vmem>> -> memref<128xi32, #tpu.memory_space<vmem>>
    %dma_wait3A_43 = arith.constant 0 : i32
    %dma_wait3A_44 = arith.constant 0 : i32
    %dma_wait3A_45 = tpu.memref_slice %arg9[%dma_wait3A_43, %dma_wait3A_44] : memref<10112x128xf32, #tpu.memory_space<vmem_shared>> -> memref<10112x128xf32, #tpu.memory_space<vmem_shared>>
    %dma_wait3A_46 = tpu.memref_slice %arg11[%dma_wait3A_35] : memref<2x!tpu.dma_semaphore, #tpu.memory_space<semaphore_mem>> -> memref<1x!tpu.dma_semaphore, #tpu.memory_space<semaphore_mem>>
    %dma_wait3A_47 = tpu.memref_squeeze %dma_wait3A_46 : memref<1x!tpu.dma_semaphore, #tpu.memory_space<semaphore_mem>> -> memref<!tpu.dma_semaphore, #tpu.memory_space<semaphore_mem>>
    tpu.wait_indirect_dma semaphore(%dma_wait3A_47 : memref<!tpu.dma_semaphore, #tpu.memory_space<semaphore_mem>>) src(%dma_wait3A_39 : memref<128x128xf32, #tpu.memory_space<vmem>>) dst(%dma_wait3A_45 : memref<10112x128xf32, #tpu.memory_space<vmem_shared>>)
    %mul3A_48 = arith.constant 80 : i32
    %mul3A_49 = arith.muli %add3A, %mul3A_48 : i32
    %add3A_50 = arith.constant 40 : i32
    %add3A_51 = arith.addi %mul3A_49, %add3A_50 : i32
    %run_scoped3A_52 = arith.constant 0 : i32
    "tpu.region"() ({
      %run_scoped3A_99 = tpu.sem_alloc : memref<!tpu.dma_semaphore, #tpu.memory_space<semaphore_mem>>
      %dma_start3A = arith.constant 0 : i32
      %dma_start3A_100 = tpu.memref_slice %arg3[%run_scoped3A_52, %add3A_51, %dma_start3A] : memref<2x2560x128xi32, #tpu.memory_space<hbm>> -> memref<1x40x128xi32, #tpu.memory_space<hbm>>
      %dma_start3A_101 = tpu.memref_squeeze %dma_start3A_100 : memref<1x40x128xi32, #tpu.memory_space<hbm>> -> memref<40x128xi32, #tpu.memory_space<hbm>>
      %dma_start3A_102 = arith.constant 0 : i32
      %dma_start3A_103 = tpu.memref_slice %arg3[%run_scoped3A_52, %add3A_51, %dma_start3A_102] : memref<2x2560x128xi32, #tpu.memory_space<hbm>> -> memref<1x40x128xi32, #tpu.memory_space<hbm>>
      %dma_start3A_104 = tpu.memref_squeeze %dma_start3A_103 : memref<1x40x128xi32, #tpu.memory_space<hbm>> -> memref<40x128xi32, #tpu.memory_space<hbm>>
      tpu.enqueue_dma source(%dma_start3A_104 : memref<40x128xi32, #tpu.memory_space<hbm>>) target(%arg6 : memref<40x128xi32, #tpu.memory_space<vmem>>) target_semaphore(%run_scoped3A_99 : memref<!tpu.dma_semaphore, #tpu.memory_space<semaphore_mem>>)
      %dma_wait3A_105 = arith.constant 0 : i32
      %dma_wait3A_106 = tpu.memref_slice %arg3[%run_scoped3A_52, %add3A_51, %dma_wait3A_105] : memref<2x2560x128xi32, #tpu.memory_space<hbm>> -> memref<1x40x128xi32, #tpu.memory_space<hbm>>
      %dma_wait3A_107 = tpu.memref_squeeze %dma_wait3A_106 : memref<1x40x128xi32, #tpu.memory_space<hbm>> -> memref<40x128xi32, #tpu.memory_space<hbm>>
      %dma_wait3A_108 = arith.constant 0 : i32
      %dma_wait3A_109 = tpu.memref_slice %arg3[%run_scoped3A_52, %add3A_51, %dma_wait3A_108] : memref<2x2560x128xi32, #tpu.memory_space<hbm>> -> memref<1x40x128xi32, #tpu.memory_space<hbm>>
      %dma_wait3A_110 = tpu.memref_squeeze %dma_wait3A_109 : memref<1x40x128xi32, #tpu.memory_space<hbm>> -> memref<40x128xi32, #tpu.memory_space<hbm>>
      tpu.wait_dma2 semaphore(%run_scoped3A_99 : memref<!tpu.dma_semaphore, #tpu.memory_space<semaphore_mem>>) src(%dma_wait3A_110 : memref<40x128xi32, #tpu.memory_space<hbm>>) dst(%arg6 : memref<40x128xi32, #tpu.memory_space<vmem>>)
      tpu.yield
    }) : () -> ()
    %mul3A_53 = arith.constant 80 : i32
    %mul3A_54 = arith.muli %add3A, %mul3A_53 : i32
    %add3A_55 = arith.constant 40 : i32
    %add3A_56 = arith.addi %mul3A_54, %add3A_55 : i32
    %run_scoped3A_57 = arith.constant 1 : i32
    "tpu.region"() ({
      %run_scoped3A_99 = tpu.sem_alloc : memref<!tpu.dma_semaphore, #tpu.memory_space<semaphore_mem>>
      %dma_start3A = arith.constant 0 : i32
      %dma_start3A_100 = tpu.memref_slice %arg3[%run_scoped3A_57, %add3A_56, %dma_start3A] : memref<2x2560x128xi32, #tpu.memory_space<hbm>> -> memref<1x40x128xi32, #tpu.memory_space<hbm>>
      %dma_start3A_101 = tpu.memref_squeeze %dma_start3A_100 : memref<1x40x128xi32, #tpu.memory_space<hbm>> -> memref<40x128xi32, #tpu.memory_space<hbm>>
      %dma_start3A_102 = arith.constant 0 : i32
      %dma_start3A_103 = tpu.memref_slice %arg3[%run_scoped3A_57, %add3A_56, %dma_start3A_102] : memref<2x2560x128xi32, #tpu.memory_space<hbm>> -> memref<1x40x128xi32, #tpu.memory_space<hbm>>
      %dma_start3A_104 = tpu.memref_squeeze %dma_start3A_103 : memref<1x40x128xi32, #tpu.memory_space<hbm>> -> memref<40x128xi32, #tpu.memory_space<hbm>>
      tpu.enqueue_dma source(%dma_start3A_104 : memref<40x128xi32, #tpu.memory_space<hbm>>) target(%arg7 : memref<40x128xi32, #tpu.memory_space<vmem>>) target_semaphore(%run_scoped3A_99 : memref<!tpu.dma_semaphore, #tpu.memory_space<semaphore_mem>>)
      %dma_wait3A_105 = arith.constant 0 : i32
      %dma_wait3A_106 = tpu.memref_slice %arg3[%run_scoped3A_57, %add3A_56, %dma_wait3A_105] : memref<2x2560x128xi32, #tpu.memory_space<hbm>> -> memref<1x40x128xi32, #tpu.memory_space<hbm>>
      %dma_wait3A_107 = tpu.memref_squeeze %dma_wait3A_106 : memref<1x40x128xi32, #tpu.memory_space<hbm>> -> memref<40x128xi32, #tpu.memory_space<hbm>>
      %dma_wait3A_108 = arith.constant 0 : i32
      %dma_wait3A_109 = tpu.memref_slice %arg3[%run_scoped3A_57, %add3A_56, %dma_wait3A_108] : memref<2x2560x128xi32, #tpu.memory_space<hbm>> -> memref<1x40x128xi32, #tpu.memory_space<hbm>>
      %dma_wait3A_110 = tpu.memref_squeeze %dma_wait3A_109 : memref<1x40x128xi32, #tpu.memory_space<hbm>> -> memref<40x128xi32, #tpu.memory_space<hbm>>
      tpu.wait_dma2 semaphore(%run_scoped3A_99 : memref<!tpu.dma_semaphore, #tpu.memory_space<semaphore_mem>>) src(%dma_wait3A_110 : memref<40x128xi32, #tpu.memory_space<hbm>>) dst(%arg7 : memref<40x128xi32, #tpu.memory_space<vmem>>)
      tpu.yield
    }) : () -> ()
    %scan3A_58 = arith.constant 0 : i32
    %scan3A_59 = arith.constant 0 : i32
    %scan3A_60 = arith.constant 41 : i32
    %scan3A_61 = arith.addi %scan3A_59, %scan3A_60 : i32
    %scan3A_62 = arith.constant 1 : i32
    scf.for %scan3A_99 = %scan3A_59 to %scan3A_61 step %scan3A_62  : i32 {
      %rem3A = arith.constant 2 : i32
      %rem3A_100 = arith.remsi %scan3A_99, %rem3A : i32
      %lt3A = arith.constant 40 : i32
      %lt3A_101 = arith.cmpi slt, %scan3A_99, %lt3A : i32
      %convert_element_type3A = arith.extui %lt3A_101 : i1 to i32
      %cond3A = arith.constant 0 : i32
      %cond3A_102 = arith.cmpi ne, %convert_element_type3A, %cond3A : i32
      scf.if %cond3A_102 {
        %ge3A_107 = arith.constant 2 : i32
        %ge3A_108 = arith.cmpi sge, %scan3A_99, %ge3A_107 : i32
        %convert_element_type3A_109 = arith.extui %ge3A_108 : i1 to i32
        %cond3A_110 = arith.constant 0 : i32
        %cond3A_111 = arith.cmpi ne, %convert_element_type3A_109, %cond3A_110 : i32
        scf.if %cond3A_111 {
          %sub3A = arith.constant 2 : i32
          %sub3A_123 = arith.subi %scan3A_99, %sub3A : i32
          %dma_wait3A_124 = arith.constant 0 : i32
          %dma_wait3A_125 = arith.constant 0 : i32
          %dma_wait3A_126 = tpu.memref_slice %arg8[%rem3A_100, %dma_wait3A_124, %dma_wait3A_125] : memref<2x128x128xf32, #tpu.memory_space<vmem>> -> memref<1x128x128xf32, #tpu.memory_space<vmem>>
          %dma_wait3A_127 = tpu.memref_squeeze %dma_wait3A_126 : memref<1x128x128xf32, #tpu.memory_space<vmem>> -> memref<128x128xf32, #tpu.memory_space<vmem>>
          %dma_wait3A_128 = arith.constant 0 : i32
          %dma_wait3A_129 = tpu.memref_slice %arg7[%sub3A_123, %dma_wait3A_128] : memref<40x128xi32, #tpu.memory_space<vmem>> -> memref<1x128xi32, #tpu.memory_space<vmem>>
          %dma_wait3A_130 = tpu.memref_squeeze %dma_wait3A_129 : memref<1x128xi32, #tpu.memory_space<vmem>> -> memref<128xi32, #tpu.memory_space<vmem>>
          %dma_wait3A_131 = arith.constant 0 : i32
          %dma_wait3A_132 = arith.constant 0 : i32
          %dma_wait3A_133 = tpu.memref_slice %arg9[%dma_wait3A_131, %dma_wait3A_132] : memref<10112x128xf32, #tpu.memory_space<vmem_shared>> -> memref<10112x128xf32, #tpu.memory_space<vmem_shared>>
          %dma_wait3A_134 = tpu.memref_slice %arg11[%rem3A_100] : memref<2x!tpu.dma_semaphore, #tpu.memory_space<semaphore_mem>> -> memref<1x!tpu.dma_semaphore, #tpu.memory_space<semaphore_mem>>
          %dma_wait3A_135 = tpu.memref_squeeze %dma_wait3A_134 : memref<1x!tpu.dma_semaphore, #tpu.memory_space<semaphore_mem>> -> memref<!tpu.dma_semaphore, #tpu.memory_space<semaphore_mem>>
          tpu.wait_indirect_dma semaphore(%dma_wait3A_135 : memref<!tpu.dma_semaphore, #tpu.memory_space<semaphore_mem>>) src(%dma_wait3A_127 : memref<128x128xf32, #tpu.memory_space<vmem>>) dst(%dma_wait3A_133 : memref<10112x128xf32, #tpu.memory_space<vmem_shared>>)
        } else {
        }
        %dma_start3A = arith.constant 0 : i32
        %dma_start3A_112 = arith.constant 0 : i32
        %dma_start3A_113 = tpu.memref_slice %arg8[%rem3A_100, %dma_start3A, %dma_start3A_112] : memref<2x128x128xf32, #tpu.memory_space<vmem>> -> memref<1x128x128xf32, #tpu.memory_space<vmem>>
        %dma_start3A_114 = tpu.memref_squeeze %dma_start3A_113 : memref<1x128x128xf32, #tpu.memory_space<vmem>> -> memref<128x128xf32, #tpu.memory_space<vmem>>
        %dma_start3A_115 = arith.constant 0 : i32
        %dma_start3A_116 = tpu.memref_slice %arg6[%scan3A_99, %dma_start3A_115] : memref<40x128xi32, #tpu.memory_space<vmem>> -> memref<1x128xi32, #tpu.memory_space<vmem>>
        %dma_start3A_117 = tpu.memref_squeeze %dma_start3A_116 : memref<1x128xi32, #tpu.memory_space<vmem>> -> memref<128xi32, #tpu.memory_space<vmem>>
        %dma_start3A_118 = arith.constant 0 : i32
        %dma_start3A_119 = arith.constant 0 : i32
        %dma_start3A_120 = tpu.memref_slice %arg2[%dma_start3A_118, %dma_start3A_119] : memref<10000x128xf32, #tpu.memory_space<hbm>> -> memref<10000x128xf32, #tpu.memory_space<hbm>>
        %dma_start3A_121 = tpu.memref_slice %arg10[%rem3A_100] : memref<2x!tpu.dma_semaphore, #tpu.memory_space<semaphore_mem>> -> memref<1x!tpu.dma_semaphore, #tpu.memory_space<semaphore_mem>>
        %dma_start3A_122 = tpu.memref_squeeze %dma_start3A_121 : memref<1x!tpu.dma_semaphore, #tpu.memory_space<semaphore_mem>> -> memref<!tpu.dma_semaphore, #tpu.memory_space<semaphore_mem>>
        tpu.enqueue_indirect_dma source(%dma_start3A_120 : memref<10000x128xf32, #tpu.memory_space<hbm>>) target(%dma_start3A_114 : memref<128x128xf32, #tpu.memory_space<vmem>>) offsets(%dma_start3A_117 : memref<128xi32, #tpu.memory_space<vmem>>) semaphore(%dma_start3A_122 : memref<!tpu.dma_semaphore, #tpu.memory_space<semaphore_mem>>)
      } else {
      }
      %ge3A = arith.constant 1 : i32
      %ge3A_103 = arith.cmpi sge, %scan3A_99, %ge3A : i32
      %convert_element_type3A_104 = arith.extui %ge3A_103 : i1 to i32
      %cond3A_105 = arith.constant 0 : i32
      %cond3A_106 = arith.cmpi ne, %convert_element_type3A_104, %cond3A_105 : i32
      scf.if %cond3A_106 {
        %sub3A = arith.constant 1 : i32
        %sub3A_107 = arith.subi %scan3A_99, %sub3A : i32
        %rem3A_108 = arith.constant 2 : i32
        %rem3A_109 = arith.remsi %sub3A_107, %rem3A_108 : i32
        %sub3A_110 = arith.constant 1 : i32
        %sub3A_111 = arith.subi %scan3A_99, %sub3A_110 : i32
        %dma_wait3A_112 = arith.constant 0 : i32
        %dma_wait3A_113 = arith.constant 0 : i32
        %dma_wait3A_114 = tpu.memref_slice %arg8[%rem3A_109, %dma_wait3A_112, %dma_wait3A_113] : memref<2x128x128xf32, #tpu.memory_space<vmem>> -> memref<1x128x128xf32, #tpu.memory_space<vmem>>
        %dma_wait3A_115 = tpu.memref_squeeze %dma_wait3A_114 : memref<1x128x128xf32, #tpu.memory_space<vmem>> -> memref<128x128xf32, #tpu.memory_space<vmem>>
        %dma_wait3A_116 = arith.constant 0 : i32
        %dma_wait3A_117 = tpu.memref_slice %arg6[%sub3A_111, %dma_wait3A_116] : memref<40x128xi32, #tpu.memory_space<vmem>> -> memref<1x128xi32, #tpu.memory_space<vmem>>
        %dma_wait3A_118 = tpu.memref_squeeze %dma_wait3A_117 : memref<1x128xi32, #tpu.memory_space<vmem>> -> memref<128xi32, #tpu.memory_space<vmem>>
        %dma_wait3A_119 = arith.constant 0 : i32
        %dma_wait3A_120 = arith.constant 0 : i32
        %dma_wait3A_121 = tpu.memref_slice %arg2[%dma_wait3A_119, %dma_wait3A_120] : memref<10000x128xf32, #tpu.memory_space<hbm>> -> memref<10000x128xf32, #tpu.memory_space<hbm>>
        %dma_wait3A_122 = tpu.memref_slice %arg10[%rem3A_109] : memref<2x!tpu.dma_semaphore, #tpu.memory_space<semaphore_mem>> -> memref<1x!tpu.dma_semaphore, #tpu.memory_space<semaphore_mem>>
        %dma_wait3A_123 = tpu.memref_squeeze %dma_wait3A_122 : memref<1x!tpu.dma_semaphore, #tpu.memory_space<semaphore_mem>> -> memref<!tpu.dma_semaphore, #tpu.memory_space<semaphore_mem>>
        tpu.wait_indirect_dma semaphore(%dma_wait3A_123 : memref<!tpu.dma_semaphore, #tpu.memory_space<semaphore_mem>>) src(%dma_wait3A_121 : memref<10000x128xf32, #tpu.memory_space<hbm>>) dst(%dma_wait3A_115 : memref<128x128xf32, #tpu.memory_space<vmem>>)
        %sub3A_124 = arith.constant 1 : i32
        %sub3A_125 = arith.subi %scan3A_99, %sub3A_124 : i32
        %dma_start3A = arith.constant 0 : i32
        %dma_start3A_126 = arith.constant 0 : i32
        %dma_start3A_127 = tpu.memref_slice %arg8[%rem3A_109, %dma_start3A, %dma_start3A_126] : memref<2x128x128xf32, #tpu.memory_space<vmem>> -> memref<1x128x128xf32, #tpu.memory_space<vmem>>
        %dma_start3A_128 = tpu.memref_squeeze %dma_start3A_127 : memref<1x128x128xf32, #tpu.memory_space<vmem>> -> memref<128x128xf32, #tpu.memory_space<vmem>>
        %dma_start3A_129 = arith.constant 0 : i32
        %dma_start3A_130 = tpu.memref_slice %arg7[%sub3A_125, %dma_start3A_129] : memref<40x128xi32, #tpu.memory_space<vmem>> -> memref<1x128xi32, #tpu.memory_space<vmem>>
        %dma_start3A_131 = tpu.memref_squeeze %dma_start3A_130 : memref<1x128xi32, #tpu.memory_space<vmem>> -> memref<128xi32, #tpu.memory_space<vmem>>
        %dma_start3A_132 = arith.constant 0 : i32
        %dma_start3A_133 = arith.constant 0 : i32
        %dma_start3A_134 = tpu.memref_slice %arg9[%dma_start3A_132, %dma_start3A_133] : memref<10112x128xf32, #tpu.memory_space<vmem_shared>> -> memref<10112x128xf32, #tpu.memory_space<vmem_shared>>
        %dma_start3A_135 = tpu.memref_slice %arg11[%rem3A_109] : memref<2x!tpu.dma_semaphore, #tpu.memory_space<semaphore_mem>> -> memref<1x!tpu.dma_semaphore, #tpu.memory_space<semaphore_mem>>
        %dma_start3A_136 = tpu.memref_squeeze %dma_start3A_135 : memref<1x!tpu.dma_semaphore, #tpu.memory_space<semaphore_mem>> -> memref<!tpu.dma_semaphore, #tpu.memory_space<semaphore_mem>>
        tpu.enqueue_indirect_dma source(%dma_start3A_128 : memref<128x128xf32, #tpu.memory_space<vmem>>) target(%dma_start3A_134 : memref<10112x128xf32, #tpu.memory_space<vmem_shared>>) offsets(%dma_start3A_131 : memref<128xi32, #tpu.memory_space<vmem>>) semaphore(%dma_start3A_136 : memref<!tpu.dma_semaphore, #tpu.memory_space<semaphore_mem>>) {add = true}
      } else {
      }
    }
    %scan3A_63 = arith.constant 41 : i32
    %dma_wait3A_64 = arith.constant 0 : i32
    %dma_wait3A_65 = arith.constant 0 : i32
    %dma_wait3A_66 = arith.constant 0 : i32
    %dma_wait3A_67 = arith.constant 0 : i32
    %dma_wait3A_68 = arith.constant 0 : i32
    %dma_wait3A_69 = tpu.memref_slice %arg8[%dma_wait3A_64, %dma_wait3A_67, %dma_wait3A_68] : memref<2x128x128xf32, #tpu.memory_space<vmem>> -> memref<1x128x128xf32, #tpu.memory_space<vmem>>
    %dma_wait3A_70 = tpu.memref_squeeze %dma_wait3A_69 : memref<1x128x128xf32, #tpu.memory_space<vmem>> -> memref<128x128xf32, #tpu.memory_space<vmem>>
    %dma_wait3A_71 = arith.constant 0 : i32
    %dma_wait3A_72 = tpu.memref_slice %arg7[%dma_wait3A_65, %dma_wait3A_71] : memref<40x128xi32, #tpu.memory_space<vmem>> -> memref<1x128xi32, #tpu.memory_space<vmem>>
    %dma_wait3A_73 = tpu.memref_squeeze %dma_wait3A_72 : memref<1x128xi32, #tpu.memory_space<vmem>> -> memref<128xi32, #tpu.memory_space<vmem>>
    %dma_wait3A_74 = arith.constant 0 : i32
    %dma_wait3A_75 = arith.constant 0 : i32
    %dma_wait3A_76 = tpu.memref_slice %arg9[%dma_wait3A_74, %dma_wait3A_75] : memref<10112x128xf32, #tpu.memory_space<vmem_shared>> -> memref<10112x128xf32, #tpu.memory_space<vmem_shared>>
    %dma_wait3A_77 = tpu.memref_slice %arg11[%dma_wait3A_66] : memref<2x!tpu.dma_semaphore, #tpu.memory_space<semaphore_mem>> -> memref<1x!tpu.dma_semaphore, #tpu.memory_space<semaphore_mem>>
    %dma_wait3A_78 = tpu.memref_squeeze %dma_wait3A_77 : memref<1x!tpu.dma_semaphore, #tpu.memory_space<semaphore_mem>> -> memref<!tpu.dma_semaphore, #tpu.memory_space<semaphore_mem>>
    tpu.wait_indirect_dma semaphore(%dma_wait3A_78 : memref<!tpu.dma_semaphore, #tpu.memory_space<semaphore_mem>>) src(%dma_wait3A_70 : memref<128x128xf32, #tpu.memory_space<vmem>>) dst(%dma_wait3A_76 : memref<10112x128xf32, #tpu.memory_space<vmem_shared>>)
    %dma_wait3A_79 = arith.constant 1 : i32
    %dma_wait3A_80 = arith.constant 0 : i32
    %dma_wait3A_81 = arith.constant 1 : i32
    %dma_wait3A_82 = arith.constant 0 : i32
    %dma_wait3A_83 = arith.constant 0 : i32
    %dma_wait3A_84 = tpu.memref_slice %arg8[%dma_wait3A_79, %dma_wait3A_82, %dma_wait3A_83] : memref<2x128x128xf32, #tpu.memory_space<vmem>> -> memref<1x128x128xf32, #tpu.memory_space<vmem>>
    %dma_wait3A_85 = tpu.memref_squeeze %dma_wait3A_84 : memref<1x128x128xf32, #tpu.memory_space<vmem>> -> memref<128x128xf32, #tpu.memory_space<vmem>>
    %dma_wait3A_86 = arith.constant 0 : i32
    %dma_wait3A_87 = tpu.memref_slice %arg7[%dma_wait3A_80, %dma_wait3A_86] : memref<40x128xi32, #tpu.memory_space<vmem>> -> memref<1x128xi32, #tpu.memory_space<vmem>>
    %dma_wait3A_88 = tpu.memref_squeeze %dma_wait3A_87 : memref<1x128xi32, #tpu.memory_space<vmem>> -> memref<128xi32, #tpu.memory_space<vmem>>
    %dma_wait3A_89 = arith.constant 0 : i32
    %dma_wait3A_90 = arith.constant 0 : i32
    %dma_wait3A_91 = tpu.memref_slice %arg9[%dma_wait3A_89, %dma_wait3A_90] : memref<10112x128xf32, #tpu.memory_space<vmem_shared>> -> memref<10112x128xf32, #tpu.memory_space<vmem_shared>>
    %dma_wait3A_92 = tpu.memref_slice %arg11[%dma_wait3A_81] : memref<2x!tpu.dma_semaphore, #tpu.memory_space<semaphore_mem>> -> memref<1x!tpu.dma_semaphore, #tpu.memory_space<semaphore_mem>>
    %dma_wait3A_93 = tpu.memref_squeeze %dma_wait3A_92 : memref<1x!tpu.dma_semaphore, #tpu.memory_space<semaphore_mem>> -> memref<!tpu.dma_semaphore, #tpu.memory_space<semaphore_mem>>
    tpu.wait_indirect_dma semaphore(%dma_wait3A_93 : memref<!tpu.dma_semaphore, #tpu.memory_space<semaphore_mem>>) src(%dma_wait3A_85 : memref<128x128xf32, #tpu.memory_space<vmem>>) dst(%dma_wait3A_91 : memref<10112x128xf32, #tpu.memory_space<vmem_shared>>)
    %barrier3A_94 = arith.constant 0 : index
    tpu.barrier barrier_id(%barrier3A_94)
    %mul3A_95 = arith.constant 632 : i32
    %mul3A_96 = arith.muli %arg1, %mul3A_95 : i32
    %mul3A_97 = arith.constant 632 : i32
    %mul3A_98 = arith.muli %arg1, %mul3A_97 : i32
    "tpu.region"() ({
      %run_scoped3A_99 = tpu.sem_alloc : memref<!tpu.dma_semaphore, #tpu.memory_space<semaphore_mem>>
      %dma_start3A = arith.constant 0 : i32
      %dma_start3A_100 = tpu.memref_slice %arg5[%arg0, %mul3A_98, %dma_start3A] : memref<2x10112x128xf32, #tpu.memory_space<hbm>> -> memref<1x632x128xf32, #tpu.memory_space<hbm>>
      %dma_start3A_101 = tpu.memref_squeeze %dma_start3A_100 : memref<1x632x128xf32, #tpu.memory_space<hbm>> -> memref<632x128xf32, #tpu.memory_space<hbm>>
      %dma_start3A_102 = arith.constant 0 : i32
      %dma_start3A_103 = tpu.memref_slice %arg9[%mul3A_96, %dma_start3A_102] : memref<10112x128xf32, #tpu.memory_space<vmem_shared>> -> memref<632x128xf32, #tpu.memory_space<vmem_shared>>
      tpu.enqueue_dma source(%dma_start3A_103 : memref<632x128xf32, #tpu.memory_space<vmem_shared>>) target(%dma_start3A_101 : memref<632x128xf32, #tpu.memory_space<hbm>>) target_semaphore(%run_scoped3A_99 : memref<!tpu.dma_semaphore, #tpu.memory_space<semaphore_mem>>)
      %dma_wait3A_104 = arith.constant 0 : i32
      %dma_wait3A_105 = tpu.memref_slice %arg5[%arg0, %mul3A_98, %dma_wait3A_104] : memref<2x10112x128xf32, #tpu.memory_space<hbm>> -> memref<1x632x128xf32, #tpu.memory_space<hbm>>
      %dma_wait3A_106 = tpu.memref_squeeze %dma_wait3A_105 : memref<1x632x128xf32, #tpu.memory_space<hbm>> -> memref<632x128xf32, #tpu.memory_space<hbm>>
      %dma_wait3A_107 = arith.constant 0 : i32
      %dma_wait3A_108 = tpu.memref_slice %arg9[%mul3A_96, %dma_wait3A_107] : memref<10112x128xf32, #tpu.memory_space<vmem_shared>> -> memref<632x128xf32, #tpu.memory_space<vmem_shared>>
      tpu.wait_dma2 semaphore(%run_scoped3A_99 : memref<!tpu.dma_semaphore, #tpu.memory_space<semaphore_mem>>) src(%dma_wait3A_108 : memref<632x128xf32, #tpu.memory_space<vmem_shared>>) dst(%dma_wait3A_106 : memref<632x128xf32, #tpu.memory_space<hbm>>)
      tpu.yield
    }) : () -> ()
    return
  }
}

#map = affine_map<(d0, d1) -> (0, 0)>
#map1 = affine_map<(d0, d1) -> (0, 0, 0)>
module attributes {stable_mosaic.version = 14 : i64} {
  func.func @_sc_segment_sum(%arg0: i32, %arg1: i32, %arg2: memref<10000x128xf32, #tpu.memory_space<hbm>>, %arg3: memref<2x2560x128xi32, #tpu.memory_space<hbm>>, %arg4: memref<10112x128xf32, #tpu.memory_space<hbm>>, %arg5: memref<2x10112x128xf32, #tpu.memory_space<hbm>>, %arg6: memref<40x128xi32, #tpu.memory_space<vmem>>, %arg7: memref<40x128xi32, #tpu.memory_space<vmem>>, %arg8: memref<2x128x128xf32, #tpu.memory_space<vmem>>, %arg9: memref<10112x128xf32, #tpu.memory_space<vmem_shared>>, %arg10: memref<2x!tpu.dma_semaphore, #tpu.memory_space<semaphore_mem>>, %arg11: memref<2x!tpu.dma_semaphore, #tpu.memory_space<semaphore_mem>>) attributes {dimension_semantics = [#tpu.dimension_semantics<core_parallel>, #tpu.dimension_semantics<subcore_parallel>], iteration_bounds = array<i64: 2, 16>, scalar_prefetch = 0 : i64, scratch_operands = 6 : i64, tpu.core_type = #tpu.core_type<sc_vector_subcore>, window_params = [{transform_indices = #map}, {transform_indices = #map1}, {transform_indices = #map}, {transform_indices = #map1}]} {
    %mul3A = arith.constant 16 : i32
    %mul3A_0 = arith.muli %arg0, %mul3A : i32
    %add3A = arith.addi %mul3A_0, %arg1 : i32
    %mul3A_1 = arith.constant 632 : i32
    %mul3A_2 = arith.muli %arg1, %mul3A_1 : i32
    %mul3A_3 = arith.constant 632 : i32
    %mul3A_4 = arith.muli %arg1, %mul3A_3 : i32
    "tpu.region"() ({
      %run_scoped3A_99 = tpu.sem_alloc : memref<!tpu.dma_semaphore, #tpu.memory_space<semaphore_mem>>
      %dma_start3A = arith.constant 0 : i32
      %dma_start3A_100 = tpu.memref_slice %arg9[%mul3A_4, %dma_start3A] : memref<10112x128xf32, #tpu.memory_space<vmem_shared>> -> memref<632x128xf32, #tpu.memory_space<vmem_shared>>
      %dma_start3A_101 = arith.constant 0 : i32
      %dma_start3A_102 = tpu.memref_slice %arg4[%mul3A_2, %dma_start3A_101] : memref<10112x128xf32, #tpu.memory_space<hbm>> -> memref<632x128xf32, #tpu.memory_space<hbm>>
      tpu.enqueue_dma source(%dma_start3A_102 : memref<632x128xf32, #tpu.memory_space<hbm>>) target(%dma_start3A_100 : memref<632x128xf32, #tpu.memory_space<vmem_shared>>) target_semaphore(%run_scoped3A_99 : memref<!tpu.dma_semaphore, #tpu.memory_space<semaphore_mem>>)
      %dma_wait3A_103 = arith.constant 0 : i32
      %dma_wait3A_104 = tpu.memref_slice %arg9[%mul3A_4, %dma_wait3A_103] : memref<10112x128xf32, #tpu.memory_space<vmem_shared>> -> memref<632x128xf32, #tpu.memory_space<vmem_shared>>
      %dma_wait3A_105 = arith.constant 0 : i32
      %dma_wait3A_106 = tpu.memref_slice %arg4[%mul3A_2, %dma_wait3A_105] : memref<10112x128xf32, #tpu.memory_space<hbm>> -> memref<632x128xf32, #tpu.memory_space<hbm>>
      tpu.wait_dma2 semaphore(%run_scoped3A_99 : memref<!tpu.dma_semaphore, #tpu.memory_space<semaphore_mem>>) src(%dma_wait3A_106 : memref<632x128xf32, #tpu.memory_space<hbm>>) dst(%dma_wait3A_104 : memref<632x128xf32, #tpu.memory_space<vmem_shared>>)
      tpu.yield
    }) : () -> ()
    %barrier3A = arith.constant 0 : index
    tpu.barrier barrier_id(%barrier3A)
    %mul3A_5 = arith.constant 80 : i32
    %mul3A_6 = arith.muli %add3A, %mul3A_5 : i32
    %add3A_7 = arith.constant 0 : i32
    %add3A_8 = arith.addi %mul3A_6, %add3A_7 : i32
    %run_scoped3A = arith.constant 0 : i32
    "tpu.region"() ({
      %run_scoped3A_99 = tpu.sem_alloc : memref<!tpu.dma_semaphore, #tpu.memory_space<semaphore_mem>>
      %dma_start3A = arith.constant 0 : i32
      %dma_start3A_100 = tpu.memref_slice %arg3[%run_scoped3A, %add3A_8, %dma_start3A] : memref<2x2560x128xi32, #tpu.memory_space<hbm>> -> memref<1x40x128xi32, #tpu.memory_space<hbm>>
      %dma_start3A_101 = tpu.memref_squeeze %dma_start3A_100 : memref<1x40x128xi32, #tpu.memory_space<hbm>> -> memref<40x128xi32, #tpu.memory_space<hbm>>
      %dma_start3A_102 = arith.constant 0 : i32
      %dma_start3A_103 = tpu.memref_slice %arg3[%run_scoped3A, %add3A_8, %dma_start3A_102] : memref<2x2560x128xi32, #tpu.memory_space<hbm>> -> memref<1x40x128xi32, #tpu.memory_space<hbm>>
      %dma_start3A_104 = tpu.memref_squeeze %dma_start3A_103 : memref<1x40x128xi32, #tpu.memory_space<hbm>> -> memref<40x128xi32, #tpu.memory_space<hbm>>
      tpu.enqueue_dma source(%dma_start3A_104 : memref<40x128xi32, #tpu.memory_space<hbm>>) target(%arg6 : memref<40x128xi32, #tpu.memory_space<vmem>>) target_semaphore(%run_scoped3A_99 : memref<!tpu.dma_semaphore, #tpu.memory_space<semaphore_mem>>)
      %dma_wait3A_105 = arith.constant 0 : i32
      %dma_wait3A_106 = tpu.memref_slice %arg3[%run_scoped3A, %add3A_8, %dma_wait3A_105] : memref<2x2560x128xi32, #tpu.memory_space<hbm>> -> memref<1x40x128xi32, #tpu.memory_space<hbm>>
      %dma_wait3A_107 = tpu.memref_squeeze %dma_wait3A_106 : memref<1x40x128xi32, #tpu.memory_space<hbm>> -> memref<40x128xi32, #tpu.memory_space<hbm>>
      %dma_wait3A_108 = arith.constant 0 : i32
      %dma_wait3A_109 = tpu.memref_slice %arg3[%run_scoped3A, %add3A_8, %dma_wait3A_108] : memref<2x2560x128xi32, #tpu.memory_space<hbm>> -> memref<1x40x128xi32, #tpu.memory_space<hbm>>
      %dma_wait3A_110 = tpu.memref_squeeze %dma_wait3A_109 : memref<1x40x128xi32, #tpu.memory_space<hbm>> -> memref<40x128xi32, #tpu.memory_space<hbm>>
      tpu.wait_dma2 semaphore(%run_scoped3A_99 : memref<!tpu.dma_semaphore, #tpu.memory_space<semaphore_mem>>) src(%dma_wait3A_110 : memref<40x128xi32, #tpu.memory_space<hbm>>) dst(%arg6 : memref<40x128xi32, #tpu.memory_space<vmem>>)
      tpu.yield
    }) : () -> ()
    %mul3A_9 = arith.constant 80 : i32
    %mul3A_10 = arith.muli %add3A, %mul3A_9 : i32
    %add3A_11 = arith.constant 0 : i32
    %add3A_12 = arith.addi %mul3A_10, %add3A_11 : i32
    %run_scoped3A_13 = arith.constant 1 : i32
    "tpu.region"() ({
      %run_scoped3A_99 = tpu.sem_alloc : memref<!tpu.dma_semaphore, #tpu.memory_space<semaphore_mem>>
      %dma_start3A = arith.constant 0 : i32
      %dma_start3A_100 = tpu.memref_slice %arg3[%run_scoped3A_13, %add3A_12, %dma_start3A] : memref<2x2560x128xi32, #tpu.memory_space<hbm>> -> memref<1x40x128xi32, #tpu.memory_space<hbm>>
      %dma_start3A_101 = tpu.memref_squeeze %dma_start3A_100 : memref<1x40x128xi32, #tpu.memory_space<hbm>> -> memref<40x128xi32, #tpu.memory_space<hbm>>
      %dma_start3A_102 = arith.constant 0 : i32
      %dma_start3A_103 = tpu.memref_slice %arg3[%run_scoped3A_13, %add3A_12, %dma_start3A_102] : memref<2x2560x128xi32, #tpu.memory_space<hbm>> -> memref<1x40x128xi32, #tpu.memory_space<hbm>>
      %dma_start3A_104 = tpu.memref_squeeze %dma_start3A_103 : memref<1x40x128xi32, #tpu.memory_space<hbm>> -> memref<40x128xi32, #tpu.memory_space<hbm>>
      tpu.enqueue_dma source(%dma_start3A_104 : memref<40x128xi32, #tpu.memory_space<hbm>>) target(%arg7 : memref<40x128xi32, #tpu.memory_space<vmem>>) target_semaphore(%run_scoped3A_99 : memref<!tpu.dma_semaphore, #tpu.memory_space<semaphore_mem>>)
      %dma_wait3A_105 = arith.constant 0 : i32
      %dma_wait3A_106 = tpu.memref_slice %arg3[%run_scoped3A_13, %add3A_12, %dma_wait3A_105] : memref<2x2560x128xi32, #tpu.memory_space<hbm>> -> memref<1x40x128xi32, #tpu.memory_space<hbm>>
      %dma_wait3A_107 = tpu.memref_squeeze %dma_wait3A_106 : memref<1x40x128xi32, #tpu.memory_space<hbm>> -> memref<40x128xi32, #tpu.memory_space<hbm>>
      %dma_wait3A_108 = arith.constant 0 : i32
      %dma_wait3A_109 = tpu.memref_slice %arg3[%run_scoped3A_13, %add3A_12, %dma_wait3A_108] : memref<2x2560x128xi32, #tpu.memory_space<hbm>> -> memref<1x40x128xi32, #tpu.memory_space<hbm>>
      %dma_wait3A_110 = tpu.memref_squeeze %dma_wait3A_109 : memref<1x40x128xi32, #tpu.memory_space<hbm>> -> memref<40x128xi32, #tpu.memory_space<hbm>>
      tpu.wait_dma2 semaphore(%run_scoped3A_99 : memref<!tpu.dma_semaphore, #tpu.memory_space<semaphore_mem>>) src(%dma_wait3A_110 : memref<40x128xi32, #tpu.memory_space<hbm>>) dst(%arg7 : memref<40x128xi32, #tpu.memory_space<vmem>>)
      tpu.yield
    }) : () -> ()
    %scan3A = arith.constant 0 : i32
    %scan3A_14 = arith.constant 0 : i32
    %scan3A_15 = arith.constant 41 : i32
    %scan3A_16 = arith.addi %scan3A_14, %scan3A_15 : i32
    %scan3A_17 = arith.constant 1 : i32
    scf.for %scan3A_99 = %scan3A_14 to %scan3A_16 step %scan3A_17  : i32 {
      %rem3A = arith.constant 2 : i32
      %rem3A_100 = arith.remsi %scan3A_99, %rem3A : i32
      %lt3A = arith.constant 40 : i32
      %lt3A_101 = arith.cmpi slt, %scan3A_99, %lt3A : i32
      %convert_element_type3A = arith.extui %lt3A_101 : i1 to i32
      %cond3A = arith.constant 0 : i32
      %cond3A_102 = arith.cmpi ne, %convert_element_type3A, %cond3A : i32
      scf.if %cond3A_102 {
        %ge3A_107 = arith.constant 2 : i32
        %ge3A_108 = arith.cmpi sge, %scan3A_99, %ge3A_107 : i32
        %convert_element_type3A_109 = arith.extui %ge3A_108 : i1 to i32
        %cond3A_110 = arith.constant 0 : i32
        %cond3A_111 = arith.cmpi ne, %convert_element_type3A_109, %cond3A_110 : i32
        scf.if %cond3A_111 {
          %sub3A = arith.constant 2 : i32
          %sub3A_123 = arith.subi %scan3A_99, %sub3A : i32
          %dma_wait3A_124 = arith.constant 0 : i32
          %dma_wait3A_125 = arith.constant 0 : i32
          %dma_wait3A_126 = tpu.memref_slice %arg8[%rem3A_100, %dma_wait3A_124, %dma_wait3A_125] : memref<2x128x128xf32, #tpu.memory_space<vmem>> -> memref<1x128x128xf32, #tpu.memory_space<vmem>>
          %dma_wait3A_127 = tpu.memref_squeeze %dma_wait3A_126 : memref<1x128x128xf32, #tpu.memory_space<vmem>> -> memref<128x128xf32, #tpu.memory_space<vmem>>
          %dma_wait3A_128 = arith.constant 0 : i32
          %dma_wait3A_129 = tpu.memref_slice %arg7[%sub3A_123, %dma_wait3A_128] : memref<40x128xi32, #tpu.memory_space<vmem>> -> memref<1x128xi32, #tpu.memory_space<vmem>>
          %dma_wait3A_130 = tpu.memref_squeeze %dma_wait3A_129 : memref<1x128xi32, #tpu.memory_space<vmem>> -> memref<128xi32, #tpu.memory_space<vmem>>
          %dma_wait3A_131 = arith.constant 0 : i32
          %dma_wait3A_132 = arith.constant 0 : i32
          %dma_wait3A_133 = tpu.memref_slice %arg9[%dma_wait3A_131, %dma_wait3A_132] : memref<10112x128xf32, #tpu.memory_space<vmem_shared>> -> memref<10112x128xf32, #tpu.memory_space<vmem_shared>>
          %dma_wait3A_134 = tpu.memref_slice %arg11[%rem3A_100] : memref<2x!tpu.dma_semaphore, #tpu.memory_space<semaphore_mem>> -> memref<1x!tpu.dma_semaphore, #tpu.memory_space<semaphore_mem>>
          %dma_wait3A_135 = tpu.memref_squeeze %dma_wait3A_134 : memref<1x!tpu.dma_semaphore, #tpu.memory_space<semaphore_mem>> -> memref<!tpu.dma_semaphore, #tpu.memory_space<semaphore_mem>>
          tpu.wait_indirect_dma semaphore(%dma_wait3A_135 : memref<!tpu.dma_semaphore, #tpu.memory_space<semaphore_mem>>) src(%dma_wait3A_127 : memref<128x128xf32, #tpu.memory_space<vmem>>) dst(%dma_wait3A_133 : memref<10112x128xf32, #tpu.memory_space<vmem_shared>>)
        } else {
        }
        %dma_start3A = arith.constant 0 : i32
        %dma_start3A_112 = arith.constant 0 : i32
        %dma_start3A_113 = tpu.memref_slice %arg8[%rem3A_100, %dma_start3A, %dma_start3A_112] : memref<2x128x128xf32, #tpu.memory_space<vmem>> -> memref<1x128x128xf32, #tpu.memory_space<vmem>>
        %dma_start3A_114 = tpu.memref_squeeze %dma_start3A_113 : memref<1x128x128xf32, #tpu.memory_space<vmem>> -> memref<128x128xf32, #tpu.memory_space<vmem>>
        %dma_start3A_115 = arith.constant 0 : i32
        %dma_start3A_116 = tpu.memref_slice %arg6[%scan3A_99, %dma_start3A_115] : memref<40x128xi32, #tpu.memory_space<vmem>> -> memref<1x128xi32, #tpu.memory_space<vmem>>
        %dma_start3A_117 = tpu.memref_squeeze %dma_start3A_116 : memref<1x128xi32, #tpu.memory_space<vmem>> -> memref<128xi32, #tpu.memory_space<vmem>>
        %dma_start3A_118 = arith.constant 0 : i32
        %dma_start3A_119 = arith.constant 0 : i32
        %dma_start3A_120 = tpu.memref_slice %arg2[%dma_start3A_118, %dma_start3A_119] : memref<10000x128xf32, #tpu.memory_space<hbm>> -> memref<10000x128xf32, #tpu.memory_space<hbm>>
        %dma_start3A_121 = tpu.memref_slice %arg10[%rem3A_100] : memref<2x!tpu.dma_semaphore, #tpu.memory_space<semaphore_mem>> -> memref<1x!tpu.dma_semaphore, #tpu.memory_space<semaphore_mem>>
        %dma_start3A_122 = tpu.memref_squeeze %dma_start3A_121 : memref<1x!tpu.dma_semaphore, #tpu.memory_space<semaphore_mem>> -> memref<!tpu.dma_semaphore, #tpu.memory_space<semaphore_mem>>
        tpu.enqueue_indirect_dma source(%dma_start3A_120 : memref<10000x128xf32, #tpu.memory_space<hbm>>) target(%dma_start3A_114 : memref<128x128xf32, #tpu.memory_space<vmem>>) offsets(%dma_start3A_117 : memref<128xi32, #tpu.memory_space<vmem>>) semaphore(%dma_start3A_122 : memref<!tpu.dma_semaphore, #tpu.memory_space<semaphore_mem>>)
      } else {
      }
      %ge3A = arith.constant 1 : i32
      %ge3A_103 = arith.cmpi sge, %scan3A_99, %ge3A : i32
      %convert_element_type3A_104 = arith.extui %ge3A_103 : i1 to i32
      %cond3A_105 = arith.constant 0 : i32
      %cond3A_106 = arith.cmpi ne, %convert_element_type3A_104, %cond3A_105 : i32
      scf.if %cond3A_106 {
        %sub3A = arith.constant 1 : i32
        %sub3A_107 = arith.subi %scan3A_99, %sub3A : i32
        %rem3A_108 = arith.constant 2 : i32
        %rem3A_109 = arith.remsi %sub3A_107, %rem3A_108 : i32
        %sub3A_110 = arith.constant 1 : i32
        %sub3A_111 = arith.subi %scan3A_99, %sub3A_110 : i32
        %dma_wait3A_112 = arith.constant 0 : i32
        %dma_wait3A_113 = arith.constant 0 : i32
        %dma_wait3A_114 = tpu.memref_slice %arg8[%rem3A_109, %dma_wait3A_112, %dma_wait3A_113] : memref<2x128x128xf32, #tpu.memory_space<vmem>> -> memref<1x128x128xf32, #tpu.memory_space<vmem>>
        %dma_wait3A_115 = tpu.memref_squeeze %dma_wait3A_114 : memref<1x128x128xf32, #tpu.memory_space<vmem>> -> memref<128x128xf32, #tpu.memory_space<vmem>>
        %dma_wait3A_116 = arith.constant 0 : i32
        %dma_wait3A_117 = tpu.memref_slice %arg6[%sub3A_111, %dma_wait3A_116] : memref<40x128xi32, #tpu.memory_space<vmem>> -> memref<1x128xi32, #tpu.memory_space<vmem>>
        %dma_wait3A_118 = tpu.memref_squeeze %dma_wait3A_117 : memref<1x128xi32, #tpu.memory_space<vmem>> -> memref<128xi32, #tpu.memory_space<vmem>>
        %dma_wait3A_119 = arith.constant 0 : i32
        %dma_wait3A_120 = arith.constant 0 : i32
        %dma_wait3A_121 = tpu.memref_slice %arg2[%dma_wait3A_119, %dma_wait3A_120] : memref<10000x128xf32, #tpu.memory_space<hbm>> -> memref<10000x128xf32, #tpu.memory_space<hbm>>
        %dma_wait3A_122 = tpu.memref_slice %arg10[%rem3A_109] : memref<2x!tpu.dma_semaphore, #tpu.memory_space<semaphore_mem>> -> memref<1x!tpu.dma_semaphore, #tpu.memory_space<semaphore_mem>>
        %dma_wait3A_123 = tpu.memref_squeeze %dma_wait3A_122 : memref<1x!tpu.dma_semaphore, #tpu.memory_space<semaphore_mem>> -> memref<!tpu.dma_semaphore, #tpu.memory_space<semaphore_mem>>
        tpu.wait_indirect_dma semaphore(%dma_wait3A_123 : memref<!tpu.dma_semaphore, #tpu.memory_space<semaphore_mem>>) src(%dma_wait3A_121 : memref<10000x128xf32, #tpu.memory_space<hbm>>) dst(%dma_wait3A_115 : memref<128x128xf32, #tpu.memory_space<vmem>>)
        %sub3A_124 = arith.constant 1 : i32
        %sub3A_125 = arith.subi %scan3A_99, %sub3A_124 : i32
        %dma_start3A = arith.constant 0 : i32
        %dma_start3A_126 = arith.constant 0 : i32
        %dma_start3A_127 = tpu.memref_slice %arg8[%rem3A_109, %dma_start3A, %dma_start3A_126] : memref<2x128x128xf32, #tpu.memory_space<vmem>> -> memref<1x128x128xf32, #tpu.memory_space<vmem>>
        %dma_start3A_128 = tpu.memref_squeeze %dma_start3A_127 : memref<1x128x128xf32, #tpu.memory_space<vmem>> -> memref<128x128xf32, #tpu.memory_space<vmem>>
        %dma_start3A_129 = arith.constant 0 : i32
        %dma_start3A_130 = tpu.memref_slice %arg7[%sub3A_125, %dma_start3A_129] : memref<40x128xi32, #tpu.memory_space<vmem>> -> memref<1x128xi32, #tpu.memory_space<vmem>>
        %dma_start3A_131 = tpu.memref_squeeze %dma_start3A_130 : memref<1x128xi32, #tpu.memory_space<vmem>> -> memref<128xi32, #tpu.memory_space<vmem>>
        %dma_start3A_132 = arith.constant 0 : i32
        %dma_start3A_133 = arith.constant 0 : i32
        %dma_start3A_134 = tpu.memref_slice %arg9[%dma_start3A_132, %dma_start3A_133] : memref<10112x128xf32, #tpu.memory_space<vmem_shared>> -> memref<10112x128xf32, #tpu.memory_space<vmem_shared>>
        %dma_start3A_135 = tpu.memref_slice %arg11[%rem3A_109] : memref<2x!tpu.dma_semaphore, #tpu.memory_space<semaphore_mem>> -> memref<1x!tpu.dma_semaphore, #tpu.memory_space<semaphore_mem>>
        %dma_start3A_136 = tpu.memref_squeeze %dma_start3A_135 : memref<1x!tpu.dma_semaphore, #tpu.memory_space<semaphore_mem>> -> memref<!tpu.dma_semaphore, #tpu.memory_space<semaphore_mem>>
        tpu.enqueue_indirect_dma source(%dma_start3A_128 : memref<128x128xf32, #tpu.memory_space<vmem>>) target(%dma_start3A_134 : memref<10112x128xf32, #tpu.memory_space<vmem_shared>>) offsets(%dma_start3A_131 : memref<128xi32, #tpu.memory_space<vmem>>) semaphore(%dma_start3A_136 : memref<!tpu.dma_semaphore, #tpu.memory_space<semaphore_mem>>) {add = true}
      } else {
      }
    }
    %scan3A_18 = arith.constant 41 : i32
    %dma_wait3A = arith.constant 0 : i32
    %dma_wait3A_19 = arith.constant 0 : i32
    %dma_wait3A_20 = arith.constant 0 : i32
    %dma_wait3A_21 = arith.constant 0 : i32
    %dma_wait3A_22 = arith.constant 0 : i32
    %dma_wait3A_23 = tpu.memref_slice %arg8[%dma_wait3A, %dma_wait3A_21, %dma_wait3A_22] : memref<2x128x128xf32, #tpu.memory_space<vmem>> -> memref<1x128x128xf32, #tpu.memory_space<vmem>>
    %dma_wait3A_24 = tpu.memref_squeeze %dma_wait3A_23 : memref<1x128x128xf32, #tpu.memory_space<vmem>> -> memref<128x128xf32, #tpu.memory_space<vmem>>
    %dma_wait3A_25 = arith.constant 0 : i32
    %dma_wait3A_26 = tpu.memref_slice %arg7[%dma_wait3A_19, %dma_wait3A_25] : memref<40x128xi32, #tpu.memory_space<vmem>> -> memref<1x128xi32, #tpu.memory_space<vmem>>
    %dma_wait3A_27 = tpu.memref_squeeze %dma_wait3A_26 : memref<1x128xi32, #tpu.memory_space<vmem>> -> memref<128xi32, #tpu.memory_space<vmem>>
    %dma_wait3A_28 = arith.constant 0 : i32
    %dma_wait3A_29 = arith.constant 0 : i32
    %dma_wait3A_30 = tpu.memref_slice %arg9[%dma_wait3A_28, %dma_wait3A_29] : memref<10112x128xf32, #tpu.memory_space<vmem_shared>> -> memref<10112x128xf32, #tpu.memory_space<vmem_shared>>
    %dma_wait3A_31 = tpu.memref_slice %arg11[%dma_wait3A_20] : memref<2x!tpu.dma_semaphore, #tpu.memory_space<semaphore_mem>> -> memref<1x!tpu.dma_semaphore, #tpu.memory_space<semaphore_mem>>
    %dma_wait3A_32 = tpu.memref_squeeze %dma_wait3A_31 : memref<1x!tpu.dma_semaphore, #tpu.memory_space<semaphore_mem>> -> memref<!tpu.dma_semaphore, #tpu.memory_space<semaphore_mem>>
    tpu.wait_indirect_dma semaphore(%dma_wait3A_32 : memref<!tpu.dma_semaphore, #tpu.memory_space<semaphore_mem>>) src(%dma_wait3A_24 : memref<128x128xf32, #tpu.memory_space<vmem>>) dst(%dma_wait3A_30 : memref<10112x128xf32, #tpu.memory_space<vmem_shared>>)
    %dma_wait3A_33 = arith.constant 1 : i32
    %dma_wait3A_34 = arith.constant 0 : i32
    %dma_wait3A_35 = arith.constant 1 : i32
    %dma_wait3A_36 = arith.constant 0 : i32
    %dma_wait3A_37 = arith.constant 0 : i32
    %dma_wait3A_38 = tpu.memref_slice %arg8[%dma_wait3A_33, %dma_wait3A_36, %dma_wait3A_37] : memref<2x128x128xf32, #tpu.memory_space<vmem>> -> memref<1x128x128xf32, #tpu.memory_space<vmem>>
    %dma_wait3A_39 = tpu.memref_squeeze %dma_wait3A_38 : memref<1x128x128xf32, #tpu.memory_space<vmem>> -> memref<128x128xf32, #tpu.memory_space<vmem>>
    %dma_wait3A_40 = arith.constant 0 : i32
    %dma_wait3A_41 = tpu.memref_slice %arg7[%dma_wait3A_34, %dma_wait3A_40] : memref<40x128xi32, #tpu.memory_space<vmem>> -> memref<1x128xi32, #tpu.memory_space<vmem>>
    %dma_wait3A_42 = tpu.memref_squeeze %dma_wait3A_41 : memref<1x128xi32, #tpu.memory_space<vmem>> -> memref<128xi32, #tpu.memory_space<vmem>>
    %dma_wait3A_43 = arith.constant 0 : i32
    %dma_wait3A_44 = arith.constant 0 : i32
    %dma_wait3A_45 = tpu.memref_slice %arg9[%dma_wait3A_43, %dma_wait3A_44] : memref<10112x128xf32, #tpu.memory_space<vmem_shared>> -> memref<10112x128xf32, #tpu.memory_space<vmem_shared>>
    %dma_wait3A_46 = tpu.memref_slice %arg11[%dma_wait3A_35] : memref<2x!tpu.dma_semaphore, #tpu.memory_space<semaphore_mem>> -> memref<1x!tpu.dma_semaphore, #tpu.memory_space<semaphore_mem>>
    %dma_wait3A_47 = tpu.memref_squeeze %dma_wait3A_46 : memref<1x!tpu.dma_semaphore, #tpu.memory_space<semaphore_mem>> -> memref<!tpu.dma_semaphore, #tpu.memory_space<semaphore_mem>>
    tpu.wait_indirect_dma semaphore(%dma_wait3A_47 : memref<!tpu.dma_semaphore, #tpu.memory_space<semaphore_mem>>) src(%dma_wait3A_39 : memref<128x128xf32, #tpu.memory_space<vmem>>) dst(%dma_wait3A_45 : memref<10112x128xf32, #tpu.memory_space<vmem_shared>>)
    %mul3A_48 = arith.constant 80 : i32
    %mul3A_49 = arith.muli %add3A, %mul3A_48 : i32
    %add3A_50 = arith.constant 40 : i32
    %add3A_51 = arith.addi %mul3A_49, %add3A_50 : i32
    %run_scoped3A_52 = arith.constant 0 : i32
    "tpu.region"() ({
      %run_scoped3A_99 = tpu.sem_alloc : memref<!tpu.dma_semaphore, #tpu.memory_space<semaphore_mem>>
      %dma_start3A = arith.constant 0 : i32
      %dma_start3A_100 = tpu.memref_slice %arg3[%run_scoped3A_52, %add3A_51, %dma_start3A] : memref<2x2560x128xi32, #tpu.memory_space<hbm>> -> memref<1x40x128xi32, #tpu.memory_space<hbm>>
      %dma_start3A_101 = tpu.memref_squeeze %dma_start3A_100 : memref<1x40x128xi32, #tpu.memory_space<hbm>> -> memref<40x128xi32, #tpu.memory_space<hbm>>
      %dma_start3A_102 = arith.constant 0 : i32
      %dma_start3A_103 = tpu.memref_slice %arg3[%run_scoped3A_52, %add3A_51, %dma_start3A_102] : memref<2x2560x128xi32, #tpu.memory_space<hbm>> -> memref<1x40x128xi32, #tpu.memory_space<hbm>>
      %dma_start3A_104 = tpu.memref_squeeze %dma_start3A_103 : memref<1x40x128xi32, #tpu.memory_space<hbm>> -> memref<40x128xi32, #tpu.memory_space<hbm>>
      tpu.enqueue_dma source(%dma_start3A_104 : memref<40x128xi32, #tpu.memory_space<hbm>>) target(%arg6 : memref<40x128xi32, #tpu.memory_space<vmem>>) target_semaphore(%run_scoped3A_99 : memref<!tpu.dma_semaphore, #tpu.memory_space<semaphore_mem>>)
      %dma_wait3A_105 = arith.constant 0 : i32
      %dma_wait3A_106 = tpu.memref_slice %arg3[%run_scoped3A_52, %add3A_51, %dma_wait3A_105] : memref<2x2560x128xi32, #tpu.memory_space<hbm>> -> memref<1x40x128xi32, #tpu.memory_space<hbm>>
      %dma_wait3A_107 = tpu.memref_squeeze %dma_wait3A_106 : memref<1x40x128xi32, #tpu.memory_space<hbm>> -> memref<40x128xi32, #tpu.memory_space<hbm>>
      %dma_wait3A_108 = arith.constant 0 : i32
      %dma_wait3A_109 = tpu.memref_slice %arg3[%run_scoped3A_52, %add3A_51, %dma_wait3A_108] : memref<2x2560x128xi32, #tpu.memory_space<hbm>> -> memref<1x40x128xi32, #tpu.memory_space<hbm>>
      %dma_wait3A_110 = tpu.memref_squeeze %dma_wait3A_109 : memref<1x40x128xi32, #tpu.memory_space<hbm>> -> memref<40x128xi32, #tpu.memory_space<hbm>>
      tpu.wait_dma2 semaphore(%run_scoped3A_99 : memref<!tpu.dma_semaphore, #tpu.memory_space<semaphore_mem>>) src(%dma_wait3A_110 : memref<40x128xi32, #tpu.memory_space<hbm>>) dst(%arg6 : memref<40x128xi32, #tpu.memory_space<vmem>>)
      tpu.yield
    }) : () -> ()
    %mul3A_53 = arith.constant 80 : i32
    %mul3A_54 = arith.muli %add3A, %mul3A_53 : i32
    %add3A_55 = arith.constant 40 : i32
    %add3A_56 = arith.addi %mul3A_54, %add3A_55 : i32
    %run_scoped3A_57 = arith.constant 1 : i32
    "tpu.region"() ({
      %run_scoped3A_99 = tpu.sem_alloc : memref<!tpu.dma_semaphore, #tpu.memory_space<semaphore_mem>>
      %dma_start3A = arith.constant 0 : i32
      %dma_start3A_100 = tpu.memref_slice %arg3[%run_scoped3A_57, %add3A_56, %dma_start3A] : memref<2x2560x128xi32, #tpu.memory_space<hbm>> -> memref<1x40x128xi32, #tpu.memory_space<hbm>>
      %dma_start3A_101 = tpu.memref_squeeze %dma_start3A_100 : memref<1x40x128xi32, #tpu.memory_space<hbm>> -> memref<40x128xi32, #tpu.memory_space<hbm>>
      %dma_start3A_102 = arith.constant 0 : i32
      %dma_start3A_103 = tpu.memref_slice %arg3[%run_scoped3A_57, %add3A_56, %dma_start3A_102] : memref<2x2560x128xi32, #tpu.memory_space<hbm>> -> memref<1x40x128xi32, #tpu.memory_space<hbm>>
      %dma_start3A_104 = tpu.memref_squeeze %dma_start3A_103 : memref<1x40x128xi32, #tpu.memory_space<hbm>> -> memref<40x128xi32, #tpu.memory_space<hbm>>
      tpu.enqueue_dma source(%dma_start3A_104 : memref<40x128xi32, #tpu.memory_space<hbm>>) target(%arg7 : memref<40x128xi32, #tpu.memory_space<vmem>>) target_semaphore(%run_scoped3A_99 : memref<!tpu.dma_semaphore, #tpu.memory_space<semaphore_mem>>)
      %dma_wait3A_105 = arith.constant 0 : i32
      %dma_wait3A_106 = tpu.memref_slice %arg3[%run_scoped3A_57, %add3A_56, %dma_wait3A_105] : memref<2x2560x128xi32, #tpu.memory_space<hbm>> -> memref<1x40x128xi32, #tpu.memory_space<hbm>>
      %dma_wait3A_107 = tpu.memref_squeeze %dma_wait3A_106 : memref<1x40x128xi32, #tpu.memory_space<hbm>> -> memref<40x128xi32, #tpu.memory_space<hbm>>
      %dma_wait3A_108 = arith.constant 0 : i32
      %dma_wait3A_109 = tpu.memref_slice %arg3[%run_scoped3A_57, %add3A_56, %dma_wait3A_108] : memref<2x2560x128xi32, #tpu.memory_space<hbm>> -> memref<1x40x128xi32, #tpu.memory_space<hbm>>
      %dma_wait3A_110 = tpu.memref_squeeze %dma_wait3A_109 : memref<1x40x128xi32, #tpu.memory_space<hbm>> -> memref<40x128xi32, #tpu.memory_space<hbm>>
      tpu.wait_dma2 semaphore(%run_scoped3A_99 : memref<!tpu.dma_semaphore, #tpu.memory_space<semaphore_mem>>) src(%dma_wait3A_110 : memref<40x128xi32, #tpu.memory_space<hbm>>) dst(%arg7 : memref<40x128xi32, #tpu.memory_space<vmem>>)
      tpu.yield
    }) : () -> ()
    %scan3A_58 = arith.constant 0 : i32
    %scan3A_59 = arith.constant 0 : i32
    %scan3A_60 = arith.constant 41 : i32
    %scan3A_61 = arith.addi %scan3A_59, %scan3A_60 : i32
    %scan3A_62 = arith.constant 1 : i32
    scf.for %scan3A_99 = %scan3A_59 to %scan3A_61 step %scan3A_62  : i32 {
      %rem3A = arith.constant 2 : i32
      %rem3A_100 = arith.remsi %scan3A_99, %rem3A : i32
      %lt3A = arith.constant 40 : i32
      %lt3A_101 = arith.cmpi slt, %scan3A_99, %lt3A : i32
      %convert_element_type3A = arith.extui %lt3A_101 : i1 to i32
      %cond3A = arith.constant 0 : i32
      %cond3A_102 = arith.cmpi ne, %convert_element_type3A, %cond3A : i32
      scf.if %cond3A_102 {
        %ge3A_107 = arith.constant 2 : i32
        %ge3A_108 = arith.cmpi sge, %scan3A_99, %ge3A_107 : i32
        %convert_element_type3A_109 = arith.extui %ge3A_108 : i1 to i32
        %cond3A_110 = arith.constant 0 : i32
        %cond3A_111 = arith.cmpi ne, %convert_element_type3A_109, %cond3A_110 : i32
        scf.if %cond3A_111 {
          %sub3A = arith.constant 2 : i32
          %sub3A_123 = arith.subi %scan3A_99, %sub3A : i32
          %dma_wait3A_124 = arith.constant 0 : i32
          %dma_wait3A_125 = arith.constant 0 : i32
          %dma_wait3A_126 = tpu.memref_slice %arg8[%rem3A_100, %dma_wait3A_124, %dma_wait3A_125] : memref<2x128x128xf32, #tpu.memory_space<vmem>> -> memref<1x128x128xf32, #tpu.memory_space<vmem>>
          %dma_wait3A_127 = tpu.memref_squeeze %dma_wait3A_126 : memref<1x128x128xf32, #tpu.memory_space<vmem>> -> memref<128x128xf32, #tpu.memory_space<vmem>>
          %dma_wait3A_128 = arith.constant 0 : i32
          %dma_wait3A_129 = tpu.memref_slice %arg7[%sub3A_123, %dma_wait3A_128] : memref<40x128xi32, #tpu.memory_space<vmem>> -> memref<1x128xi32, #tpu.memory_space<vmem>>
          %dma_wait3A_130 = tpu.memref_squeeze %dma_wait3A_129 : memref<1x128xi32, #tpu.memory_space<vmem>> -> memref<128xi32, #tpu.memory_space<vmem>>
          %dma_wait3A_131 = arith.constant 0 : i32
          %dma_wait3A_132 = arith.constant 0 : i32
          %dma_wait3A_133 = tpu.memref_slice %arg9[%dma_wait3A_131, %dma_wait3A_132] : memref<10112x128xf32, #tpu.memory_space<vmem_shared>> -> memref<10112x128xf32, #tpu.memory_space<vmem_shared>>
          %dma_wait3A_134 = tpu.memref_slice %arg11[%rem3A_100] : memref<2x!tpu.dma_semaphore, #tpu.memory_space<semaphore_mem>> -> memref<1x!tpu.dma_semaphore, #tpu.memory_space<semaphore_mem>>
          %dma_wait3A_135 = tpu.memref_squeeze %dma_wait3A_134 : memref<1x!tpu.dma_semaphore, #tpu.memory_space<semaphore_mem>> -> memref<!tpu.dma_semaphore, #tpu.memory_space<semaphore_mem>>
          tpu.wait_indirect_dma semaphore(%dma_wait3A_135 : memref<!tpu.dma_semaphore, #tpu.memory_space<semaphore_mem>>) src(%dma_wait3A_127 : memref<128x128xf32, #tpu.memory_space<vmem>>) dst(%dma_wait3A_133 : memref<10112x128xf32, #tpu.memory_space<vmem_shared>>)
        } else {
        }
        %dma_start3A = arith.constant 0 : i32
        %dma_start3A_112 = arith.constant 0 : i32
        %dma_start3A_113 = tpu.memref_slice %arg8[%rem3A_100, %dma_start3A, %dma_start3A_112] : memref<2x128x128xf32, #tpu.memory_space<vmem>> -> memref<1x128x128xf32, #tpu.memory_space<vmem>>
        %dma_start3A_114 = tpu.memref_squeeze %dma_start3A_113 : memref<1x128x128xf32, #tpu.memory_space<vmem>> -> memref<128x128xf32, #tpu.memory_space<vmem>>
        %dma_start3A_115 = arith.constant 0 : i32
        %dma_start3A_116 = tpu.memref_slice %arg6[%scan3A_99, %dma_start3A_115] : memref<40x128xi32, #tpu.memory_space<vmem>> -> memref<1x128xi32, #tpu.memory_space<vmem>>
        %dma_start3A_117 = tpu.memref_squeeze %dma_start3A_116 : memref<1x128xi32, #tpu.memory_space<vmem>> -> memref<128xi32, #tpu.memory_space<vmem>>
        %dma_start3A_118 = arith.constant 0 : i32
        %dma_start3A_119 = arith.constant 0 : i32
        %dma_start3A_120 = tpu.memref_slice %arg2[%dma_start3A_118, %dma_start3A_119] : memref<10000x128xf32, #tpu.memory_space<hbm>> -> memref<10000x128xf32, #tpu.memory_space<hbm>>
        %dma_start3A_121 = tpu.memref_slice %arg10[%rem3A_100] : memref<2x!tpu.dma_semaphore, #tpu.memory_space<semaphore_mem>> -> memref<1x!tpu.dma_semaphore, #tpu.memory_space<semaphore_mem>>
        %dma_start3A_122 = tpu.memref_squeeze %dma_start3A_121 : memref<1x!tpu.dma_semaphore, #tpu.memory_space<semaphore_mem>> -> memref<!tpu.dma_semaphore, #tpu.memory_space<semaphore_mem>>
        tpu.enqueue_indirect_dma source(%dma_start3A_120 : memref<10000x128xf32, #tpu.memory_space<hbm>>) target(%dma_start3A_114 : memref<128x128xf32, #tpu.memory_space<vmem>>) offsets(%dma_start3A_117 : memref<128xi32, #tpu.memory_space<vmem>>) semaphore(%dma_start3A_122 : memref<!tpu.dma_semaphore, #tpu.memory_space<semaphore_mem>>)
      } else {
      }
      %ge3A = arith.constant 1 : i32
      %ge3A_103 = arith.cmpi sge, %scan3A_99, %ge3A : i32
      %convert_element_type3A_104 = arith.extui %ge3A_103 : i1 to i32
      %cond3A_105 = arith.constant 0 : i32
      %cond3A_106 = arith.cmpi ne, %convert_element_type3A_104, %cond3A_105 : i32
      scf.if %cond3A_106 {
        %sub3A = arith.constant 1 : i32
        %sub3A_107 = arith.subi %scan3A_99, %sub3A : i32
        %rem3A_108 = arith.constant 2 : i32
        %rem3A_109 = arith.remsi %sub3A_107, %rem3A_108 : i32
        %sub3A_110 = arith.constant 1 : i32
        %sub3A_111 = arith.subi %scan3A_99, %sub3A_110 : i32
        %dma_wait3A_112 = arith.constant 0 : i32
        %dma_wait3A_113 = arith.constant 0 : i32
        %dma_wait3A_114 = tpu.memref_slice %arg8[%rem3A_109, %dma_wait3A_112, %dma_wait3A_113] : memref<2x128x128xf32, #tpu.memory_space<vmem>> -> memref<1x128x128xf32, #tpu.memory_space<vmem>>
        %dma_wait3A_115 = tpu.memref_squeeze %dma_wait3A_114 : memref<1x128x128xf32, #tpu.memory_space<vmem>> -> memref<128x128xf32, #tpu.memory_space<vmem>>
        %dma_wait3A_116 = arith.constant 0 : i32
        %dma_wait3A_117 = tpu.memref_slice %arg6[%sub3A_111, %dma_wait3A_116] : memref<40x128xi32, #tpu.memory_space<vmem>> -> memref<1x128xi32, #tpu.memory_space<vmem>>
        %dma_wait3A_118 = tpu.memref_squeeze %dma_wait3A_117 : memref<1x128xi32, #tpu.memory_space<vmem>> -> memref<128xi32, #tpu.memory_space<vmem>>
        %dma_wait3A_119 = arith.constant 0 : i32
        %dma_wait3A_120 = arith.constant 0 : i32
        %dma_wait3A_121 = tpu.memref_slice %arg2[%dma_wait3A_119, %dma_wait3A_120] : memref<10000x128xf32, #tpu.memory_space<hbm>> -> memref<10000x128xf32, #tpu.memory_space<hbm>>
        %dma_wait3A_122 = tpu.memref_slice %arg10[%rem3A_109] : memref<2x!tpu.dma_semaphore, #tpu.memory_space<semaphore_mem>> -> memref<1x!tpu.dma_semaphore, #tpu.memory_space<semaphore_mem>>
        %dma_wait3A_123 = tpu.memref_squeeze %dma_wait3A_122 : memref<1x!tpu.dma_semaphore, #tpu.memory_space<semaphore_mem>> -> memref<!tpu.dma_semaphore, #tpu.memory_space<semaphore_mem>>
        tpu.wait_indirect_dma semaphore(%dma_wait3A_123 : memref<!tpu.dma_semaphore, #tpu.memory_space<semaphore_mem>>) src(%dma_wait3A_121 : memref<10000x128xf32, #tpu.memory_space<hbm>>) dst(%dma_wait3A_115 : memref<128x128xf32, #tpu.memory_space<vmem>>)
        %sub3A_124 = arith.constant 1 : i32
        %sub3A_125 = arith.subi %scan3A_99, %sub3A_124 : i32
        %dma_start3A = arith.constant 0 : i32
        %dma_start3A_126 = arith.constant 0 : i32
        %dma_start3A_127 = tpu.memref_slice %arg8[%rem3A_109, %dma_start3A, %dma_start3A_126] : memref<2x128x128xf32, #tpu.memory_space<vmem>> -> memref<1x128x128xf32, #tpu.memory_space<vmem>>
        %dma_start3A_128 = tpu.memref_squeeze %dma_start3A_127 : memref<1x128x128xf32, #tpu.memory_space<vmem>> -> memref<128x128xf32, #tpu.memory_space<vmem>>
        %dma_start3A_129 = arith.constant 0 : i32
        %dma_start3A_130 = tpu.memref_slice %arg7[%sub3A_125, %dma_start3A_129] : memref<40x128xi32, #tpu.memory_space<vmem>> -> memref<1x128xi32, #tpu.memory_space<vmem>>
        %dma_start3A_131 = tpu.memref_squeeze %dma_start3A_130 : memref<1x128xi32, #tpu.memory_space<vmem>> -> memref<128xi32, #tpu.memory_space<vmem>>
        %dma_start3A_132 = arith.constant 0 : i32
        %dma_start3A_133 = arith.constant 0 : i32
        %dma_start3A_134 = tpu.memref_slice %arg9[%dma_start3A_132, %dma_start3A_133] : memref<10112x128xf32, #tpu.memory_space<vmem_shared>> -> memref<10112x128xf32, #tpu.memory_space<vmem_shared>>
        %dma_start3A_135 = tpu.memref_slice %arg11[%rem3A_109] : memref<2x!tpu.dma_semaphore, #tpu.memory_space<semaphore_mem>> -> memref<1x!tpu.dma_semaphore, #tpu.memory_space<semaphore_mem>>
        %dma_start3A_136 = tpu.memref_squeeze %dma_start3A_135 : memref<1x!tpu.dma_semaphore, #tpu.memory_space<semaphore_mem>> -> memref<!tpu.dma_semaphore, #tpu.memory_space<semaphore_mem>>
        tpu.enqueue_indirect_dma source(%dma_start3A_128 : memref<128x128xf32, #tpu.memory_space<vmem>>) target(%dma_start3A_134 : memref<10112x128xf32, #tpu.memory_space<vmem_shared>>) offsets(%dma_start3A_131 : memref<128xi32, #tpu.memory_space<vmem>>) semaphore(%dma_start3A_136 : memref<!tpu.dma_semaphore, #tpu.memory_space<semaphore_mem>>) {add = true}
      } else {
      }
    }
    %scan3A_63 = arith.constant 41 : i32
    %dma_wait3A_64 = arith.constant 0 : i32
    %dma_wait3A_65 = arith.constant 0 : i32
    %dma_wait3A_66 = arith.constant 0 : i32
    %dma_wait3A_67 = arith.constant 0 : i32
    %dma_wait3A_68 = arith.constant 0 : i32
    %dma_wait3A_69 = tpu.memref_slice %arg8[%dma_wait3A_64, %dma_wait3A_67, %dma_wait3A_68] : memref<2x128x128xf32, #tpu.memory_space<vmem>> -> memref<1x128x128xf32, #tpu.memory_space<vmem>>
    %dma_wait3A_70 = tpu.memref_squeeze %dma_wait3A_69 : memref<1x128x128xf32, #tpu.memory_space<vmem>> -> memref<128x128xf32, #tpu.memory_space<vmem>>
    %dma_wait3A_71 = arith.constant 0 : i32
    %dma_wait3A_72 = tpu.memref_slice %arg7[%dma_wait3A_65, %dma_wait3A_71] : memref<40x128xi32, #tpu.memory_space<vmem>> -> memref<1x128xi32, #tpu.memory_space<vmem>>
    %dma_wait3A_73 = tpu.memref_squeeze %dma_wait3A_72 : memref<1x128xi32, #tpu.memory_space<vmem>> -> memref<128xi32, #tpu.memory_space<vmem>>
    %dma_wait3A_74 = arith.constant 0 : i32
    %dma_wait3A_75 = arith.constant 0 : i32
    %dma_wait3A_76 = tpu.memref_slice %arg9[%dma_wait3A_74, %dma_wait3A_75] : memref<10112x128xf32, #tpu.memory_space<vmem_shared>> -> memref<10112x128xf32, #tpu.memory_space<vmem_shared>>
    %dma_wait3A_77 = tpu.memref_slice %arg11[%dma_wait3A_66] : memref<2x!tpu.dma_semaphore, #tpu.memory_space<semaphore_mem>> -> memref<1x!tpu.dma_semaphore, #tpu.memory_space<semaphore_mem>>
    %dma_wait3A_78 = tpu.memref_squeeze %dma_wait3A_77 : memref<1x!tpu.dma_semaphore, #tpu.memory_space<semaphore_mem>> -> memref<!tpu.dma_semaphore, #tpu.memory_space<semaphore_mem>>
    tpu.wait_indirect_dma semaphore(%dma_wait3A_78 : memref<!tpu.dma_semaphore, #tpu.memory_space<semaphore_mem>>) src(%dma_wait3A_70 : memref<128x128xf32, #tpu.memory_space<vmem>>) dst(%dma_wait3A_76 : memref<10112x128xf32, #tpu.memory_space<vmem_shared>>)
    %dma_wait3A_79 = arith.constant 1 : i32
    %dma_wait3A_80 = arith.constant 0 : i32
    %dma_wait3A_81 = arith.constant 1 : i32
    %dma_wait3A_82 = arith.constant 0 : i32
    %dma_wait3A_83 = arith.constant 0 : i32
    %dma_wait3A_84 = tpu.memref_slice %arg8[%dma_wait3A_79, %dma_wait3A_82, %dma_wait3A_83] : memref<2x128x128xf32, #tpu.memory_space<vmem>> -> memref<1x128x128xf32, #tpu.memory_space<vmem>>
    %dma_wait3A_85 = tpu.memref_squeeze %dma_wait3A_84 : memref<1x128x128xf32, #tpu.memory_space<vmem>> -> memref<128x128xf32, #tpu.memory_space<vmem>>
    %dma_wait3A_86 = arith.constant 0 : i32
    %dma_wait3A_87 = tpu.memref_slice %arg7[%dma_wait3A_80, %dma_wait3A_86] : memref<40x128xi32, #tpu.memory_space<vmem>> -> memref<1x128xi32, #tpu.memory_space<vmem>>
    %dma_wait3A_88 = tpu.memref_squeeze %dma_wait3A_87 : memref<1x128xi32, #tpu.memory_space<vmem>> -> memref<128xi32, #tpu.memory_space<vmem>>
    %dma_wait3A_89 = arith.constant 0 : i32
    %dma_wait3A_90 = arith.constant 0 : i32
    %dma_wait3A_91 = tpu.memref_slice %arg9[%dma_wait3A_89, %dma_wait3A_90] : memref<10112x128xf32, #tpu.memory_space<vmem_shared>> -> memref<10112x128xf32, #tpu.memory_space<vmem_shared>>
    %dma_wait3A_92 = tpu.memref_slice %arg11[%dma_wait3A_81] : memref<2x!tpu.dma_semaphore, #tpu.memory_space<semaphore_mem>> -> memref<1x!tpu.dma_semaphore, #tpu.memory_space<semaphore_mem>>
    %dma_wait3A_93 = tpu.memref_squeeze %dma_wait3A_92 : memref<1x!tpu.dma_semaphore, #tpu.memory_space<semaphore_mem>> -> memref<!tpu.dma_semaphore, #tpu.memory_space<semaphore_mem>>
    tpu.wait_indirect_dma semaphore(%dma_wait3A_93 : memref<!tpu.dma_semaphore, #tpu.memory_space<semaphore_mem>>) src(%dma_wait3A_85 : memref<128x128xf32, #tpu.memory_space<vmem>>) dst(%dma_wait3A_91 : memref<10112x128xf32, #tpu.memory_space<vmem_shared>>)
    %barrier3A_94 = arith.constant 0 : index
    tpu.barrier barrier_id(%barrier3A_94)
    %mul3A_95 = arith.constant 632 : i32
    %mul3A_96 = arith.muli %arg1, %mul3A_95 : i32
    %mul3A_97 = arith.constant 632 : i32
    %mul3A_98 = arith.muli %arg1, %mul3A_97 : i32
    "tpu.region"() ({
      %run_scoped3A_99 = tpu.sem_alloc : memref<!tpu.dma_semaphore, #tpu.memory_space<semaphore_mem>>
      %dma_start3A = arith.constant 0 : i32
      %dma_start3A_100 = tpu.memref_slice %arg5[%arg0, %mul3A_98, %dma_start3A] : memref<2x10112x128xf32, #tpu.memory_space<hbm>> -> memref<1x632x128xf32, #tpu.memory_space<hbm>>
      %dma_start3A_101 = tpu.memref_squeeze %dma_start3A_100 : memref<1x632x128xf32, #tpu.memory_space<hbm>> -> memref<632x128xf32, #tpu.memory_space<hbm>>
      %dma_start3A_102 = arith.constant 0 : i32
      %dma_start3A_103 = tpu.memref_slice %arg9[%mul3A_96, %dma_start3A_102] : memref<10112x128xf32, #tpu.memory_space<vmem_shared>> -> memref<632x128xf32, #tpu.memory_space<vmem_shared>>
      tpu.enqueue_dma source(%dma_start3A_103 : memref<632x128xf32, #tpu.memory_space<vmem_shared>>) target(%dma_start3A_101 : memref<632x128xf32, #tpu.memory_space<hbm>>) target_semaphore(%run_scoped3A_99 : memref<!tpu.dma_semaphore, #tpu.memory_space<semaphore_mem>>)
      %dma_wait3A_104 = arith.constant 0 : i32
      %dma_wait3A_105 = tpu.memref_slice %arg5[%arg0, %mul3A_98, %dma_wait3A_104] : memref<2x10112x128xf32, #tpu.memory_space<hbm>> -> memref<1x632x128xf32, #tpu.memory_space<hbm>>
      %dma_wait3A_106 = tpu.memref_squeeze %dma_wait3A_105 : memref<1x632x128xf32, #tpu.memory_space<hbm>> -> memref<632x128xf32, #tpu.memory_space<hbm>>
      %dma_wait3A_107 = arith.constant 0 : i32
      %dma_wait3A_108 = tpu.memref_slice %arg9[%mul3A_96, %dma_wait3A_107] : memref<10112x128xf32, #tpu.memory_space<vmem_shared>> -> memref<632x128xf32, #tpu.memory_space<vmem_shared>>
      tpu.wait_dma2 semaphore(%run_scoped3A_99 : memref<!tpu.dma_semaphore, #tpu.memory_space<semaphore_mem>>) src(%dma_wait3A_108 : memref<632x128xf32, #tpu.memory_space<vmem_shared>>) dst(%dma_wait3A_106 : memref<632x128xf32, #tpu.memory_space<hbm>>)
      tpu.yield
    }) : () -> ()
    return
  }
}

#map = affine_map<(d0, d1) -> (0, 0)>
#map1 = affine_map<(d0, d1) -> (0)>
module attributes {stable_mosaic.version = 14 : i64} {
  func.func @_sc_gather(%arg0: i32, %arg1: i32, %arg2: memref<20224x128xf32, #tpu.memory_space<hbm>>, %arg3: memref<500x128xf32, #tpu.memory_space<hbm>>, %arg4: memref<365x128xf32, #tpu.memory_space<hbm>>, %arg5: memref<4096xi32, #tpu.memory_space<hbm>>, %arg6: memref<4096xi32, #tpu.memory_space<hbm>>, %arg7: memref<4096xi32, #tpu.memory_space<hbm>>, %arg8: memref<4096xi32, #tpu.memory_space<hbm>>, %arg9: memref<4096xi32, #tpu.memory_space<hbm>>, %arg10: memref<4096xi32, #tpu.memory_space<hbm>>, %arg11: memref<4096x128xf32, #tpu.memory_space<hbm>>, %arg12: memref<4096x128xf32, #tpu.memory_space<hbm>>, %arg13: memref<4096x128xf32, #tpu.memory_space<hbm>>, %arg14: memref<4096x128xf32, #tpu.memory_space<hbm>>, %arg15: memref<6x128xi32, #tpu.memory_space<vmem>>, %arg16: memref<2x128x128xf32, #tpu.memory_space<vmem>>, %arg17: memref<6x!tpu.dma_semaphore, #tpu.memory_space<semaphore_mem>>, %arg18: memref<2x!tpu.dma_semaphore, #tpu.memory_space<semaphore_mem>>, %arg19: memref<2x!tpu.dma_semaphore, #tpu.memory_space<semaphore_mem>>) attributes {dimension_semantics = [#tpu.dimension_semantics<core_parallel>, #tpu.dimension_semantics<subcore_parallel>], iteration_bounds = array<i64: 2, 16>, scalar_prefetch = 0 : i64, scratch_operands = 5 : i64, tpu.core_type = #tpu.core_type<sc_vector_subcore>, window_params = [{transform_indices = #map}, {transform_indices = #map}, {transform_indices = #map}, {transform_indices = #map1}, {transform_indices = #map1}, {transform_indices = #map1}, {transform_indices = #map1}, {transform_indices = #map1}, {transform_indices = #map1}, {transform_indices = #map}, {transform_indices = #map}, {transform_indices = #map}, {transform_indices = #map}]} {
    %mul3A = arith.constant 16 : i32
    %mul3A_0 = arith.muli %arg0, %mul3A : i32
    %add3A = arith.addi %mul3A_0, %arg1 : i32
    %mul3A_1 = arith.constant 128 : i32
    %mul3A_2 = arith.muli %add3A, %mul3A_1 : i32
    %dma_start3A = arith.constant 0 : i32
    %dma_start3A_3 = arith.constant 0 : i32
    %dma_start3A_4 = arith.constant 0 : i32
    %dma_start3A_5 = tpu.memref_slice %arg15[%dma_start3A, %dma_start3A_4] : memref<6x128xi32, #tpu.memory_space<vmem>> -> memref<1x128xi32, #tpu.memory_space<vmem>>
    %dma_start3A_6 = tpu.memref_squeeze %dma_start3A_5 : memref<1x128xi32, #tpu.memory_space<vmem>> -> memref<128xi32, #tpu.memory_space<vmem>>
    %dma_start3A_7 = tpu.memref_slice %arg5[%mul3A_2] : memref<4096xi32, #tpu.memory_space<hbm>> -> memref<128xi32, #tpu.memory_space<hbm>>
    %dma_start3A_8 = tpu.memref_slice %arg17[%dma_start3A_3] : memref<6x!tpu.dma_semaphore, #tpu.memory_space<semaphore_mem>> -> memref<1x!tpu.dma_semaphore, #tpu.memory_space<semaphore_mem>>
    %dma_start3A_9 = tpu.memref_squeeze %dma_start3A_8 : memref<1x!tpu.dma_semaphore, #tpu.memory_space<semaphore_mem>> -> memref<!tpu.dma_semaphore, #tpu.memory_space<semaphore_mem>>
    %dma_start3A_10 = arith.constant 0 : i32
    %dma_start3A_11 = tpu.memref_slice %arg15[%dma_start3A, %dma_start3A_10] : memref<6x128xi32, #tpu.memory_space<vmem>> -> memref<1x128xi32, #tpu.memory_space<vmem>>
    %dma_start3A_12 = tpu.memref_squeeze %dma_start3A_11 : memref<1x128xi32, #tpu.memory_space<vmem>> -> memref<128xi32, #tpu.memory_space<vmem>>
    %dma_start3A_13 = tpu.memref_slice %arg5[%mul3A_2] : memref<4096xi32, #tpu.memory_space<hbm>> -> memref<128xi32, #tpu.memory_space<hbm>>
    tpu.enqueue_dma source(%dma_start3A_13 : memref<128xi32, #tpu.memory_space<hbm>>) target(%dma_start3A_12 : memref<128xi32, #tpu.memory_space<vmem>>) target_semaphore(%dma_start3A_9 : memref<!tpu.dma_semaphore, #tpu.memory_space<semaphore_mem>>)
    %dma_start3A_14 = arith.constant 1 : i32
    %dma_start3A_15 = arith.constant 1 : i32
    %dma_start3A_16 = arith.constant 0 : i32
    %dma_start3A_17 = tpu.memref_slice %arg15[%dma_start3A_14, %dma_start3A_16] : memref<6x128xi32, #tpu.memory_space<vmem>> -> memref<1x128xi32, #tpu.memory_space<vmem>>
    %dma_start3A_18 = tpu.memref_squeeze %dma_start3A_17 : memref<1x128xi32, #tpu.memory_space<vmem>> -> memref<128xi32, #tpu.memory_space<vmem>>
    %dma_start3A_19 = tpu.memref_slice %arg6[%mul3A_2] : memref<4096xi32, #tpu.memory_space<hbm>> -> memref<128xi32, #tpu.memory_space<hbm>>
    %dma_start3A_20 = tpu.memref_slice %arg17[%dma_start3A_15] : memref<6x!tpu.dma_semaphore, #tpu.memory_space<semaphore_mem>> -> memref<1x!tpu.dma_semaphore, #tpu.memory_space<semaphore_mem>>
    %dma_start3A_21 = tpu.memref_squeeze %dma_start3A_20 : memref<1x!tpu.dma_semaphore, #tpu.memory_space<semaphore_mem>> -> memref<!tpu.dma_semaphore, #tpu.memory_space<semaphore_mem>>
    %dma_start3A_22 = arith.constant 0 : i32
    %dma_start3A_23 = tpu.memref_slice %arg15[%dma_start3A_14, %dma_start3A_22] : memref<6x128xi32, #tpu.memory_space<vmem>> -> memref<1x128xi32, #tpu.memory_space<vmem>>
    %dma_start3A_24 = tpu.memref_squeeze %dma_start3A_23 : memref<1x128xi32, #tpu.memory_space<vmem>> -> memref<128xi32, #tpu.memory_space<vmem>>
    %dma_start3A_25 = tpu.memref_slice %arg6[%mul3A_2] : memref<4096xi32, #tpu.memory_space<hbm>> -> memref<128xi32, #tpu.memory_space<hbm>>
    tpu.enqueue_dma source(%dma_start3A_25 : memref<128xi32, #tpu.memory_space<hbm>>) target(%dma_start3A_24 : memref<128xi32, #tpu.memory_space<vmem>>) target_semaphore(%dma_start3A_21 : memref<!tpu.dma_semaphore, #tpu.memory_space<semaphore_mem>>)
    %dma_start3A_26 = arith.constant 2 : i32
    %dma_start3A_27 = arith.constant 2 : i32
    %dma_start3A_28 = arith.constant 0 : i32
    %dma_start3A_29 = tpu.memref_slice %arg15[%dma_start3A_26, %dma_start3A_28] : memref<6x128xi32, #tpu.memory_space<vmem>> -> memref<1x128xi32, #tpu.memory_space<vmem>>
    %dma_start3A_30 = tpu.memref_squeeze %dma_start3A_29 : memref<1x128xi32, #tpu.memory_space<vmem>> -> memref<128xi32, #tpu.memory_space<vmem>>
    %dma_start3A_31 = tpu.memref_slice %arg7[%mul3A_2] : memref<4096xi32, #tpu.memory_space<hbm>> -> memref<128xi32, #tpu.memory_space<hbm>>
    %dma_start3A_32 = tpu.memref_slice %arg17[%dma_start3A_27] : memref<6x!tpu.dma_semaphore, #tpu.memory_space<semaphore_mem>> -> memref<1x!tpu.dma_semaphore, #tpu.memory_space<semaphore_mem>>
    %dma_start3A_33 = tpu.memref_squeeze %dma_start3A_32 : memref<1x!tpu.dma_semaphore, #tpu.memory_space<semaphore_mem>> -> memref<!tpu.dma_semaphore, #tpu.memory_space<semaphore_mem>>
    %dma_start3A_34 = arith.constant 0 : i32
    %dma_start3A_35 = tpu.memref_slice %arg15[%dma_start3A_26, %dma_start3A_34] : memref<6x128xi32, #tpu.memory_space<vmem>> -> memref<1x128xi32, #tpu.memory_space<vmem>>
    %dma_start3A_36 = tpu.memref_squeeze %dma_start3A_35 : memref<1x128xi32, #tpu.memory_space<vmem>> -> memref<128xi32, #tpu.memory_space<vmem>>
    %dma_start3A_37 = tpu.memref_slice %arg7[%mul3A_2] : memref<4096xi32, #tpu.memory_space<hbm>> -> memref<128xi32, #tpu.memory_space<hbm>>
    tpu.enqueue_dma source(%dma_start3A_37 : memref<128xi32, #tpu.memory_space<hbm>>) target(%dma_start3A_36 : memref<128xi32, #tpu.memory_space<vmem>>) target_semaphore(%dma_start3A_33 : memref<!tpu.dma_semaphore, #tpu.memory_space<semaphore_mem>>)
    %dma_start3A_38 = arith.constant 3 : i32
    %dma_start3A_39 = arith.constant 3 : i32
    %dma_start3A_40 = arith.constant 0 : i32
    %dma_start3A_41 = tpu.memref_slice %arg15[%dma_start3A_38, %dma_start3A_40] : memref<6x128xi32, #tpu.memory_space<vmem>> -> memref<1x128xi32, #tpu.memory_space<vmem>>
    %dma_start3A_42 = tpu.memref_squeeze %dma_start3A_41 : memref<1x128xi32, #tpu.memory_space<vmem>> -> memref<128xi32, #tpu.memory_space<vmem>>
    %dma_start3A_43 = tpu.memref_slice %arg8[%mul3A_2] : memref<4096xi32, #tpu.memory_space<hbm>> -> memref<128xi32, #tpu.memory_space<hbm>>
    %dma_start3A_44 = tpu.memref_slice %arg17[%dma_start3A_39] : memref<6x!tpu.dma_semaphore, #tpu.memory_space<semaphore_mem>> -> memref<1x!tpu.dma_semaphore, #tpu.memory_space<semaphore_mem>>
    %dma_start3A_45 = tpu.memref_squeeze %dma_start3A_44 : memref<1x!tpu.dma_semaphore, #tpu.memory_space<semaphore_mem>> -> memref<!tpu.dma_semaphore, #tpu.memory_space<semaphore_mem>>
    %dma_start3A_46 = arith.constant 0 : i32
    %dma_start3A_47 = tpu.memref_slice %arg15[%dma_start3A_38, %dma_start3A_46] : memref<6x128xi32, #tpu.memory_space<vmem>> -> memref<1x128xi32, #tpu.memory_space<vmem>>
    %dma_start3A_48 = tpu.memref_squeeze %dma_start3A_47 : memref<1x128xi32, #tpu.memory_space<vmem>> -> memref<128xi32, #tpu.memory_space<vmem>>
    %dma_start3A_49 = tpu.memref_slice %arg8[%mul3A_2] : memref<4096xi32, #tpu.memory_space<hbm>> -> memref<128xi32, #tpu.memory_space<hbm>>
    tpu.enqueue_dma source(%dma_start3A_49 : memref<128xi32, #tpu.memory_space<hbm>>) target(%dma_start3A_48 : memref<128xi32, #tpu.memory_space<vmem>>) target_semaphore(%dma_start3A_45 : memref<!tpu.dma_semaphore, #tpu.memory_space<semaphore_mem>>)
    %dma_start3A_50 = arith.constant 4 : i32
    %dma_start3A_51 = arith.constant 4 : i32
    %dma_start3A_52 = arith.constant 0 : i32
    %dma_start3A_53 = tpu.memref_slice %arg15[%dma_start3A_50, %dma_start3A_52] : memref<6x128xi32, #tpu.memory_space<vmem>> -> memref<1x128xi32, #tpu.memory_space<vmem>>
    %dma_start3A_54 = tpu.memref_squeeze %dma_start3A_53 : memref<1x128xi32, #tpu.memory_space<vmem>> -> memref<128xi32, #tpu.memory_space<vmem>>
    %dma_start3A_55 = tpu.memref_slice %arg9[%mul3A_2] : memref<4096xi32, #tpu.memory_space<hbm>> -> memref<128xi32, #tpu.memory_space<hbm>>
    %dma_start3A_56 = tpu.memref_slice %arg17[%dma_start3A_51] : memref<6x!tpu.dma_semaphore, #tpu.memory_space<semaphore_mem>> -> memref<1x!tpu.dma_semaphore, #tpu.memory_space<semaphore_mem>>
    %dma_start3A_57 = tpu.memref_squeeze %dma_start3A_56 : memref<1x!tpu.dma_semaphore, #tpu.memory_space<semaphore_mem>> -> memref<!tpu.dma_semaphore, #tpu.memory_space<semaphore_mem>>
    %dma_start3A_58 = arith.constant 0 : i32
    %dma_start3A_59 = tpu.memref_slice %arg15[%dma_start3A_50, %dma_start3A_58] : memref<6x128xi32, #tpu.memory_space<vmem>> -> memref<1x128xi32, #tpu.memory_space<vmem>>
    %dma_start3A_60 = tpu.memref_squeeze %dma_start3A_59 : memref<1x128xi32, #tpu.memory_space<vmem>> -> memref<128xi32, #tpu.memory_space<vmem>>
    %dma_start3A_61 = tpu.memref_slice %arg9[%mul3A_2] : memref<4096xi32, #tpu.memory_space<hbm>> -> memref<128xi32, #tpu.memory_space<hbm>>
    tpu.enqueue_dma source(%dma_start3A_61 : memref<128xi32, #tpu.memory_space<hbm>>) target(%dma_start3A_60 : memref<128xi32, #tpu.memory_space<vmem>>) target_semaphore(%dma_start3A_57 : memref<!tpu.dma_semaphore, #tpu.memory_space<semaphore_mem>>)
    %dma_start3A_62 = arith.constant 5 : i32
    %dma_start3A_63 = arith.constant 5 : i32
    %dma_start3A_64 = arith.constant 0 : i32
    %dma_start3A_65 = tpu.memref_slice %arg15[%dma_start3A_62, %dma_start3A_64] : memref<6x128xi32, #tpu.memory_space<vmem>> -> memref<1x128xi32, #tpu.memory_space<vmem>>
    %dma_start3A_66 = tpu.memref_squeeze %dma_start3A_65 : memref<1x128xi32, #tpu.memory_space<vmem>> -> memref<128xi32, #tpu.memory_space<vmem>>
    %dma_start3A_67 = tpu.memref_slice %arg10[%mul3A_2] : memref<4096xi32, #tpu.memory_space<hbm>> -> memref<128xi32, #tpu.memory_space<hbm>>
    %dma_start3A_68 = tpu.memref_slice %arg17[%dma_start3A_63] : memref<6x!tpu.dma_semaphore, #tpu.memory_space<semaphore_mem>> -> memref<1x!tpu.dma_semaphore, #tpu.memory_space<semaphore_mem>>
    %dma_start3A_69 = tpu.memref_squeeze %dma_start3A_68 : memref<1x!tpu.dma_semaphore, #tpu.memory_space<semaphore_mem>> -> memref<!tpu.dma_semaphore, #tpu.memory_space<semaphore_mem>>
    %dma_start3A_70 = arith.constant 0 : i32
    %dma_start3A_71 = tpu.memref_slice %arg15[%dma_start3A_62, %dma_start3A_70] : memref<6x128xi32, #tpu.memory_space<vmem>> -> memref<1x128xi32, #tpu.memory_space<vmem>>
    %dma_start3A_72 = tpu.memref_squeeze %dma_start3A_71 : memref<1x128xi32, #tpu.memory_space<vmem>> -> memref<128xi32, #tpu.memory_space<vmem>>
    %dma_start3A_73 = tpu.memref_slice %arg10[%mul3A_2] : memref<4096xi32, #tpu.memory_space<hbm>> -> memref<128xi32, #tpu.memory_space<hbm>>
    tpu.enqueue_dma source(%dma_start3A_73 : memref<128xi32, #tpu.memory_space<hbm>>) target(%dma_start3A_72 : memref<128xi32, #tpu.memory_space<vmem>>) target_semaphore(%dma_start3A_69 : memref<!tpu.dma_semaphore, #tpu.memory_space<semaphore_mem>>)
    %dma_wait3A = arith.constant 0 : i32
    %dma_wait3A_74 = arith.constant 0 : i32
    %dma_wait3A_75 = arith.constant 0 : i32
    %dma_wait3A_76 = tpu.memref_slice %arg15[%dma_wait3A, %dma_wait3A_75] : memref<6x128xi32, #tpu.memory_space<vmem>> -> memref<1x128xi32, #tpu.memory_space<vmem>>
    %dma_wait3A_77 = tpu.memref_squeeze %dma_wait3A_76 : memref<1x128xi32, #tpu.memory_space<vmem>> -> memref<128xi32, #tpu.memory_space<vmem>>
    %dma_wait3A_78 = tpu.memref_slice %arg5[%mul3A_2] : memref<4096xi32, #tpu.memory_space<hbm>> -> memref<128xi32, #tpu.memory_space<hbm>>
    %dma_wait3A_79 = tpu.memref_slice %arg17[%dma_wait3A_74] : memref<6x!tpu.dma_semaphore, #tpu.memory_space<semaphore_mem>> -> memref<1x!tpu.dma_semaphore, #tpu.memory_space<semaphore_mem>>
    %dma_wait3A_80 = tpu.memref_squeeze %dma_wait3A_79 : memref<1x!tpu.dma_semaphore, #tpu.memory_space<semaphore_mem>> -> memref<!tpu.dma_semaphore, #tpu.memory_space<semaphore_mem>>
    %dma_wait3A_81 = arith.constant 0 : i32
    %dma_wait3A_82 = tpu.memref_slice %arg15[%dma_wait3A, %dma_wait3A_81] : memref<6x128xi32, #tpu.memory_space<vmem>> -> memref<1x128xi32, #tpu.memory_space<vmem>>
    %dma_wait3A_83 = tpu.memref_squeeze %dma_wait3A_82 : memref<1x128xi32, #tpu.memory_space<vmem>> -> memref<128xi32, #tpu.memory_space<vmem>>
    %dma_wait3A_84 = tpu.memref_slice %arg5[%mul3A_2] : memref<4096xi32, #tpu.memory_space<hbm>> -> memref<128xi32, #tpu.memory_space<hbm>>
    tpu.wait_dma2 semaphore(%dma_wait3A_80 : memref<!tpu.dma_semaphore, #tpu.memory_space<semaphore_mem>>) src(%dma_wait3A_84 : memref<128xi32, #tpu.memory_space<hbm>>) dst(%dma_wait3A_83 : memref<128xi32, #tpu.memory_space<vmem>>)
    %dma_start3A_85 = arith.constant 0 : i32
    %dma_start3A_86 = arith.constant 0 : i32
    %dma_start3A_87 = arith.constant 0 : i32
    %dma_start3A_88 = arith.constant 0 : i32
    %dma_start3A_89 = arith.constant 0 : i32
    %dma_start3A_90 = tpu.memref_slice %arg16[%dma_start3A_86, %dma_start3A_88, %dma_start3A_89] : memref<2x128x128xf32, #tpu.memory_space<vmem>> -> memref<1x128x128xf32, #tpu.memory_space<vmem>>
    %dma_start3A_91 = tpu.memref_squeeze %dma_start3A_90 : memref<1x128x128xf32, #tpu.memory_space<vmem>> -> memref<128x128xf32, #tpu.memory_space<vmem>>
    %dma_start3A_92 = arith.constant 0 : i32
    %dma_start3A_93 = tpu.memref_slice %arg15[%dma_start3A_85, %dma_start3A_92] : memref<6x128xi32, #tpu.memory_space<vmem>> -> memref<1x128xi32, #tpu.memory_space<vmem>>
    %dma_start3A_94 = tpu.memref_squeeze %dma_start3A_93 : memref<1x128xi32, #tpu.memory_space<vmem>> -> memref<128xi32, #tpu.memory_space<vmem>>
    %dma_start3A_95 = arith.constant 0 : i32
    %dma_start3A_96 = arith.constant 0 : i32
    %dma_start3A_97 = tpu.memref_slice %arg2[%dma_start3A_95, %dma_start3A_96] : memref<20224x128xf32, #tpu.memory_space<hbm>> -> memref<20224x128xf32, #tpu.memory_space<hbm>>
    %dma_start3A_98 = tpu.memref_slice %arg18[%dma_start3A_87] : memref<2x!tpu.dma_semaphore, #tpu.memory_space<semaphore_mem>> -> memref<1x!tpu.dma_semaphore, #tpu.memory_space<semaphore_mem>>
    %dma_start3A_99 = tpu.memref_squeeze %dma_start3A_98 : memref<1x!tpu.dma_semaphore, #tpu.memory_space<semaphore_mem>> -> memref<!tpu.dma_semaphore, #tpu.memory_space<semaphore_mem>>
    tpu.enqueue_indirect_dma source(%dma_start3A_97 : memref<20224x128xf32, #tpu.memory_space<hbm>>) target(%dma_start3A_91 : memref<128x128xf32, #tpu.memory_space<vmem>>) offsets(%dma_start3A_94 : memref<128xi32, #tpu.memory_space<vmem>>) semaphore(%dma_start3A_99 : memref<!tpu.dma_semaphore, #tpu.memory_space<semaphore_mem>>)
    %dma_wait3A_100 = arith.constant 0 : i32
    %dma_wait3A_101 = arith.constant 0 : i32
    %dma_wait3A_102 = arith.constant 0 : i32
    %dma_wait3A_103 = arith.constant 0 : i32
    %dma_wait3A_104 = arith.constant 0 : i32
    %dma_wait3A_105 = tpu.memref_slice %arg16[%dma_wait3A_101, %dma_wait3A_103, %dma_wait3A_104] : memref<2x128x128xf32, #tpu.memory_space<vmem>> -> memref<1x128x128xf32, #tpu.memory_space<vmem>>
    %dma_wait3A_106 = tpu.memref_squeeze %dma_wait3A_105 : memref<1x128x128xf32, #tpu.memory_space<vmem>> -> memref<128x128xf32, #tpu.memory_space<vmem>>
    %dma_wait3A_107 = arith.constant 0 : i32
    %dma_wait3A_108 = tpu.memref_slice %arg15[%dma_wait3A_100, %dma_wait3A_107] : memref<6x128xi32, #tpu.memory_space<vmem>> -> memref<1x128xi32, #tpu.memory_space<vmem>>
    %dma_wait3A_109 = tpu.memref_squeeze %dma_wait3A_108 : memref<1x128xi32, #tpu.memory_space<vmem>> -> memref<128xi32, #tpu.memory_space<vmem>>
    %dma_wait3A_110 = arith.constant 0 : i32
    %dma_wait3A_111 = arith.constant 0 : i32
    %dma_wait3A_112 = tpu.memref_slice %arg2[%dma_wait3A_110, %dma_wait3A_111] : memref<20224x128xf32, #tpu.memory_space<hbm>> -> memref<20224x128xf32, #tpu.memory_space<hbm>>
    %dma_wait3A_113 = tpu.memref_slice %arg18[%dma_wait3A_102] : memref<2x!tpu.dma_semaphore, #tpu.memory_space<semaphore_mem>> -> memref<1x!tpu.dma_semaphore, #tpu.memory_space<semaphore_mem>>
    %dma_wait3A_114 = tpu.memref_squeeze %dma_wait3A_113 : memref<1x!tpu.dma_semaphore, #tpu.memory_space<semaphore_mem>> -> memref<!tpu.dma_semaphore, #tpu.memory_space<semaphore_mem>>
    tpu.wait_indirect_dma semaphore(%dma_wait3A_114 : memref<!tpu.dma_semaphore, #tpu.memory_space<semaphore_mem>>) src(%dma_wait3A_112 : memref<20224x128xf32, #tpu.memory_space<hbm>>) dst(%dma_wait3A_106 : memref<128x128xf32, #tpu.memory_space<vmem>>)
    %dma_wait3A_115 = arith.constant 1 : i32
    %dma_wait3A_116 = arith.constant 1 : i32
    %dma_wait3A_117 = arith.constant 0 : i32
    %dma_wait3A_118 = tpu.memref_slice %arg15[%dma_wait3A_115, %dma_wait3A_117] : memref<6x128xi32, #tpu.memory_space<vmem>> -> memref<1x128xi32, #tpu.memory_space<vmem>>
    %dma_wait3A_119 = tpu.memref_squeeze %dma_wait3A_118 : memref<1x128xi32, #tpu.memory_space<vmem>> -> memref<128xi32, #tpu.memory_space<vmem>>
    %dma_wait3A_120 = tpu.memref_slice %arg6[%mul3A_2] : memref<4096xi32, #tpu.memory_space<hbm>> -> memref<128xi32, #tpu.memory_space<hbm>>
    %dma_wait3A_121 = tpu.memref_slice %arg17[%dma_wait3A_116] : memref<6x!tpu.dma_semaphore, #tpu.memory_space<semaphore_mem>> -> memref<1x!tpu.dma_semaphore, #tpu.memory_space<semaphore_mem>>
    %dma_wait3A_122 = tpu.memref_squeeze %dma_wait3A_121 : memref<1x!tpu.dma_semaphore, #tpu.memory_space<semaphore_mem>> -> memref<!tpu.dma_semaphore, #tpu.memory_space<semaphore_mem>>
    %dma_wait3A_123 = arith.constant 0 : i32
    %dma_wait3A_124 = tpu.memref_slice %arg15[%dma_wait3A_115, %dma_wait3A_123] : memref<6x128xi32, #tpu.memory_space<vmem>> -> memref<1x128xi32, #tpu.memory_space<vmem>>
    %dma_wait3A_125 = tpu.memref_squeeze %dma_wait3A_124 : memref<1x128xi32, #tpu.memory_space<vmem>> -> memref<128xi32, #tpu.memory_space<vmem>>
    %dma_wait3A_126 = tpu.memref_slice %arg6[%mul3A_2] : memref<4096xi32, #tpu.memory_space<hbm>> -> memref<128xi32, #tpu.memory_space<hbm>>
    tpu.wait_dma2 semaphore(%dma_wait3A_122 : memref<!tpu.dma_semaphore, #tpu.memory_space<semaphore_mem>>) src(%dma_wait3A_126 : memref<128xi32, #tpu.memory_space<hbm>>) dst(%dma_wait3A_125 : memref<128xi32, #tpu.memory_space<vmem>>)
    %dma_start3A_127 = arith.constant 1 : i32
    %dma_start3A_128 = arith.constant 0 : i32
    %dma_start3A_129 = arith.constant 0 : i32
    %dma_start3A_130 = arith.constant 0 : i32
    %dma_start3A_131 = arith.constant 0 : i32
    %dma_start3A_132 = tpu.memref_slice %arg16[%dma_start3A_128, %dma_start3A_130, %dma_start3A_131] : memref<2x128x128xf32, #tpu.memory_space<vmem>> -> memref<1x128x128xf32, #tpu.memory_space<vmem>>
    %dma_start3A_133 = tpu.memref_squeeze %dma_start3A_132 : memref<1x128x128xf32, #tpu.memory_space<vmem>> -> memref<128x128xf32, #tpu.memory_space<vmem>>
    %dma_start3A_134 = arith.constant 0 : i32
    %dma_start3A_135 = tpu.memref_slice %arg15[%dma_start3A_127, %dma_start3A_134] : memref<6x128xi32, #tpu.memory_space<vmem>> -> memref<1x128xi32, #tpu.memory_space<vmem>>
    %dma_start3A_136 = tpu.memref_squeeze %dma_start3A_135 : memref<1x128xi32, #tpu.memory_space<vmem>> -> memref<128xi32, #tpu.memory_space<vmem>>
    %dma_start3A_137 = arith.constant 0 : i32
    %dma_start3A_138 = arith.constant 0 : i32
    %dma_start3A_139 = tpu.memref_slice %arg2[%dma_start3A_137, %dma_start3A_138] : memref<20224x128xf32, #tpu.memory_space<hbm>> -> memref<20224x128xf32, #tpu.memory_space<hbm>>
    %dma_start3A_140 = tpu.memref_slice %arg18[%dma_start3A_129] : memref<2x!tpu.dma_semaphore, #tpu.memory_space<semaphore_mem>> -> memref<1x!tpu.dma_semaphore, #tpu.memory_space<semaphore_mem>>
    %dma_start3A_141 = tpu.memref_squeeze %dma_start3A_140 : memref<1x!tpu.dma_semaphore, #tpu.memory_space<semaphore_mem>> -> memref<!tpu.dma_semaphore, #tpu.memory_space<semaphore_mem>>
    tpu.enqueue_indirect_dma source(%dma_start3A_139 : memref<20224x128xf32, #tpu.memory_space<hbm>>) target(%dma_start3A_133 : memref<128x128xf32, #tpu.memory_space<vmem>>) offsets(%dma_start3A_136 : memref<128xi32, #tpu.memory_space<vmem>>) semaphore(%dma_start3A_141 : memref<!tpu.dma_semaphore, #tpu.memory_space<semaphore_mem>>) {add = true}
    %dma_wait3A_142 = arith.constant 1 : i32
    %dma_wait3A_143 = arith.constant 0 : i32
    %dma_wait3A_144 = arith.constant 0 : i32
    %dma_wait3A_145 = arith.constant 0 : i32
    %dma_wait3A_146 = arith.constant 0 : i32
    %dma_wait3A_147 = tpu.memref_slice %arg16[%dma_wait3A_143, %dma_wait3A_145, %dma_wait3A_146] : memref<2x128x128xf32, #tpu.memory_space<vmem>> -> memref<1x128x128xf32, #tpu.memory_space<vmem>>
    %dma_wait3A_148 = tpu.memref_squeeze %dma_wait3A_147 : memref<1x128x128xf32, #tpu.memory_space<vmem>> -> memref<128x128xf32, #tpu.memory_space<vmem>>
    %dma_wait3A_149 = arith.constant 0 : i32
    %dma_wait3A_150 = tpu.memref_slice %arg15[%dma_wait3A_142, %dma_wait3A_149] : memref<6x128xi32, #tpu.memory_space<vmem>> -> memref<1x128xi32, #tpu.memory_space<vmem>>
    %dma_wait3A_151 = tpu.memref_squeeze %dma_wait3A_150 : memref<1x128xi32, #tpu.memory_space<vmem>> -> memref<128xi32, #tpu.memory_space<vmem>>
    %dma_wait3A_152 = arith.constant 0 : i32
    %dma_wait3A_153 = arith.constant 0 : i32
    %dma_wait3A_154 = tpu.memref_slice %arg2[%dma_wait3A_152, %dma_wait3A_153] : memref<20224x128xf32, #tpu.memory_space<hbm>> -> memref<20224x128xf32, #tpu.memory_space<hbm>>
    %dma_wait3A_155 = tpu.memref_slice %arg18[%dma_wait3A_144] : memref<2x!tpu.dma_semaphore, #tpu.memory_space<semaphore_mem>> -> memref<1x!tpu.dma_semaphore, #tpu.memory_space<semaphore_mem>>
    %dma_wait3A_156 = tpu.memref_squeeze %dma_wait3A_155 : memref<1x!tpu.dma_semaphore, #tpu.memory_space<semaphore_mem>> -> memref<!tpu.dma_semaphore, #tpu.memory_space<semaphore_mem>>
    tpu.wait_indirect_dma semaphore(%dma_wait3A_156 : memref<!tpu.dma_semaphore, #tpu.memory_space<semaphore_mem>>) src(%dma_wait3A_154 : memref<20224x128xf32, #tpu.memory_space<hbm>>) dst(%dma_wait3A_148 : memref<128x128xf32, #tpu.memory_space<vmem>>)
    %dma_start3A_157 = arith.constant 0 : i32
    %dma_start3A_158 = arith.constant 0 : i32
    %dma_start3A_159 = arith.constant 0 : i32
    %dma_start3A_160 = arith.constant 0 : i32
    %dma_start3A_161 = tpu.memref_slice %arg16[%dma_start3A_157, %dma_start3A_159, %dma_start3A_160] : memref<2x128x128xf32, #tpu.memory_space<vmem>> -> memref<1x128x128xf32, #tpu.memory_space<vmem>>
    %dma_start3A_162 = tpu.memref_squeeze %dma_start3A_161 : memref<1x128x128xf32, #tpu.memory_space<vmem>> -> memref<128x128xf32, #tpu.memory_space<vmem>>
    %dma_start3A_163 = arith.constant 0 : i32
    %dma_start3A_164 = tpu.memref_slice %arg11[%mul3A_2, %dma_start3A_163] : memref<4096x128xf32, #tpu.memory_space<hbm>> -> memref<128x128xf32, #tpu.memory_space<hbm>>
    %dma_start3A_165 = tpu.memref_slice %arg19[%dma_start3A_158] : memref<2x!tpu.dma_semaphore, #tpu.memory_space<semaphore_mem>> -> memref<1x!tpu.dma_semaphore, #tpu.memory_space<semaphore_mem>>
    %dma_start3A_166 = tpu.memref_squeeze %dma_start3A_165 : memref<1x!tpu.dma_semaphore, #tpu.memory_space<semaphore_mem>> -> memref<!tpu.dma_semaphore, #tpu.memory_space<semaphore_mem>>
    %dma_start3A_167 = arith.constant 0 : i32
    %dma_start3A_168 = tpu.memref_slice %arg11[%mul3A_2, %dma_start3A_167] : memref<4096x128xf32, #tpu.memory_space<hbm>> -> memref<128x128xf32, #tpu.memory_space<hbm>>
    %dma_start3A_169 = arith.constant 0 : i32
    %dma_start3A_170 = arith.constant 0 : i32
    %dma_start3A_171 = tpu.memref_slice %arg16[%dma_start3A_157, %dma_start3A_169, %dma_start3A_170] : memref<2x128x128xf32, #tpu.memory_space<vmem>> -> memref<1x128x128xf32, #tpu.memory_space<vmem>>
    %dma_start3A_172 = tpu.memref_squeeze %dma_start3A_171 : memref<1x128x128xf32, #tpu.memory_space<vmem>> -> memref<128x128xf32, #tpu.memory_space<vmem>>
    tpu.enqueue_dma source(%dma_start3A_172 : memref<128x128xf32, #tpu.memory_space<vmem>>) target(%dma_start3A_168 : memref<128x128xf32, #tpu.memory_space<hbm>>) target_semaphore(%dma_start3A_166 : memref<!tpu.dma_semaphore, #tpu.memory_space<semaphore_mem>>)
    %dma_wait3A_173 = arith.constant 2 : i32
    %dma_wait3A_174 = arith.constant 2 : i32
    %dma_wait3A_175 = arith.constant 0 : i32
    %dma_wait3A_176 = tpu.memref_slice %arg15[%dma_wait3A_173, %dma_wait3A_175] : memref<6x128xi32, #tpu.memory_space<vmem>> -> memref<1x128xi32, #tpu.memory_space<vmem>>
    %dma_wait3A_177 = tpu.memref_squeeze %dma_wait3A_176 : memref<1x128xi32, #tpu.memory_space<vmem>> -> memref<128xi32, #tpu.memory_space<vmem>>
    %dma_wait3A_178 = tpu.memref_slice %arg7[%mul3A_2] : memref<4096xi32, #tpu.memory_space<hbm>> -> memref<128xi32, #tpu.memory_space<hbm>>
    %dma_wait3A_179 = tpu.memref_slice %arg17[%dma_wait3A_174] : memref<6x!tpu.dma_semaphore, #tpu.memory_space<semaphore_mem>> -> memref<1x!tpu.dma_semaphore, #tpu.memory_space<semaphore_mem>>
    %dma_wait3A_180 = tpu.memref_squeeze %dma_wait3A_179 : memref<1x!tpu.dma_semaphore, #tpu.memory_space<semaphore_mem>> -> memref<!tpu.dma_semaphore, #tpu.memory_space<semaphore_mem>>
    %dma_wait3A_181 = arith.constant 0 : i32
    %dma_wait3A_182 = tpu.memref_slice %arg15[%dma_wait3A_173, %dma_wait3A_181] : memref<6x128xi32, #tpu.memory_space<vmem>> -> memref<1x128xi32, #tpu.memory_space<vmem>>
    %dma_wait3A_183 = tpu.memref_squeeze %dma_wait3A_182 : memref<1x128xi32, #tpu.memory_space<vmem>> -> memref<128xi32, #tpu.memory_space<vmem>>
    %dma_wait3A_184 = tpu.memref_slice %arg7[%mul3A_2] : memref<4096xi32, #tpu.memory_space<hbm>> -> memref<128xi32, #tpu.memory_space<hbm>>
    tpu.wait_dma2 semaphore(%dma_wait3A_180 : memref<!tpu.dma_semaphore, #tpu.memory_space<semaphore_mem>>) src(%dma_wait3A_184 : memref<128xi32, #tpu.memory_space<hbm>>) dst(%dma_wait3A_183 : memref<128xi32, #tpu.memory_space<vmem>>)
    %dma_start3A_185 = arith.constant 2 : i32
    %dma_start3A_186 = arith.constant 1 : i32
    %dma_start3A_187 = arith.constant 1 : i32
    %dma_start3A_188 = arith.constant 0 : i32
    %dma_start3A_189 = arith.constant 0 : i32
    %dma_start3A_190 = tpu.memref_slice %arg16[%dma_start3A_186, %dma_start3A_188, %dma_start3A_189] : memref<2x128x128xf32, #tpu.memory_space<vmem>> -> memref<1x128x128xf32, #tpu.memory_space<vmem>>
    %dma_start3A_191 = tpu.memref_squeeze %dma_start3A_190 : memref<1x128x128xf32, #tpu.memory_space<vmem>> -> memref<128x128xf32, #tpu.memory_space<vmem>>
    %dma_start3A_192 = arith.constant 0 : i32
    %dma_start3A_193 = tpu.memref_slice %arg15[%dma_start3A_185, %dma_start3A_192] : memref<6x128xi32, #tpu.memory_space<vmem>> -> memref<1x128xi32, #tpu.memory_space<vmem>>
    %dma_start3A_194 = tpu.memref_squeeze %dma_start3A_193 : memref<1x128xi32, #tpu.memory_space<vmem>> -> memref<128xi32, #tpu.memory_space<vmem>>
    %dma_start3A_195 = arith.constant 0 : i32
    %dma_start3A_196 = arith.constant 0 : i32
    %dma_start3A_197 = tpu.memref_slice %arg2[%dma_start3A_195, %dma_start3A_196] : memref<20224x128xf32, #tpu.memory_space<hbm>> -> memref<20224x128xf32, #tpu.memory_space<hbm>>
    %dma_start3A_198 = tpu.memref_slice %arg18[%dma_start3A_187] : memref<2x!tpu.dma_semaphore, #tpu.memory_space<semaphore_mem>> -> memref<1x!tpu.dma_semaphore, #tpu.memory_space<semaphore_mem>>
    %dma_start3A_199 = tpu.memref_squeeze %dma_start3A_198 : memref<1x!tpu.dma_semaphore, #tpu.memory_space<semaphore_mem>> -> memref<!tpu.dma_semaphore, #tpu.memory_space<semaphore_mem>>
    tpu.enqueue_indirect_dma source(%dma_start3A_197 : memref<20224x128xf32, #tpu.memory_space<hbm>>) target(%dma_start3A_191 : memref<128x128xf32, #tpu.memory_space<vmem>>) offsets(%dma_start3A_194 : memref<128xi32, #tpu.memory_space<vmem>>) semaphore(%dma_start3A_199 : memref<!tpu.dma_semaphore, #tpu.memory_space<semaphore_mem>>)
    %dma_wait3A_200 = arith.constant 2 : i32
    %dma_wait3A_201 = arith.constant 1 : i32
    %dma_wait3A_202 = arith.constant 1 : i32
    %dma_wait3A_203 = arith.constant 0 : i32
    %dma_wait3A_204 = arith.constant 0 : i32
    %dma_wait3A_205 = tpu.memref_slice %arg16[%dma_wait3A_201, %dma_wait3A_203, %dma_wait3A_204] : memref<2x128x128xf32, #tpu.memory_space<vmem>> -> memref<1x128x128xf32, #tpu.memory_space<vmem>>
    %dma_wait3A_206 = tpu.memref_squeeze %dma_wait3A_205 : memref<1x128x128xf32, #tpu.memory_space<vmem>> -> memref<128x128xf32, #tpu.memory_space<vmem>>
    %dma_wait3A_207 = arith.constant 0 : i32
    %dma_wait3A_208 = tpu.memref_slice %arg15[%dma_wait3A_200, %dma_wait3A_207] : memref<6x128xi32, #tpu.memory_space<vmem>> -> memref<1x128xi32, #tpu.memory_space<vmem>>
    %dma_wait3A_209 = tpu.memref_squeeze %dma_wait3A_208 : memref<1x128xi32, #tpu.memory_space<vmem>> -> memref<128xi32, #tpu.memory_space<vmem>>
    %dma_wait3A_210 = arith.constant 0 : i32
    %dma_wait3A_211 = arith.constant 0 : i32
    %dma_wait3A_212 = tpu.memref_slice %arg2[%dma_wait3A_210, %dma_wait3A_211] : memref<20224x128xf32, #tpu.memory_space<hbm>> -> memref<20224x128xf32, #tpu.memory_space<hbm>>
    %dma_wait3A_213 = tpu.memref_slice %arg18[%dma_wait3A_202] : memref<2x!tpu.dma_semaphore, #tpu.memory_space<semaphore_mem>> -> memref<1x!tpu.dma_semaphore, #tpu.memory_space<semaphore_mem>>
    %dma_wait3A_214 = tpu.memref_squeeze %dma_wait3A_213 : memref<1x!tpu.dma_semaphore, #tpu.memory_space<semaphore_mem>> -> memref<!tpu.dma_semaphore, #tpu.memory_space<semaphore_mem>>
    tpu.wait_indirect_dma semaphore(%dma_wait3A_214 : memref<!tpu.dma_semaphore, #tpu.memory_space<semaphore_mem>>) src(%dma_wait3A_212 : memref<20224x128xf32, #tpu.memory_space<hbm>>) dst(%dma_wait3A_206 : memref<128x128xf32, #tpu.memory_space<vmem>>)
    %dma_wait3A_215 = arith.constant 3 : i32
    %dma_wait3A_216 = arith.constant 3 : i32
    %dma_wait3A_217 = arith.constant 0 : i32
    %dma_wait3A_218 = tpu.memref_slice %arg15[%dma_wait3A_215, %dma_wait3A_217] : memref<6x128xi32, #tpu.memory_space<vmem>> -> memref<1x128xi32, #tpu.memory_space<vmem>>
    %dma_wait3A_219 = tpu.memref_squeeze %dma_wait3A_218 : memref<1x128xi32, #tpu.memory_space<vmem>> -> memref<128xi32, #tpu.memory_space<vmem>>
    %dma_wait3A_220 = tpu.memref_slice %arg8[%mul3A_2] : memref<4096xi32, #tpu.memory_space<hbm>> -> memref<128xi32, #tpu.memory_space<hbm>>
    %dma_wait3A_221 = tpu.memref_slice %arg17[%dma_wait3A_216] : memref<6x!tpu.dma_semaphore, #tpu.memory_space<semaphore_mem>> -> memref<1x!tpu.dma_semaphore, #tpu.memory_space<semaphore_mem>>
    %dma_wait3A_222 = tpu.memref_squeeze %dma_wait3A_221 : memref<1x!tpu.dma_semaphore, #tpu.memory_space<semaphore_mem>> -> memref<!tpu.dma_semaphore, #tpu.memory_space<semaphore_mem>>
    %dma_wait3A_223 = arith.constant 0 : i32
    %dma_wait3A_224 = tpu.memref_slice %arg15[%dma_wait3A_215, %dma_wait3A_223] : memref<6x128xi32, #tpu.memory_space<vmem>> -> memref<1x128xi32, #tpu.memory_space<vmem>>
    %dma_wait3A_225 = tpu.memref_squeeze %dma_wait3A_224 : memref<1x128xi32, #tpu.memory_space<vmem>> -> memref<128xi32, #tpu.memory_space<vmem>>
    %dma_wait3A_226 = tpu.memref_slice %arg8[%mul3A_2] : memref<4096xi32, #tpu.memory_space<hbm>> -> memref<128xi32, #tpu.memory_space<hbm>>
    tpu.wait_dma2 semaphore(%dma_wait3A_222 : memref<!tpu.dma_semaphore, #tpu.memory_space<semaphore_mem>>) src(%dma_wait3A_226 : memref<128xi32, #tpu.memory_space<hbm>>) dst(%dma_wait3A_225 : memref<128xi32, #tpu.memory_space<vmem>>)
    %dma_start3A_227 = arith.constant 3 : i32
    %dma_start3A_228 = arith.constant 1 : i32
    %dma_start3A_229 = arith.constant 1 : i32
    %dma_start3A_230 = arith.constant 0 : i32
    %dma_start3A_231 = arith.constant 0 : i32
    %dma_start3A_232 = tpu.memref_slice %arg16[%dma_start3A_228, %dma_start3A_230, %dma_start3A_231] : memref<2x128x128xf32, #tpu.memory_space<vmem>> -> memref<1x128x128xf32, #tpu.memory_space<vmem>>
    %dma_start3A_233 = tpu.memref_squeeze %dma_start3A_232 : memref<1x128x128xf32, #tpu.memory_space<vmem>> -> memref<128x128xf32, #tpu.memory_space<vmem>>
    %dma_start3A_234 = arith.constant 0 : i32
    %dma_start3A_235 = tpu.memref_slice %arg15[%dma_start3A_227, %dma_start3A_234] : memref<6x128xi32, #tpu.memory_space<vmem>> -> memref<1x128xi32, #tpu.memory_space<vmem>>
    %dma_start3A_236 = tpu.memref_squeeze %dma_start3A_235 : memref<1x128xi32, #tpu.memory_space<vmem>> -> memref<128xi32, #tpu.memory_space<vmem>>
    %dma_start3A_237 = arith.constant 0 : i32
    %dma_start3A_238 = arith.constant 0 : i32
    %dma_start3A_239 = tpu.memref_slice %arg2[%dma_start3A_237, %dma_start3A_238] : memref<20224x128xf32, #tpu.memory_space<hbm>> -> memref<20224x128xf32, #tpu.memory_space<hbm>>
    %dma_start3A_240 = tpu.memref_slice %arg18[%dma_start3A_229] : memref<2x!tpu.dma_semaphore, #tpu.memory_space<semaphore_mem>> -> memref<1x!tpu.dma_semaphore, #tpu.memory_space<semaphore_mem>>
    %dma_start3A_241 = tpu.memref_squeeze %dma_start3A_240 : memref<1x!tpu.dma_semaphore, #tpu.memory_space<semaphore_mem>> -> memref<!tpu.dma_semaphore, #tpu.memory_space<semaphore_mem>>
    tpu.enqueue_indirect_dma source(%dma_start3A_239 : memref<20224x128xf32, #tpu.memory_space<hbm>>) target(%dma_start3A_233 : memref<128x128xf32, #tpu.memory_space<vmem>>) offsets(%dma_start3A_236 : memref<128xi32, #tpu.memory_space<vmem>>) semaphore(%dma_start3A_241 : memref<!tpu.dma_semaphore, #tpu.memory_space<semaphore_mem>>) {add = true}
    %dma_wait3A_242 = arith.constant 3 : i32
    %dma_wait3A_243 = arith.constant 1 : i32
    %dma_wait3A_244 = arith.constant 1 : i32
    %dma_wait3A_245 = arith.constant 0 : i32
    %dma_wait3A_246 = arith.constant 0 : i32
    %dma_wait3A_247 = tpu.memref_slice %arg16[%dma_wait3A_243, %dma_wait3A_245, %dma_wait3A_246] : memref<2x128x128xf32, #tpu.memory_space<vmem>> -> memref<1x128x128xf32, #tpu.memory_space<vmem>>
    %dma_wait3A_248 = tpu.memref_squeeze %dma_wait3A_247 : memref<1x128x128xf32, #tpu.memory_space<vmem>> -> memref<128x128xf32, #tpu.memory_space<vmem>>
    %dma_wait3A_249 = arith.constant 0 : i32
    %dma_wait3A_250 = tpu.memref_slice %arg15[%dma_wait3A_242, %dma_wait3A_249] : memref<6x128xi32, #tpu.memory_space<vmem>> -> memref<1x128xi32, #tpu.memory_space<vmem>>
    %dma_wait3A_251 = tpu.memref_squeeze %dma_wait3A_250 : memref<1x128xi32, #tpu.memory_space<vmem>> -> memref<128xi32, #tpu.memory_space<vmem>>
    %dma_wait3A_252 = arith.constant 0 : i32
    %dma_wait3A_253 = arith.constant 0 : i32
    %dma_wait3A_254 = tpu.memref_slice %arg2[%dma_wait3A_252, %dma_wait3A_253] : memref<20224x128xf32, #tpu.memory_space<hbm>> -> memref<20224x128xf32, #tpu.memory_space<hbm>>
    %dma_wait3A_255 = tpu.memref_slice %arg18[%dma_wait3A_244] : memref<2x!tpu.dma_semaphore, #tpu.memory_space<semaphore_mem>> -> memref<1x!tpu.dma_semaphore, #tpu.memory_space<semaphore_mem>>
    %dma_wait3A_256 = tpu.memref_squeeze %dma_wait3A_255 : memref<1x!tpu.dma_semaphore, #tpu.memory_space<semaphore_mem>> -> memref<!tpu.dma_semaphore, #tpu.memory_space<semaphore_mem>>
    tpu.wait_indirect_dma semaphore(%dma_wait3A_256 : memref<!tpu.dma_semaphore, #tpu.memory_space<semaphore_mem>>) src(%dma_wait3A_254 : memref<20224x128xf32, #tpu.memory_space<hbm>>) dst(%dma_wait3A_248 : memref<128x128xf32, #tpu.memory_space<vmem>>)
    %dma_start3A_257 = arith.constant 1 : i32
    %dma_start3A_258 = arith.constant 1 : i32
    %dma_start3A_259 = arith.constant 0 : i32
    %dma_start3A_260 = arith.constant 0 : i32
    %dma_start3A_261 = tpu.memref_slice %arg16[%dma_start3A_257, %dma_start3A_259, %dma_start3A_260] : memref<2x128x128xf32, #tpu.memory_space<vmem>> -> memref<1x128x128xf32, #tpu.memory_space<vmem>>
    %dma_start3A_262 = tpu.memref_squeeze %dma_start3A_261 : memref<1x128x128xf32, #tpu.memory_space<vmem>> -> memref<128x128xf32, #tpu.memory_space<vmem>>
    %dma_start3A_263 = arith.constant 0 : i32
    %dma_start3A_264 = tpu.memref_slice %arg12[%mul3A_2, %dma_start3A_263] : memref<4096x128xf32, #tpu.memory_space<hbm>> -> memref<128x128xf32, #tpu.memory_space<hbm>>
    %dma_start3A_265 = tpu.memref_slice %arg19[%dma_start3A_258] : memref<2x!tpu.dma_semaphore, #tpu.memory_space<semaphore_mem>> -> memref<1x!tpu.dma_semaphore, #tpu.memory_space<semaphore_mem>>
    %dma_start3A_266 = tpu.memref_squeeze %dma_start3A_265 : memref<1x!tpu.dma_semaphore, #tpu.memory_space<semaphore_mem>> -> memref<!tpu.dma_semaphore, #tpu.memory_space<semaphore_mem>>
    %dma_start3A_267 = arith.constant 0 : i32
    %dma_start3A_268 = tpu.memref_slice %arg12[%mul3A_2, %dma_start3A_267] : memref<4096x128xf32, #tpu.memory_space<hbm>> -> memref<128x128xf32, #tpu.memory_space<hbm>>
    %dma_start3A_269 = arith.constant 0 : i32
    %dma_start3A_270 = arith.constant 0 : i32
    %dma_start3A_271 = tpu.memref_slice %arg16[%dma_start3A_257, %dma_start3A_269, %dma_start3A_270] : memref<2x128x128xf32, #tpu.memory_space<vmem>> -> memref<1x128x128xf32, #tpu.memory_space<vmem>>
    %dma_start3A_272 = tpu.memref_squeeze %dma_start3A_271 : memref<1x128x128xf32, #tpu.memory_space<vmem>> -> memref<128x128xf32, #tpu.memory_space<vmem>>
    tpu.enqueue_dma source(%dma_start3A_272 : memref<128x128xf32, #tpu.memory_space<vmem>>) target(%dma_start3A_268 : memref<128x128xf32, #tpu.memory_space<hbm>>) target_semaphore(%dma_start3A_266 : memref<!tpu.dma_semaphore, #tpu.memory_space<semaphore_mem>>)
    %dma_wait3A_273 = arith.constant 0 : i32
    %dma_wait3A_274 = arith.constant 0 : i32
    %dma_wait3A_275 = arith.constant 0 : i32
    %dma_wait3A_276 = arith.constant 0 : i32
    %dma_wait3A_277 = tpu.memref_slice %arg16[%dma_wait3A_273, %dma_wait3A_275, %dma_wait3A_276] : memref<2x128x128xf32, #tpu.memory_space<vmem>> -> memref<1x128x128xf32, #tpu.memory_space<vmem>>
    %dma_wait3A_278 = tpu.memref_squeeze %dma_wait3A_277 : memref<1x128x128xf32, #tpu.memory_space<vmem>> -> memref<128x128xf32, #tpu.memory_space<vmem>>
    %dma_wait3A_279 = arith.constant 0 : i32
    %dma_wait3A_280 = tpu.memref_slice %arg13[%mul3A_2, %dma_wait3A_279] : memref<4096x128xf32, #tpu.memory_space<hbm>> -> memref<128x128xf32, #tpu.memory_space<hbm>>
    %dma_wait3A_281 = tpu.memref_slice %arg19[%dma_wait3A_274] : memref<2x!tpu.dma_semaphore, #tpu.memory_space<semaphore_mem>> -> memref<1x!tpu.dma_semaphore, #tpu.memory_space<semaphore_mem>>
    %dma_wait3A_282 = tpu.memref_squeeze %dma_wait3A_281 : memref<1x!tpu.dma_semaphore, #tpu.memory_space<semaphore_mem>> -> memref<!tpu.dma_semaphore, #tpu.memory_space<semaphore_mem>>
    %dma_wait3A_283 = arith.constant 0 : i32
    %dma_wait3A_284 = tpu.memref_slice %arg13[%mul3A_2, %dma_wait3A_283] : memref<4096x128xf32, #tpu.memory_space<hbm>> -> memref<128x128xf32, #tpu.memory_space<hbm>>
    %dma_wait3A_285 = arith.constant 0 : i32
    %dma_wait3A_286 = arith.constant 0 : i32
    %dma_wait3A_287 = tpu.memref_slice %arg16[%dma_wait3A_273, %dma_wait3A_285, %dma_wait3A_286] : memref<2x128x128xf32, #tpu.memory_space<vmem>> -> memref<1x128x128xf32, #tpu.memory_space<vmem>>
    %dma_wait3A_288 = tpu.memref_squeeze %dma_wait3A_287 : memref<1x128x128xf32, #tpu.memory_space<vmem>> -> memref<128x128xf32, #tpu.memory_space<vmem>>
    tpu.wait_dma2 semaphore(%dma_wait3A_282 : memref<!tpu.dma_semaphore, #tpu.memory_space<semaphore_mem>>) src(%dma_wait3A_288 : memref<128x128xf32, #tpu.memory_space<vmem>>) dst(%dma_wait3A_284 : memref<128x128xf32, #tpu.memory_space<hbm>>)
    %dma_wait3A_289 = arith.constant 4 : i32
    %dma_wait3A_290 = arith.constant 4 : i32
    %dma_wait3A_291 = arith.constant 0 : i32
    %dma_wait3A_292 = tpu.memref_slice %arg15[%dma_wait3A_289, %dma_wait3A_291] : memref<6x128xi32, #tpu.memory_space<vmem>> -> memref<1x128xi32, #tpu.memory_space<vmem>>
    %dma_wait3A_293 = tpu.memref_squeeze %dma_wait3A_292 : memref<1x128xi32, #tpu.memory_space<vmem>> -> memref<128xi32, #tpu.memory_space<vmem>>
    %dma_wait3A_294 = tpu.memref_slice %arg9[%mul3A_2] : memref<4096xi32, #tpu.memory_space<hbm>> -> memref<128xi32, #tpu.memory_space<hbm>>
    %dma_wait3A_295 = tpu.memref_slice %arg17[%dma_wait3A_290] : memref<6x!tpu.dma_semaphore, #tpu.memory_space<semaphore_mem>> -> memref<1x!tpu.dma_semaphore, #tpu.memory_space<semaphore_mem>>
    %dma_wait3A_296 = tpu.memref_squeeze %dma_wait3A_295 : memref<1x!tpu.dma_semaphore, #tpu.memory_space<semaphore_mem>> -> memref<!tpu.dma_semaphore, #tpu.memory_space<semaphore_mem>>
    %dma_wait3A_297 = arith.constant 0 : i32
    %dma_wait3A_298 = tpu.memref_slice %arg15[%dma_wait3A_289, %dma_wait3A_297] : memref<6x128xi32, #tpu.memory_space<vmem>> -> memref<1x128xi32, #tpu.memory_space<vmem>>
    %dma_wait3A_299 = tpu.memref_squeeze %dma_wait3A_298 : memref<1x128xi32, #tpu.memory_space<vmem>> -> memref<128xi32, #tpu.memory_space<vmem>>
    %dma_wait3A_300 = tpu.memref_slice %arg9[%mul3A_2] : memref<4096xi32, #tpu.memory_space<hbm>> -> memref<128xi32, #tpu.memory_space<hbm>>
    tpu.wait_dma2 semaphore(%dma_wait3A_296 : memref<!tpu.dma_semaphore, #tpu.memory_space<semaphore_mem>>) src(%dma_wait3A_300 : memref<128xi32, #tpu.memory_space<hbm>>) dst(%dma_wait3A_299 : memref<128xi32, #tpu.memory_space<vmem>>)
    %dma_start3A_301 = arith.constant 4 : i32
    %dma_start3A_302 = arith.constant 0 : i32
    %dma_start3A_303 = arith.constant 0 : i32
    %dma_start3A_304 = arith.constant 0 : i32
    %dma_start3A_305 = arith.constant 0 : i32
    %dma_start3A_306 = tpu.memref_slice %arg16[%dma_start3A_302, %dma_start3A_304, %dma_start3A_305] : memref<2x128x128xf32, #tpu.memory_space<vmem>> -> memref<1x128x128xf32, #tpu.memory_space<vmem>>
    %dma_start3A_307 = tpu.memref_squeeze %dma_start3A_306 : memref<1x128x128xf32, #tpu.memory_space<vmem>> -> memref<128x128xf32, #tpu.memory_space<vmem>>
    %dma_start3A_308 = arith.constant 0 : i32
    %dma_start3A_309 = tpu.memref_slice %arg15[%dma_start3A_301, %dma_start3A_308] : memref<6x128xi32, #tpu.memory_space<vmem>> -> memref<1x128xi32, #tpu.memory_space<vmem>>
    %dma_start3A_310 = tpu.memref_squeeze %dma_start3A_309 : memref<1x128xi32, #tpu.memory_space<vmem>> -> memref<128xi32, #tpu.memory_space<vmem>>
    %dma_start3A_311 = arith.constant 0 : i32
    %dma_start3A_312 = arith.constant 0 : i32
    %dma_start3A_313 = tpu.memref_slice %arg3[%dma_start3A_311, %dma_start3A_312] : memref<500x128xf32, #tpu.memory_space<hbm>> -> memref<500x128xf32, #tpu.memory_space<hbm>>
    %dma_start3A_314 = tpu.memref_slice %arg18[%dma_start3A_303] : memref<2x!tpu.dma_semaphore, #tpu.memory_space<semaphore_mem>> -> memref<1x!tpu.dma_semaphore, #tpu.memory_space<semaphore_mem>>
    %dma_start3A_315 = tpu.memref_squeeze %dma_start3A_314 : memref<1x!tpu.dma_semaphore, #tpu.memory_space<semaphore_mem>> -> memref<!tpu.dma_semaphore, #tpu.memory_space<semaphore_mem>>
    tpu.enqueue_indirect_dma source(%dma_start3A_313 : memref<500x128xf32, #tpu.memory_space<hbm>>) target(%dma_start3A_307 : memref<128x128xf32, #tpu.memory_space<vmem>>) offsets(%dma_start3A_310 : memref<128xi32, #tpu.memory_space<vmem>>) semaphore(%dma_start3A_315 : memref<!tpu.dma_semaphore, #tpu.memory_space<semaphore_mem>>)
    %dma_wait3A_316 = arith.constant 4 : i32
    %dma_wait3A_317 = arith.constant 0 : i32
    %dma_wait3A_318 = arith.constant 0 : i32
    %dma_wait3A_319 = arith.constant 0 : i32
    %dma_wait3A_320 = arith.constant 0 : i32
    %dma_wait3A_321 = tpu.memref_slice %arg16[%dma_wait3A_317, %dma_wait3A_319, %dma_wait3A_320] : memref<2x128x128xf32, #tpu.memory_space<vmem>> -> memref<1x128x128xf32, #tpu.memory_space<vmem>>
    %dma_wait3A_322 = tpu.memref_squeeze %dma_wait3A_321 : memref<1x128x128xf32, #tpu.memory_space<vmem>> -> memref<128x128xf32, #tpu.memory_space<vmem>>
    %dma_wait3A_323 = arith.constant 0 : i32
    %dma_wait3A_324 = tpu.memref_slice %arg15[%dma_wait3A_316, %dma_wait3A_323] : memref<6x128xi32, #tpu.memory_space<vmem>> -> memref<1x128xi32, #tpu.memory_space<vmem>>
    %dma_wait3A_325 = tpu.memref_squeeze %dma_wait3A_324 : memref<1x128xi32, #tpu.memory_space<vmem>> -> memref<128xi32, #tpu.memory_space<vmem>>
    %dma_wait3A_326 = arith.constant 0 : i32
    %dma_wait3A_327 = arith.constant 0 : i32
    %dma_wait3A_328 = tpu.memref_slice %arg3[%dma_wait3A_326, %dma_wait3A_327] : memref<500x128xf32, #tpu.memory_space<hbm>> -> memref<500x128xf32, #tpu.memory_space<hbm>>
    %dma_wait3A_329 = tpu.memref_slice %arg18[%dma_wait3A_318] : memref<2x!tpu.dma_semaphore, #tpu.memory_space<semaphore_mem>> -> memref<1x!tpu.dma_semaphore, #tpu.memory_space<semaphore_mem>>
    %dma_wait3A_330 = tpu.memref_squeeze %dma_wait3A_329 : memref<1x!tpu.dma_semaphore, #tpu.memory_space<semaphore_mem>> -> memref<!tpu.dma_semaphore, #tpu.memory_space<semaphore_mem>>
    tpu.wait_indirect_dma semaphore(%dma_wait3A_330 : memref<!tpu.dma_semaphore, #tpu.memory_space<semaphore_mem>>) src(%dma_wait3A_328 : memref<500x128xf32, #tpu.memory_space<hbm>>) dst(%dma_wait3A_322 : memref<128x128xf32, #tpu.memory_space<vmem>>)
    %dma_start3A_331 = arith.constant 0 : i32
    %dma_start3A_332 = arith.constant 0 : i32
    %dma_start3A_333 = arith.constant 0 : i32
    %dma_start3A_334 = arith.constant 0 : i32
    %dma_start3A_335 = tpu.memref_slice %arg16[%dma_start3A_331, %dma_start3A_333, %dma_start3A_334] : memref<2x128x128xf32, #tpu.memory_space<vmem>> -> memref<1x128x128xf32, #tpu.memory_space<vmem>>
    %dma_start3A_336 = tpu.memref_squeeze %dma_start3A_335 : memref<1x128x128xf32, #tpu.memory_space<vmem>> -> memref<128x128xf32, #tpu.memory_space<vmem>>
    %dma_start3A_337 = arith.constant 0 : i32
    %dma_start3A_338 = tpu.memref_slice %arg13[%mul3A_2, %dma_start3A_337] : memref<4096x128xf32, #tpu.memory_space<hbm>> -> memref<128x128xf32, #tpu.memory_space<hbm>>
    %dma_start3A_339 = tpu.memref_slice %arg19[%dma_start3A_332] : memref<2x!tpu.dma_semaphore, #tpu.memory_space<semaphore_mem>> -> memref<1x!tpu.dma_semaphore, #tpu.memory_space<semaphore_mem>>
    %dma_start3A_340 = tpu.memref_squeeze %dma_start3A_339 : memref<1x!tpu.dma_semaphore, #tpu.memory_space<semaphore_mem>> -> memref<!tpu.dma_semaphore, #tpu.memory_space<semaphore_mem>>
    %dma_start3A_341 = arith.constant 0 : i32
    %dma_start3A_342 = tpu.memref_slice %arg13[%mul3A_2, %dma_start3A_341] : memref<4096x128xf32, #tpu.memory_space<hbm>> -> memref<128x128xf32, #tpu.memory_space<hbm>>
    %dma_start3A_343 = arith.constant 0 : i32
    %dma_start3A_344 = arith.constant 0 : i32
    %dma_start3A_345 = tpu.memref_slice %arg16[%dma_start3A_331, %dma_start3A_343, %dma_start3A_344] : memref<2x128x128xf32, #tpu.memory_space<vmem>> -> memref<1x128x128xf32, #tpu.memory_space<vmem>>
    %dma_start3A_346 = tpu.memref_squeeze %dma_start3A_345 : memref<1x128x128xf32, #tpu.memory_space<vmem>> -> memref<128x128xf32, #tpu.memory_space<vmem>>
    tpu.enqueue_dma source(%dma_start3A_346 : memref<128x128xf32, #tpu.memory_space<vmem>>) target(%dma_start3A_342 : memref<128x128xf32, #tpu.memory_space<hbm>>) target_semaphore(%dma_start3A_340 : memref<!tpu.dma_semaphore, #tpu.memory_space<semaphore_mem>>)
    %dma_wait3A_347 = arith.constant 1 : i32
    %dma_wait3A_348 = arith.constant 1 : i32
    %dma_wait3A_349 = arith.constant 0 : i32
    %dma_wait3A_350 = arith.constant 0 : i32
    %dma_wait3A_351 = tpu.memref_slice %arg16[%dma_wait3A_347, %dma_wait3A_349, %dma_wait3A_350] : memref<2x128x128xf32, #tpu.memory_space<vmem>> -> memref<1x128x128xf32, #tpu.memory_space<vmem>>
    %dma_wait3A_352 = tpu.memref_squeeze %dma_wait3A_351 : memref<1x128x128xf32, #tpu.memory_space<vmem>> -> memref<128x128xf32, #tpu.memory_space<vmem>>
    %dma_wait3A_353 = arith.constant 0 : i32
    %dma_wait3A_354 = tpu.memref_slice %arg14[%mul3A_2, %dma_wait3A_353] : memref<4096x128xf32, #tpu.memory_space<hbm>> -> memref<128x128xf32, #tpu.memory_space<hbm>>
    %dma_wait3A_355 = tpu.memref_slice %arg19[%dma_wait3A_348] : memref<2x!tpu.dma_semaphore, #tpu.memory_space<semaphore_mem>> -> memref<1x!tpu.dma_semaphore, #tpu.memory_space<semaphore_mem>>
    %dma_wait3A_356 = tpu.memref_squeeze %dma_wait3A_355 : memref<1x!tpu.dma_semaphore, #tpu.memory_space<semaphore_mem>> -> memref<!tpu.dma_semaphore, #tpu.memory_space<semaphore_mem>>
    %dma_wait3A_357 = arith.constant 0 : i32
    %dma_wait3A_358 = tpu.memref_slice %arg14[%mul3A_2, %dma_wait3A_357] : memref<4096x128xf32, #tpu.memory_space<hbm>> -> memref<128x128xf32, #tpu.memory_space<hbm>>
    %dma_wait3A_359 = arith.constant 0 : i32
    %dma_wait3A_360 = arith.constant 0 : i32
    %dma_wait3A_361 = tpu.memref_slice %arg16[%dma_wait3A_347, %dma_wait3A_359, %dma_wait3A_360] : memref<2x128x128xf32, #tpu.memory_space<vmem>> -> memref<1x128x128xf32, #tpu.memory_space<vmem>>
    %dma_wait3A_362 = tpu.memref_squeeze %dma_wait3A_361 : memref<1x128x128xf32, #tpu.memory_space<vmem>> -> memref<128x128xf32, #tpu.memory_space<vmem>>
    tpu.wait_dma2 semaphore(%dma_wait3A_356 : memref<!tpu.dma_semaphore, #tpu.memory_space<semaphore_mem>>) src(%dma_wait3A_362 : memref<128x128xf32, #tpu.memory_space<vmem>>) dst(%dma_wait3A_358 : memref<128x128xf32, #tpu.memory_space<hbm>>)
    %dma_wait3A_363 = arith.constant 5 : i32
    %dma_wait3A_364 = arith.constant 5 : i32
    %dma_wait3A_365 = arith.constant 0 : i32
    %dma_wait3A_366 = tpu.memref_slice %arg15[%dma_wait3A_363, %dma_wait3A_365] : memref<6x128xi32, #tpu.memory_space<vmem>> -> memref<1x128xi32, #tpu.memory_space<vmem>>
    %dma_wait3A_367 = tpu.memref_squeeze %dma_wait3A_366 : memref<1x128xi32, #tpu.memory_space<vmem>> -> memref<128xi32, #tpu.memory_space<vmem>>
    %dma_wait3A_368 = tpu.memref_slice %arg10[%mul3A_2] : memref<4096xi32, #tpu.memory_space<hbm>> -> memref<128xi32, #tpu.memory_space<hbm>>
    %dma_wait3A_369 = tpu.memref_slice %arg17[%dma_wait3A_364] : memref<6x!tpu.dma_semaphore, #tpu.memory_space<semaphore_mem>> -> memref<1x!tpu.dma_semaphore, #tpu.memory_space<semaphore_mem>>
    %dma_wait3A_370 = tpu.memref_squeeze %dma_wait3A_369 : memref<1x!tpu.dma_semaphore, #tpu.memory_space<semaphore_mem>> -> memref<!tpu.dma_semaphore, #tpu.memory_space<semaphore_mem>>
    %dma_wait3A_371 = arith.constant 0 : i32
    %dma_wait3A_372 = tpu.memref_slice %arg15[%dma_wait3A_363, %dma_wait3A_371] : memref<6x128xi32, #tpu.memory_space<vmem>> -> memref<1x128xi32, #tpu.memory_space<vmem>>
    %dma_wait3A_373 = tpu.memref_squeeze %dma_wait3A_372 : memref<1x128xi32, #tpu.memory_space<vmem>> -> memref<128xi32, #tpu.memory_space<vmem>>
    %dma_wait3A_374 = tpu.memref_slice %arg10[%mul3A_2] : memref<4096xi32, #tpu.memory_space<hbm>> -> memref<128xi32, #tpu.memory_space<hbm>>
    tpu.wait_dma2 semaphore(%dma_wait3A_370 : memref<!tpu.dma_semaphore, #tpu.memory_space<semaphore_mem>>) src(%dma_wait3A_374 : memref<128xi32, #tpu.memory_space<hbm>>) dst(%dma_wait3A_373 : memref<128xi32, #tpu.memory_space<vmem>>)
    %dma_start3A_375 = arith.constant 5 : i32
    %dma_start3A_376 = arith.constant 1 : i32
    %dma_start3A_377 = arith.constant 1 : i32
    %dma_start3A_378 = arith.constant 0 : i32
    %dma_start3A_379 = arith.constant 0 : i32
    %dma_start3A_380 = tpu.memref_slice %arg16[%dma_start3A_376, %dma_start3A_378, %dma_start3A_379] : memref<2x128x128xf32, #tpu.memory_space<vmem>> -> memref<1x128x128xf32, #tpu.memory_space<vmem>>
    %dma_start3A_381 = tpu.memref_squeeze %dma_start3A_380 : memref<1x128x128xf32, #tpu.memory_space<vmem>> -> memref<128x128xf32, #tpu.memory_space<vmem>>
    %dma_start3A_382 = arith.constant 0 : i32
    %dma_start3A_383 = tpu.memref_slice %arg15[%dma_start3A_375, %dma_start3A_382] : memref<6x128xi32, #tpu.memory_space<vmem>> -> memref<1x128xi32, #tpu.memory_space<vmem>>
    %dma_start3A_384 = tpu.memref_squeeze %dma_start3A_383 : memref<1x128xi32, #tpu.memory_space<vmem>> -> memref<128xi32, #tpu.memory_space<vmem>>
    %dma_start3A_385 = arith.constant 0 : i32
    %dma_start3A_386 = arith.constant 0 : i32
    %dma_start3A_387 = tpu.memref_slice %arg4[%dma_start3A_385, %dma_start3A_386] : memref<365x128xf32, #tpu.memory_space<hbm>> -> memref<365x128xf32, #tpu.memory_space<hbm>>
    %dma_start3A_388 = tpu.memref_slice %arg18[%dma_start3A_377] : memref<2x!tpu.dma_semaphore, #tpu.memory_space<semaphore_mem>> -> memref<1x!tpu.dma_semaphore, #tpu.memory_space<semaphore_mem>>
    %dma_start3A_389 = tpu.memref_squeeze %dma_start3A_388 : memref<1x!tpu.dma_semaphore, #tpu.memory_space<semaphore_mem>> -> memref<!tpu.dma_semaphore, #tpu.memory_space<semaphore_mem>>
    tpu.enqueue_indirect_dma source(%dma_start3A_387 : memref<365x128xf32, #tpu.memory_space<hbm>>) target(%dma_start3A_381 : memref<128x128xf32, #tpu.memory_space<vmem>>) offsets(%dma_start3A_384 : memref<128xi32, #tpu.memory_space<vmem>>) semaphore(%dma_start3A_389 : memref<!tpu.dma_semaphore, #tpu.memory_space<semaphore_mem>>)
    %dma_wait3A_390 = arith.constant 5 : i32
    %dma_wait3A_391 = arith.constant 1 : i32
    %dma_wait3A_392 = arith.constant 1 : i32
    %dma_wait3A_393 = arith.constant 0 : i32
    %dma_wait3A_394 = arith.constant 0 : i32
    %dma_wait3A_395 = tpu.memref_slice %arg16[%dma_wait3A_391, %dma_wait3A_393, %dma_wait3A_394] : memref<2x128x128xf32, #tpu.memory_space<vmem>> -> memref<1x128x128xf32, #tpu.memory_space<vmem>>
    %dma_wait3A_396 = tpu.memref_squeeze %dma_wait3A_395 : memref<1x128x128xf32, #tpu.memory_space<vmem>> -> memref<128x128xf32, #tpu.memory_space<vmem>>
    %dma_wait3A_397 = arith.constant 0 : i32
    %dma_wait3A_398 = tpu.memref_slice %arg15[%dma_wait3A_390, %dma_wait3A_397] : memref<6x128xi32, #tpu.memory_space<vmem>> -> memref<1x128xi32, #tpu.memory_space<vmem>>
    %dma_wait3A_399 = tpu.memref_squeeze %dma_wait3A_398 : memref<1x128xi32, #tpu.memory_space<vmem>> -> memref<128xi32, #tpu.memory_space<vmem>>
    %dma_wait3A_400 = arith.constant 0 : i32
    %dma_wait3A_401 = arith.constant 0 : i32
    %dma_wait3A_402 = tpu.memref_slice %arg4[%dma_wait3A_400, %dma_wait3A_401] : memref<365x128xf32, #tpu.memory_space<hbm>> -> memref<365x128xf32, #tpu.memory_space<hbm>>
    %dma_wait3A_403 = tpu.memref_slice %arg18[%dma_wait3A_392] : memref<2x!tpu.dma_semaphore, #tpu.memory_space<semaphore_mem>> -> memref<1x!tpu.dma_semaphore, #tpu.memory_space<semaphore_mem>>
    %dma_wait3A_404 = tpu.memref_squeeze %dma_wait3A_403 : memref<1x!tpu.dma_semaphore, #tpu.memory_space<semaphore_mem>> -> memref<!tpu.dma_semaphore, #tpu.memory_space<semaphore_mem>>
    tpu.wait_indirect_dma semaphore(%dma_wait3A_404 : memref<!tpu.dma_semaphore, #tpu.memory_space<semaphore_mem>>) src(%dma_wait3A_402 : memref<365x128xf32, #tpu.memory_space<hbm>>) dst(%dma_wait3A_396 : memref<128x128xf32, #tpu.memory_space<vmem>>)
    %dma_start3A_405 = arith.constant 1 : i32
    %dma_start3A_406 = arith.constant 1 : i32
    %dma_start3A_407 = arith.constant 0 : i32
    %dma_start3A_408 = arith.constant 0 : i32
    %dma_start3A_409 = tpu.memref_slice %arg16[%dma_start3A_405, %dma_start3A_407, %dma_start3A_408] : memref<2x128x128xf32, #tpu.memory_space<vmem>> -> memref<1x128x128xf32, #tpu.memory_space<vmem>>
    %dma_start3A_410 = tpu.memref_squeeze %dma_start3A_409 : memref<1x128x128xf32, #tpu.memory_space<vmem>> -> memref<128x128xf32, #tpu.memory_space<vmem>>
    %dma_start3A_411 = arith.constant 0 : i32
    %dma_start3A_412 = tpu.memref_slice %arg14[%mul3A_2, %dma_start3A_411] : memref<4096x128xf32, #tpu.memory_space<hbm>> -> memref<128x128xf32, #tpu.memory_space<hbm>>
    %dma_start3A_413 = tpu.memref_slice %arg19[%dma_start3A_406] : memref<2x!tpu.dma_semaphore, #tpu.memory_space<semaphore_mem>> -> memref<1x!tpu.dma_semaphore, #tpu.memory_space<semaphore_mem>>
    %dma_start3A_414 = tpu.memref_squeeze %dma_start3A_413 : memref<1x!tpu.dma_semaphore, #tpu.memory_space<semaphore_mem>> -> memref<!tpu.dma_semaphore, #tpu.memory_space<semaphore_mem>>
    %dma_start3A_415 = arith.constant 0 : i32
    %dma_start3A_416 = tpu.memref_slice %arg14[%mul3A_2, %dma_start3A_415] : memref<4096x128xf32, #tpu.memory_space<hbm>> -> memref<128x128xf32, #tpu.memory_space<hbm>>
    %dma_start3A_417 = arith.constant 0 : i32
    %dma_start3A_418 = arith.constant 0 : i32
    %dma_start3A_419 = tpu.memref_slice %arg16[%dma_start3A_405, %dma_start3A_417, %dma_start3A_418] : memref<2x128x128xf32, #tpu.memory_space<vmem>> -> memref<1x128x128xf32, #tpu.memory_space<vmem>>
    %dma_start3A_420 = tpu.memref_squeeze %dma_start3A_419 : memref<1x128x128xf32, #tpu.memory_space<vmem>> -> memref<128x128xf32, #tpu.memory_space<vmem>>
    tpu.enqueue_dma source(%dma_start3A_420 : memref<128x128xf32, #tpu.memory_space<vmem>>) target(%dma_start3A_416 : memref<128x128xf32, #tpu.memory_space<hbm>>) target_semaphore(%dma_start3A_414 : memref<!tpu.dma_semaphore, #tpu.memory_space<semaphore_mem>>)
    %dma_wait3A_421 = arith.constant 0 : i32
    %dma_wait3A_422 = arith.constant 0 : i32
    %dma_wait3A_423 = arith.constant 0 : i32
    %dma_wait3A_424 = arith.constant 0 : i32
    %dma_wait3A_425 = tpu.memref_slice %arg16[%dma_wait3A_421, %dma_wait3A_423, %dma_wait3A_424] : memref<2x128x128xf32, #tpu.memory_space<vmem>> -> memref<1x128x128xf32, #tpu.memory_space<vmem>>
    %dma_wait3A_426 = tpu.memref_squeeze %dma_wait3A_425 : memref<1x128x128xf32, #tpu.memory_space<vmem>> -> memref<128x128xf32, #tpu.memory_space<vmem>>
    %dma_wait3A_427 = arith.constant 0 : i32
    %dma_wait3A_428 = tpu.memref_slice %arg13[%mul3A_2, %dma_wait3A_427] : memref<4096x128xf32, #tpu.memory_space<hbm>> -> memref<128x128xf32, #tpu.memory_space<hbm>>
    %dma_wait3A_429 = tpu.memref_slice %arg19[%dma_wait3A_422] : memref<2x!tpu.dma_semaphore, #tpu.memory_space<semaphore_mem>> -> memref<1x!tpu.dma_semaphore, #tpu.memory_space<semaphore_mem>>
    %dma_wait3A_430 = tpu.memref_squeeze %dma_wait3A_429 : memref<1x!tpu.dma_semaphore, #tpu.memory_space<semaphore_mem>> -> memref<!tpu.dma_semaphore, #tpu.memory_space<semaphore_mem>>
    %dma_wait3A_431 = arith.constant 0 : i32
    %dma_wait3A_432 = tpu.memref_slice %arg13[%mul3A_2, %dma_wait3A_431] : memref<4096x128xf32, #tpu.memory_space<hbm>> -> memref<128x128xf32, #tpu.memory_space<hbm>>
    %dma_wait3A_433 = arith.constant 0 : i32
    %dma_wait3A_434 = arith.constant 0 : i32
    %dma_wait3A_435 = tpu.memref_slice %arg16[%dma_wait3A_421, %dma_wait3A_433, %dma_wait3A_434] : memref<2x128x128xf32, #tpu.memory_space<vmem>> -> memref<1x128x128xf32, #tpu.memory_space<vmem>>
    %dma_wait3A_436 = tpu.memref_squeeze %dma_wait3A_435 : memref<1x128x128xf32, #tpu.memory_space<vmem>> -> memref<128x128xf32, #tpu.memory_space<vmem>>
    tpu.wait_dma2 semaphore(%dma_wait3A_430 : memref<!tpu.dma_semaphore, #tpu.memory_space<semaphore_mem>>) src(%dma_wait3A_436 : memref<128x128xf32, #tpu.memory_space<vmem>>) dst(%dma_wait3A_432 : memref<128x128xf32, #tpu.memory_space<hbm>>)
    %dma_wait3A_437 = arith.constant 1 : i32
    %dma_wait3A_438 = arith.constant 1 : i32
    %dma_wait3A_439 = arith.constant 0 : i32
    %dma_wait3A_440 = arith.constant 0 : i32
    %dma_wait3A_441 = tpu.memref_slice %arg16[%dma_wait3A_437, %dma_wait3A_439, %dma_wait3A_440] : memref<2x128x128xf32, #tpu.memory_space<vmem>> -> memref<1x128x128xf32, #tpu.memory_space<vmem>>
    %dma_wait3A_442 = tpu.memref_squeeze %dma_wait3A_441 : memref<1x128x128xf32, #tpu.memory_space<vmem>> -> memref<128x128xf32, #tpu.memory_space<vmem>>
    %dma_wait3A_443 = arith.constant 0 : i32
    %dma_wait3A_444 = tpu.memref_slice %arg13[%mul3A_2, %dma_wait3A_443] : memref<4096x128xf32, #tpu.memory_space<hbm>> -> memref<128x128xf32, #tpu.memory_space<hbm>>
    %dma_wait3A_445 = tpu.memref_slice %arg19[%dma_wait3A_438] : memref<2x!tpu.dma_semaphore, #tpu.memory_space<semaphore_mem>> -> memref<1x!tpu.dma_semaphore, #tpu.memory_space<semaphore_mem>>
    %dma_wait3A_446 = tpu.memref_squeeze %dma_wait3A_445 : memref<1x!tpu.dma_semaphore, #tpu.memory_space<semaphore_mem>> -> memref<!tpu.dma_semaphore, #tpu.memory_space<semaphore_mem>>
    %dma_wait3A_447 = arith.constant 0 : i32
    %dma_wait3A_448 = tpu.memref_slice %arg13[%mul3A_2, %dma_wait3A_447] : memref<4096x128xf32, #tpu.memory_space<hbm>> -> memref<128x128xf32, #tpu.memory_space<hbm>>
    %dma_wait3A_449 = arith.constant 0 : i32
    %dma_wait3A_450 = arith.constant 0 : i32
    %dma_wait3A_451 = tpu.memref_slice %arg16[%dma_wait3A_437, %dma_wait3A_449, %dma_wait3A_450] : memref<2x128x128xf32, #tpu.memory_space<vmem>> -> memref<1x128x128xf32, #tpu.memory_space<vmem>>
    %dma_wait3A_452 = tpu.memref_squeeze %dma_wait3A_451 : memref<1x128x128xf32, #tpu.memory_space<vmem>> -> memref<128x128xf32, #tpu.memory_space<vmem>>
    tpu.wait_dma2 semaphore(%dma_wait3A_446 : memref<!tpu.dma_semaphore, #tpu.memory_space<semaphore_mem>>) src(%dma_wait3A_452 : memref<128x128xf32, #tpu.memory_space<vmem>>) dst(%dma_wait3A_448 : memref<128x128xf32, #tpu.memory_space<hbm>>)
    return
  }
}

module attributes {stable_mosaic.version = 14 : i64} {
  func.func @_act_body(%arg0: i32, %arg1: memref<2x2000x128xf32, #tpu.memory_space<vmem>>, %arg2: memref<128x128xf32, #tpu.memory_space<vmem>>, %arg3: memref<1x128xf32, #tpu.memory_space<vmem>>, %arg4: memref<2000x128xf32, #tpu.memory_space<vmem>>) attributes {dimension_semantics = [#tpu.dimension_semantics<arbitrary>], iteration_bounds = array<i64: 5>, scalar_prefetch = 0 : i64, scratch_operands = 0 : i64, tpu.core_type = #tpu.core_type<tc>, window_params = [{transform_indices = @transform_0, window_bounds = array<i64: 2, 2000, 128>}, {pipeline_mode = #tpu.pipeline_mode<synchronous>, transform_indices = @transform_1, window_bounds = array<i64: 128, 128>}, {pipeline_mode = #tpu.pipeline_mode<synchronous>, transform_indices = @transform_2, window_bounds = array<i64: 1, 128>}, {transform_indices = @transform_3, window_bounds = array<i64: 2000, 128>}]} {
    %get3A = arith.constant 0 : index
    %get3A_0 = arith.constant 0 : index
    %get3A_1 = arith.constant 0 : index
    %get3A_2 = vector.load %arg1[%get3A, %get3A_0, %get3A_1] : memref<2x2000x128xf32, #tpu.memory_space<vmem>>, vector<1x2000x128xf32>
    %get3A_3 = vector.shape_cast %get3A_2 : vector<1x2000x128xf32> to vector<2000x128xf32>
    %get3A_4 = arith.constant 1 : index
    %get3A_5 = arith.constant 0 : index
    %get3A_6 = arith.constant 0 : index
    %get3A_7 = vector.load %arg1[%get3A_4, %get3A_5, %get3A_6] : memref<2x2000x128xf32, #tpu.memory_space<vmem>>, vector<1x2000x128xf32>
    %get3A_8 = vector.shape_cast %get3A_7 : vector<1x2000x128xf32> to vector<2000x128xf32>
    %add3A = arith.addf %get3A_3, %get3A_8 : vector<2000x128xf32>
    %get3A_9 = arith.constant 0 : index
    %get3A_10 = arith.constant 0 : index
    %get3A_11 = vector.load %arg2[%get3A_9, %get3A_10] : memref<128x128xf32, #tpu.memory_space<vmem>>, vector<128x128xf32>
    %dot_general3A = arith.constant dense<0.000000e+00> : vector<2000x128xf32>
    %dot_general3A_12 = tpu.matmul %add3A, %get3A_11, %dot_general3A {dimension_numbers = #tpu.dot_dimension_numbers<[1], [1], [0], [0], [0, 0, 1, 0], [], []>, transpose_lhs_hint = false} : vector<2000x128xf32>, vector<128x128xf32>, vector<2000x128xf32> -> vector<2000x128xf32>
    %get3A_13 = arith.constant 0 : index
    %get3A_14 = arith.constant 0 : index
    %get3A_15 = vector.load %arg3[%get3A_13, %get3A_14] : memref<1x128xf32, #tpu.memory_space<vmem>>, vector<1x128xf32>
    %add3A_16 = vector.broadcast %get3A_15 : vector<1x128xf32> to vector<2000x128xf32>
    %add3A_17 = arith.addf %dot_general3A_12, %add3A_16 : vector<2000x128xf32>
    %tanh3A = math.tanh %add3A_17 : vector<2000x128xf32>
    %swap3A = arith.constant 0 : index
    %swap3A_18 = arith.constant 0 : index
    %swap3A_19 = vector.load %arg4[%swap3A, %swap3A_18] : memref<2000x128xf32, #tpu.memory_space<vmem>>, vector<2000x128xf32>
    tpu.vector_store %arg4[%swap3A, %swap3A_18], %tanh3A {strides = array<i32>} : memref<2000x128xf32, #tpu.memory_space<vmem>>, vector<2000x128xf32>,
    return
  }
  func.func @transform_0(%arg0: i32) -> (i32, i32, i32) {
    %c0_i32 = arith.constant 0 : i32
    %c0_i32_0 = arith.constant 0 : i32
    %c0_i32_1 = arith.constant 0 : i32
    return %c0_i32, %arg0, %c0_i32_0 : i32, i32, i32
  }
  func.func @transform_1(%arg0: i32) -> (i32, i32) {
    %c0_i32 = arith.constant 0 : i32
    %c0_i32_0 = arith.constant 0 : i32
    %c0_i32_1 = arith.constant 0 : i32
    return %c0_i32, %c0_i32_0 : i32, i32
  }
  func.func @transform_2(%arg0: i32) -> (i32, i32) {
    %c0_i32 = arith.constant 0 : i32
    %c0_i32_0 = arith.constant 0 : i32
    %c0_i32_1 = arith.constant 0 : i32
    return %c0_i32, %c0_i32_0 : i32, i32
  }
  func.func @transform_3(%arg0: i32) -> (i32, i32) {
    %c0_i32 = arith.constant 0 : i32
    %c0_i32_0 = arith.constant 0 : i32
    return %arg0, %c0_i32 : i32, i32
  }
}

module attributes {stable_mosaic.version = 14 : i64} {
  func.func @_score_body(%arg0: i32, %arg1: memref<4096x128xf32, #tpu.memory_space<vmem>>, %arg2: memref<4096x128xf32, #tpu.memory_space<vmem>>, %arg3: memref<4096x128xf32, #tpu.memory_space<vmem>>, %arg4: memref<4096x128xf32, #tpu.memory_space<vmem>>, %arg5: memref<128x128xf32, #tpu.memory_space<vmem>>, %arg6: memref<1x128xf32, #tpu.memory_space<vmem>>, %arg7: memref<4096x1xf32, #tpu.memory_space<vmem>>) attributes {dimension_semantics = [#tpu.dimension_semantics<arbitrary>], iteration_bounds = array<i64: 1>, scalar_prefetch = 0 : i64, scratch_operands = 0 : i64, tpu.core_type = #tpu.core_type<tc>, window_params = [{transform_indices = @transform_0, window_bounds = array<i64: 4096, 128>}, {transform_indices = @transform_1, window_bounds = array<i64: 4096, 128>}, {transform_indices = @transform_2, window_bounds = array<i64: 4096, 128>}, {transform_indices = @transform_3, window_bounds = array<i64: 4096, 128>}, {pipeline_mode = #tpu.pipeline_mode<synchronous>, transform_indices = @transform_4, window_bounds = array<i64: 128, 128>}, {pipeline_mode = #tpu.pipeline_mode<synchronous>, transform_indices = @transform_5, window_bounds = array<i64: 1, 128>}, {transform_indices = @transform_6, window_bounds = array<i64: 4096, 1>}]} {
    %get3A = arith.constant 0 : index
    %get3A_0 = arith.constant 0 : index
    %get3A_1 = vector.load %arg4[%get3A, %get3A_0] : memref<4096x128xf32, #tpu.memory_space<vmem>>, vector<4096x128xf32>
    %mul3A = arith.mulf %get3A_1, %get3A_1 : vector<4096x128xf32>
    %reduce_sum3A = arith.constant dense<0.000000e+00> : vector<4096xf32>
    %reduce_sum3A_2 = vector.multi_reduction <add>, %mul3A, %reduce_sum3A [1] : vector<4096x128xf32> to vector<4096xf32>
    %broadcast_in_dim3A = vector.shape_cast %reduce_sum3A_2 : vector<4096xf32> to vector<4096x1xf32>
    %sqrt3A = math.sqrt %broadcast_in_dim3A : vector<4096x1xf32>
    %max3A = arith.constant 9.99999996E-13 : f32
    %max3A_3 = vector.broadcast %max3A : f32 to vector<4096x1xf32>
    %max3A_4 = arith.maximumf %sqrt3A, %max3A_3 : vector<4096x1xf32>
    %div3A = vector.broadcast %max3A_4 : vector<4096x1xf32> to vector<4096x128xf32>
    %div3A_5 = arith.divf %get3A_1, %div3A : vector<4096x128xf32>
    %get3A_6 = arith.constant 0 : index
    %get3A_7 = arith.constant 0 : index
    %get3A_8 = vector.load %arg1[%get3A_6, %get3A_7] : memref<4096x128xf32, #tpu.memory_space<vmem>>, vector<4096x128xf32>
    %get3A_9 = arith.constant 0 : index
    %get3A_10 = arith.constant 0 : index
    %get3A_11 = vector.load %arg5[%get3A_9, %get3A_10] : memref<128x128xf32, #tpu.memory_space<vmem>>, vector<128x128xf32>
    %dot_general3A = arith.constant dense<0.000000e+00> : vector<4096x128xf32>
    %dot_general3A_12 = tpu.matmul %get3A_8, %get3A_11, %dot_general3A {dimension_numbers = #tpu.dot_dimension_numbers<[1], [1], [0], [0], [0, 0, 1, 0], [], []>, transpose_lhs_hint = false} : vector<4096x128xf32>, vector<128x128xf32>, vector<4096x128xf32> -> vector<4096x128xf32>
    %get3A_13 = arith.constant 0 : index
    %get3A_14 = arith.constant 0 : index
    %get3A_15 = vector.load %arg6[%get3A_13, %get3A_14] : memref<1x128xf32, #tpu.memory_space<vmem>>, vector<1x128xf32>
    %add3A = vector.broadcast %get3A_15 : vector<1x128xf32> to vector<4096x128xf32>
    %add3A_16 = arith.addf %dot_general3A_12, %add3A : vector<4096x128xf32>
    %tanh3A = math.tanh %add3A_16 : vector<4096x128xf32>
    %mul3A_17 = arith.mulf %div3A_5, %tanh3A : vector<4096x128xf32>
    %reduce_sum3A_18 = arith.constant dense<0.000000e+00> : vector<4096xf32>
    %reduce_sum3A_19 = vector.multi_reduction <add>, %mul3A_17, %reduce_sum3A_18 [1] : vector<4096x128xf32> to vector<4096xf32>
    %broadcast_in_dim3A_20 = vector.shape_cast %reduce_sum3A_19 : vector<4096xf32> to vector<4096x1xf32>
    %mul3A_21 = vector.broadcast %broadcast_in_dim3A_20 : vector<4096x1xf32> to vector<4096x128xf32>
    %mul3A_22 = arith.mulf %mul3A_21, %div3A_5 : vector<4096x128xf32>
    %sub3A = arith.subf %tanh3A, %mul3A_22 : vector<4096x128xf32>
    %mul3A_23 = arith.mulf %sub3A, %sub3A : vector<4096x128xf32>
    %reduce_sum3A_24 = arith.constant dense<0.000000e+00> : vector<4096xf32>
    %reduce_sum3A_25 = vector.multi_reduction <add>, %mul3A_23, %reduce_sum3A_24 [1] : vector<4096x128xf32> to vector<4096xf32>
    %broadcast_in_dim3A_26 = vector.shape_cast %reduce_sum3A_25 : vector<4096xf32> to vector<4096x1xf32>
    %sqrt3A_27 = math.sqrt %broadcast_in_dim3A_26 : vector<4096x1xf32>
    %max3A_28 = arith.constant 9.99999996E-13 : f32
    %max3A_29 = vector.broadcast %max3A_28 : f32 to vector<4096x1xf32>
    %max3A_30 = arith.maximumf %sqrt3A_27, %max3A_29 : vector<4096x1xf32>
    %div3A_31 = vector.broadcast %max3A_30 : vector<4096x1xf32> to vector<4096x128xf32>
    %div3A_32 = arith.divf %sub3A, %div3A_31 : vector<4096x128xf32>
    %get3A_33 = arith.constant 0 : index
    %get3A_34 = arith.constant 0 : index
    %get3A_35 = vector.load %arg3[%get3A_33, %get3A_34] : memref<4096x128xf32, #tpu.memory_space<vmem>>, vector<4096x128xf32>
    %mul3A_36 = arith.mulf %div3A_5, %get3A_35 : vector<4096x128xf32>
    %reduce_sum3A_37 = arith.constant dense<0.000000e+00> : vector<4096xf32>
    %reduce_sum3A_38 = vector.multi_reduction <add>, %mul3A_36, %reduce_sum3A_37 [1] : vector<4096x128xf32> to vector<4096xf32>
    %broadcast_in_dim3A_39 = vector.shape_cast %reduce_sum3A_38 : vector<4096xf32> to vector<4096x1xf32>
    %mul3A_40 = vector.broadcast %broadcast_in_dim3A_39 : vector<4096x1xf32> to vector<4096x128xf32>
    %mul3A_41 = arith.mulf %mul3A_40, %div3A_5 : vector<4096x128xf32>
    %sub3A_42 = arith.subf %get3A_35, %mul3A_41 : vector<4096x128xf32>
    %mul3A_43 = arith.mulf %sub3A_42, %sub3A_42 : vector<4096x128xf32>
    %reduce_sum3A_44 = arith.constant dense<0.000000e+00> : vector<4096xf32>
    %reduce_sum3A_45 = vector.multi_reduction <add>, %mul3A_43, %reduce_sum3A_44 [1] : vector<4096x128xf32> to vector<4096xf32>
    %broadcast_in_dim3A_46 = vector.shape_cast %reduce_sum3A_45 : vector<4096xf32> to vector<4096x1xf32>
    %sqrt3A_47 = math.sqrt %broadcast_in_dim3A_46 : vector<4096x1xf32>
    %max3A_48 = arith.constant 9.99999996E-13 : f32
    %max3A_49 = vector.broadcast %max3A_48 : f32 to vector<4096x1xf32>
    %max3A_50 = arith.maximumf %sqrt3A_47, %max3A_49 : vector<4096x1xf32>
    %div3A_51 = vector.broadcast %max3A_50 : vector<4096x1xf32> to vector<4096x128xf32>
    %div3A_52 = arith.divf %sub3A_42, %div3A_51 : vector<4096x128xf32>
    %get3A_53 = arith.constant 0 : index
    %get3A_54 = arith.constant 0 : index
    %get3A_55 = vector.load %arg2[%get3A_53, %get3A_54] : memref<4096x128xf32, #tpu.memory_space<vmem>>, vector<4096x128xf32>
    %get3A_56 = arith.constant 0 : index
    %get3A_57 = arith.constant 0 : index
    %get3A_58 = vector.load %arg5[%get3A_56, %get3A_57] : memref<128x128xf32, #tpu.memory_space<vmem>>, vector<128x128xf32>
    %dot_general3A_59 = arith.constant dense<0.000000e+00> : vector<4096x128xf32>
    %dot_general3A_60 = tpu.matmul %get3A_55, %get3A_58, %dot_general3A_59 {dimension_numbers = #tpu.dot_dimension_numbers<[1], [1], [0], [0], [0, 0, 1, 0], [], []>, transpose_lhs_hint = false} : vector<4096x128xf32>, vector<128x128xf32>, vector<4096x128xf32> -> vector<4096x128xf32>
    %get3A_61 = arith.constant 0 : index
    %get3A_62 = arith.constant 0 : index
    %get3A_63 = vector.load %arg6[%get3A_61, %get3A_62] : memref<1x128xf32, #tpu.memory_space<vmem>>, vector<1x128xf32>
    %add3A_64 = vector.broadcast %get3A_63 : vector<1x128xf32> to vector<4096x128xf32>
    %add3A_65 = arith.addf %dot_general3A_60, %add3A_64 : vector<4096x128xf32>
    %tanh3A_66 = math.tanh %add3A_65 : vector<4096x128xf32>
    %mul3A_67 = arith.mulf %div3A_5, %tanh3A_66 : vector<4096x128xf32>
    %reduce_sum3A_68 = arith.constant dense<0.000000e+00> : vector<4096xf32>
    %reduce_sum3A_69 = vector.multi_reduction <add>, %mul3A_67, %reduce_sum3A_68 [1] : vector<4096x128xf32> to vector<4096xf32>
    %broadcast_in_dim3A_70 = vector.shape_cast %reduce_sum3A_69 : vector<4096xf32> to vector<4096x1xf32>
    %mul3A_71 = vector.broadcast %broadcast_in_dim3A_70 : vector<4096x1xf32> to vector<4096x128xf32>
    %mul3A_72 = arith.mulf %mul3A_71, %div3A_5 : vector<4096x128xf32>
    %sub3A_73 = arith.subf %tanh3A_66, %mul3A_72 : vector<4096x128xf32>
    %mul3A_74 = arith.mulf %sub3A_73, %sub3A_73 : vector<4096x128xf32>
    %reduce_sum3A_75 = arith.constant dense<0.000000e+00> : vector<4096xf32>
    %reduce_sum3A_76 = vector.multi_reduction <add>, %mul3A_74, %reduce_sum3A_75 [1] : vector<4096x128xf32> to vector<4096xf32>
    %broadcast_in_dim3A_77 = vector.shape_cast %reduce_sum3A_76 : vector<4096xf32> to vector<4096x1xf32>
    %sqrt3A_78 = math.sqrt %broadcast_in_dim3A_77 : vector<4096x1xf32>
    %max3A_79 = arith.constant 9.99999996E-13 : f32
    %max3A_80 = vector.broadcast %max3A_79 : f32 to vector<4096x1xf32>
    %max3A_81 = arith.maximumf %sqrt3A_78, %max3A_80 : vector<4096x1xf32>
    %div3A_82 = vector.broadcast %max3A_81 : vector<4096x1xf32> to vector<4096x128xf32>
    %div3A_83 = arith.divf %sub3A_73, %div3A_82 : vector<4096x128xf32>
    %add3A_84 = arith.addf %div3A_32, %div3A_52 : vector<4096x128xf32>
    %sub3A_85 = arith.subf %add3A_84, %div3A_83 : vector<4096x128xf32>
    %mul3A_86 = arith.mulf %sub3A_85, %sub3A_85 : vector<4096x128xf32>
    %reduce_sum3A_87 = arith.constant dense<0.000000e+00> : vector<4096xf32>
    %reduce_sum3A_88 = vector.multi_reduction <add>, %mul3A_86, %reduce_sum3A_87 [1] : vector<4096x128xf32> to vector<4096xf32>
    %broadcast_in_dim3A_89 = vector.shape_cast %reduce_sum3A_88 : vector<4096xf32> to vector<4096x1xf32>
    %sqrt3A_90 = math.sqrt %broadcast_in_dim3A_89 : vector<4096x1xf32>
    %swap3A = arith.constant 0 : index
    %swap3A_91 = arith.constant 0 : index
    %swap3A_92 = vector.load %arg7[%swap3A, %swap3A_91] : memref<4096x1xf32, #tpu.memory_space<vmem>>, vector<4096x1xf32>
    tpu.vector_store %arg7[%swap3A, %swap3A_91], %sqrt3A_90 {strides = array<i32>} : memref<4096x1xf32, #tpu.memory_space<vmem>>, vector<4096x1xf32>,
    return
  }
  func.func @transform_0(%arg0: i32) -> (i32, i32) {
    %c0_i32 = arith.constant 0 : i32
    %c0_i32_0 = arith.constant 0 : i32
    return %arg0, %c0_i32 : i32, i32
  }
  func.func @transform_1(%arg0: i32) -> (i32, i32) {
    %c0_i32 = arith.constant 0 : i32
    %c0_i32_0 = arith.constant 0 : i32
    return %arg0, %c0_i32 : i32, i32
  }
  func.func @transform_2(%arg0: i32) -> (i32, i32) {
    %c0_i32 = arith.constant 0 : i32
    %c0_i32_0 = arith.constant 0 : i32
    return %arg0, %c0_i32 : i32, i32
  }
  func.func @transform_3(%arg0: i32) -> (i32, i32) {
    %c0_i32 = arith.constant 0 : i32
    %c0_i32_0 = arith.constant 0 : i32
    return %arg0, %c0_i32 : i32, i32
  }
  func.func @transform_4(%arg0: i32) -> (i32, i32) {
    %c0_i32 = arith.constant 0 : i32
    %c0_i32_0 = arith.constant 0 : i32
    %c0_i32_1 = arith.constant 0 : i32
    return %c0_i32, %c0_i32_0 : i32, i32
  }
  func.func @transform_5(%arg0: i32) -> (i32, i32) {
    %c0_i32 = arith.constant 0 : i32
    %c0_i32_0 = arith.constant 0 : i32
    %c0_i32_1 = arith.constant 0 : i32
    return %c0_i32, %c0_i32_0 : i32, i32
  }
  func.func @transform_6(%arg0: i32) -> (i32, i32) {
    %c0_i32 = arith.constant 0 : i32
    %c0_i32_0 = arith.constant 0 : i32
    return %arg0, %c0_i32 : i32, i32
  }
}

</mosaic_0001>

<sc_bundles>
// kernel: kernel.10.cloned.1.call-start
scs
__scs_entry_jumppad:
0x0: {  	(pc) =	sbr.rel $0x88, $3  }
0x1: {  	(tag) =	ssettag $0x0;
	lr =	simm.s32 $0x1  }
0x2: {  	[smem:$0x3F97] =	sst lr;
	_ =	strace $0xD0000000  }
0x3: {  	_ = 	snop  }
0x4: {  	_ = 	snop  }
0x5: {  	_ = 	snop  }
0x6: {  	_ = 	snop  }
0x7: {  	_ = 	snop  }
__scs_overlays_trampoline_lowered:
0x8: {  	[smem:$0x3FA6] =	sst s0  }
0x9: {  	[smem:$0x3FA7] =	sst s1  }
0xa: {  	[smem:$0x3FA8] =	sst s2  }
0xb: {  	[smem:$0x3FA9] =	sst s3  }
0xc: {  	[smem:$0x3FAA] =	sst s4  }
0xd: {  	[smem:$0x3FAB] =	sst s5  }
0xe: {  	[smem:$0x3FAC] =	sst s6  }
0xf: {  	[smem:$0x3FAD] =	sst s7  }
0x10: {  	[smem:$0x3FAE] =	sst s8  }
0x11: {  	[smem:$0x3FAF] =	sst s9;
	s0 =	simm.s32 @!p0 $0x0  }
0x12: {  	s1 =	sld [smem:$0x3F95];
	s0 =	simm.s32 @p0 $0x1  }
0x13: {  	[smem:$0x3FB0] =	sst s0;
	s0 =	simm.s32 @!p1 $0x0  }
0x14: {  	s2 =	sld [smem:$0x3F94];
	s0 =	simm.s32 @p1 $0x1  }
0x15: {  	[smem:$0x3FB1] =	sst s0;
	s0 =	simm.s32 @!p2 $0x0  }
0x16: {  	s3 =	sld [smem:$0x3FDB];
	s0 =	simm.s32 @p2 $0x1  }
0x17: {  	s4 =	simm.s32 $0x1BF5;
	[smem:$0x3FB3] =	sst s0  }
0x18: {  	s0 =	sld [smem:$0x3F96];
	_ =	swait.ge [sflag:s4], $0x0  }
0x19: {  	s7 =	sld [smem:$0x3F97]  }
0x1a: {  	s8 =	sadd.s32 $0xFFFFE003, lr  }
0x1b: {  	s9 =	sadd.s32 $0xFFFFFEF7, lr;
	s5 =	simm.s32 $0xFFFFFFFF;
	p2 =	slt.u32 s8, $0xFFFFF086  }
0x1c: {  	p1 =	slt.u32 s9, $0xF7A;
	s5 =	simm.s32 @!p2 $0x0  }
0x1d: {  	s5 =	simm.s32 @p1 $0x1;
	p0 =	seq.s32 s7, s2  }
0x1e: {  	s7 =	smul.u32 @!p0 $0xF7A, s2;
	p2 =	seq.s32 @!p0 s5, $0x0  }
0x1f: {  	s9 =	smul.u32 $0xF7A, s1;
	s8 =	simm.s32 @!p0 $0x1BF5;
	p2 =	por !p2, p0  }
0x20: {  	[sflag:s8] =	ssyncset.s32 @!p0 $0xFFFFF086;
	s6 =	sadd.s32 @!p0 s3, s7;
	s7 =	simm.s32 @!p0 $0x108  }
0x21: {  	s3 =	sadd.s32 s3, s9;
	s6 =	sadd.s32 @!p0 $0x88, s6;
	s7 =	simm.s32 @p2 $0x1082  }
0x22: {  	[simem:s7], [sflag:s8] =	dma.local @!p0 [hbm:s6], $0xF7A  }
0x23: {  	s9 =	sor.u32 $0xD0000000, s2;
	s6 =	simm.s32 $0x108;
	_ =	swait.ge @!p0 [sflag:s8], $0x0  }
0x24: {  	s3 =	sadd.s32 $0x88, s3;
	s6 =	simm.s32 @!p1 $0x1082;
	[sflag:s4] =	ssyncset.s32 $0xFFFFF086  }
0x25: {  	[simem:s6], [sflag:s4] =	dma.local [hbm:s3], $0xF7A  }
0x26: {  	[smem:$0x3F97] =	sst s1;
	(tag) =	ssettag s2;
	_ =	strace s9  }
0x27: {  	s1 =	sld [smem:$0x3FA7]  }
0x28: {  	s2 =	sld [smem:$0x3FA8]  }
0x29: {  	s4 =	sld [smem:$0x3FAA]  }
0x2a: {  	p0 =	seq.s32 s5, $0x0;
	s5 =	sld [smem:$0x3FAB]  }
0x2b: {  	s6 =	sld [smem:$0x3FAC]  }
0x2c: {  	s7 =	sld [smem:$0x3FAD]  }
0x2d: {  	s3 =	simm.s32 $0x108;
	s8 =	sld [smem:$0x3FAE]  }
0x2e: {  	s3 =	simm.s32 @!p0 $0x1082;
	s9 =	sld [smem:$0x3FAF]  }
0x2f: {  	lr =	sadd.s32 s0, s3;
	s0 =	sld [smem:$0x3FA6]  }
0x30: {  	s3 =	sld [smem:$0x3FA9]  }
0x31: {  	[smem:$0x3FB2] =	sst s10  }
0x32: {  	s10 =	sld [smem:$0x3FB0];
	_ =	sdelay $0x3  }
0x33: {  	p0 =	seq.s32 s10, $0x1;
	s10 =	sld [smem:$0x3FB2];
	_ =	sdelay $0x3  }
0x34: {  	[smem:$0x3FB2] =	sst s10  }
0x35: {  	s10 =	sld [smem:$0x3FB1];
	_ =	sdelay $0x3  }
0x36: {  	p1 =	seq.s32 s10, $0x1;
	s10 =	sld [smem:$0x3FB2];
	_ =	sdelay $0x3  }
0x37: {  	[smem:$0x3FB2] =	sst s10  }
0x38: {  	s10 =	sld [smem:$0x3FB3]  }
0x39: {  	_ = 	snop;
	(pc) =	sbr.ind lr, $3  }
0x3a: {  	_ = 	snop  }
0x3b: {  	_ = 	snop  }
0x3c: {  	p2 =	seq.s32 s10, $0x1;
	s10 =	sld [smem:$0x3FB2]  }
0x3d: {  	_ =	shalt  }
0x3e: {  	_ =	shalt  }
0x3f: {  	_ =	shalt  }
0x40: {  	_ =	shalt  }
0x41: {  	_ =	shalt  }
0x42: {  	_ =	shalt  }
0x43: {  	_ =	shalt  }
0x44: {  	_ =	shalt  }
0x45: {  	_ =	shalt  }
0x46: {  	_ =	shalt  }
0x47: {  	_ =	shalt  }
0x48: {  	_ =	shalt  }
0x49: {  	_ =	shalt  }
0x4a: {  	_ =	shalt  }
0x4b: {  	_ =	shalt  }
0x4c: {  	_ =	shalt  }
0x4d: {  	_ =	shalt  }
0x4e: {  	_ =	shalt  }
0x4f: {  	_ =	shalt  }
0x50: {  	_ =	shalt  }
0x51: {  	_ =	shalt  }
0x52: {  	_ =	shalt  }
0x53: {  	_ =	shalt  }
0x54: {  	_ =	shalt  }
0x55: {  	_ =	shalt  }
0x56: {  	_ =	shalt  }
0x57: {  	_ =	shalt  }
0x58: {  	_ =	shalt  }
0x59: {  	_ =	shalt  }
0x5a: {  	_ =	shalt  }
0x5b: {  	_ =	shalt  }
0x5c: {  	_ =	shalt  }
0x5d: {  	_ =	shalt  }
0x5e: {  	_ =	shalt  }
0x5f: {  	_ =	shalt  }
0x60: {  	_ =	shalt  }
0x61: {  	_ =	shalt  }
0x62: {  	_ =	shalt  }
0x63: {  	_ =	shalt  }
0x64: {  	_ =	shalt  }
0x65: {  	_ =	shalt  }
0x66: {  	_ =	shalt  }
0x67: {  	_ =	shalt  }
0x68: {  	_ =	shalt  }
0x69: {  	_ =	shalt  }
0x6a: {  	_ =	shalt  }
0x6b: {  	_ =	shalt  }
0x6c: {  	_ =	shalt  }
0x6d: {  	_ =	shalt  }
0x6e: {  	_ =	shalt  }
0x6f: {  	_ =	shalt  }
0x70: {  	_ =	shalt  }
0x71: {  	_ =	shalt  }
0x72: {  	_ =	shalt  }
0x73: {  	_ =	shalt  }
0x74: {  	_ =	shalt  }
0x75: {  	_ =	shalt  }
0x76: {  	_ =	shalt  }
0x77: {  	_ =	shalt  }
0x78: {  	_ =	shalt  }
0x79: {  	_ =	shalt  }
0x7a: {  	_ =	shalt  }
0x7b: {  	_ =	shalt  }
0x7c: {  	_ =	shalt  }
0x7d: {  	_ =	shalt  }
0x7e: {  	_ =	shalt  }
0x7f: {  	_ =	shalt  }
0x80: {  	_ =	shalt  }
0x81: {  	_ =	shalt  }
0x82: {  	_ =	shalt  }
0x83: {  	_ =	shalt  }
0x84: {  	_ =	shalt  }
0x85: {  	_ =	shalt  }
0x86: {  	_ =	shalt  }
0x87: {  	_ =	shalt  }
.Lfunc_end0:
.L_simem_size_0:
called_computation.1_lowered:
.L_overlay_start_0:
0x88: {  	s2 =	sld [smem:$0x3FD9]  }
0x89: {  	s3 =	sld [smem:$0x3FFE];
	_ =	sdelay $0x1  }
0x8a: {  	s1 =	srdreg.scid  }
0x8b: {  	s0 =	sand.u32 $0x1, s1  }
0x8c: {  	s16 =	sshll.u32 s0, $0xA;
	s2 =	sadd.s32 s3, s2  }
0x8d: {  	s2 =	sadd.s32 s2, s16  }
0x8e: {  	[smem:$0x3FBE] =	sst s2  }
0x8f: {  	_ = 	snop  }
0x90: {  	(tm) =	ssettm $0x1  }
0x91: {  	s17 =	sld [smem:$0x3FFB];
	_ =	sdelay $0x3  }
0x92: {  	_ =	strace s17  }
0x93: {  	s2 =	sld [smem:$0x3FFC];
	_ =	sdelay $0x3  }
0x94: {  	_ =	strace s2  }
0x95: {  	s2 =	sld [smem:$0x3FFD];
	_ =	sdelay $0x3  }
0x96: {  	_ =	strace s2  }
0x97: {  	_ =	strace $0x8FFFFFFF  }
0x98: {  	s18 =	sld [smem:$0x3FDB];
	_ =	sdelay $0x1  }
0x99: {  	s19 =	simm.s32 $_scs_section_size  }
0x9a: {  	s4 =	simm.s32 $_size__tile_overlayer_lowered;
	s5 =	simm.s32 $_tile_overlayer_lowered  }
0x9b: {  	s22 =	simm.s32 $0x1BFF;
	s21 =	sshll.u32 s5, $0x1;
	s2 =	sadd.s32 s19, s18  }
0x9c: {  	s6 =	simm.s32 $0x0;
	s20 =	sshll.u32 s4, $0x1;
	s4 =	sadd.s32 s21, s2  }
0x9d: {  	[timem:s6], [sflag:s22] =	dma.local [hbm:s4], s20  }
0x9e: {  	_ =	swait.ge [sflag:s22], s20  }
0x9f: {  	s3 =	ssub.s32 $0x0, s20;
	[sflag:s22] =	ssyncset.done $0x0  }
0xa0: {  	[sflag:s22] =	ssyncadd.s32 s3;
	_ =	sdelay $0x1  }
0xa1: {  	s23 =	simm.s32 $0x1B8B  }
0xa2: {  	_ =	swait.ge [sflag:s23], $0x1  }
0xa3: {  	[sflag:s23] =	ssyncset.done $0x0  }
0xa4: {  	s25 =	simm.s32 $0x1B8E;
	s24 =	sld [smem:$0x3FFE];
	[sflag:s23] =	ssyncadd.s32 $0xFFFFFFFF  }
0xa5: {  	s26 =	simm.s32 $execute0_lowered;
	[smem:$0x3FD2] =	sst s25  }
0xa6: {  	s4 =	sshll.u32 s26, $0x1;
	_ =	strace $0x80000049;
	[dreg:$0x1] =	wrdreg $0xFFFFFFFF  }
0xa7: {  	s28 =	simm.s32 $_size_execute0_lowered;
	s2 =	sadd.s32 s2, s4;
	[dreg:$0x0] =	wrdreg $0x0  }
0xa8: {  	s4 =	sshll.u32 s28, $0x1;
	[dreg:$0x2] =	wrdreg s2  }
0xa9: {  	[dreg:$0x3] =	wrdreg s4  }
0xaa: {  	[dreg:$0x4] =	wrdreg $0xC0  }
0xab: {  	_ =	task [dreg:s6], $0x5FFFF  }
0xac: {  	[dreg:$0x1] =	wrdreg $0xFFFFFFFF  }
0xad: {  	[dreg:$0x0] =	wrdreg $0x60  }
0xae: {  	[dreg:$0x2] =	wrdreg s24  }
0xaf: {  	[dreg:$0x3] =	wrdreg $0xA8000  }
0xb0: {  	[dreg:$0x4] =	wrdreg $0x9  }
0xb1: {  	_ =	task.clear_ibuf [dreg:s6], $0x5FFFF;
	_ =	strace $0x90000049  }
0xb2: {  	s29 =	simm.s32 $0x9;
	_ =	strace $0x8000004B  }
0xb3: {  	_ =	swait.ge [sflag:s29], $0x1  }
0xb4: {  	[sflag:s29] =	ssyncadd.s32 $0xFFFFFFFF  }
0xb5: {  	_ =	strace $0x9000004B  }
0xb6: {  	_ =	sfence  }
0xb7: {  	s30 =	sld [smem:$0x0];
	_ =	sdelay $0x2  }
0xb8: {  	s31 =	sshll.u32 s1, $0xD;
	s1 =	sshrl.u32 s1, $0x2  }
0xb9: {  	s3 =	sand.u32 $0x4000, s31;
	s1 =	sadd.s32 s1, s30  }
0xba: {  	s0 =	sor.u32 s3, s0;
	s1 =	sshll.u32 s1, $0x11  }
0xbb: {  	s0 =	sor.u32 s1, s0  }
0xbc: {  	s0 =	sadd.s32 $0x8F2B, s0  }
0xbd: {  	[sflag:s0] =	ssyncadd.remote.s32 $0x1  }
0xbe: {  	_ =	sfence.sel $0xFFFF  }
0xbf: {  	[dreg:$0x0] =	wrdreg $0xFFFFFFFF;
	(pc) =	sbr.abs _section_cstart, $3  }
0xc0: {  	[dreg:$0x1] =	wrdreg $0xFFFFFFFF  }
0xc1: {  	_ =	task.clear_ibuf [dreg:s6], $0x2FFFF;
	_ =	strace $0x9FFFFFFF  }
0xc2: {  	(tm) =	ssettm $0x7FFFFFFF  }
0xc3: {  	_ =	shalt  }
tec
execute0_lowered:
.L_overlay_start_1:
0x0: {  	(tag) =	ssettag $0x1  }
0x1: {  	s0 =	srdreg.scid;
	s5 =	rddreg [dreg:$0x0]  }
0x2: {  	s9 =	stileid.u32;
	s2 =	rddreg [dreg:$0x1];
	s3 =	simm.s32 $0x0  }
0x3: {  	s14 =	simm.s32 $0x5;
	s15 =	simm.s32 $0x1400;
	s16 =	simm.s32 $0x80  }
0x4: {  	s17 =	simm.s32 $0x2800;
	s18 =	simm.s32 $0x6800;
	s19 =	simm.s32 $0x1  }
0x5: {  	s20 =	simm.s32 $0x3;
	s21 =	simm.s32 $0x4;
	s22 =	simm.s32 $0x0  }
0x6: {  	s0 =	sand.u32 $0x1, s0;
	s6 =	smul.u32 $0x13C00, s9;
	[smem:$0x7FF] =	sst s3  }
0x7: {  	s4 =	sadd.s32 $0x3DC00, s5;
	s26 =	smul.u32 $0x4F000, s9;
	s30 =	sshll.u32 s9, $0x6  }
0x8: {  	s1 =	sshll.u32 s0, $0x4;
	s7 =	smul.u32 $0x13C000, s0;
	_ =	strace $0x8000004A  }
0x9: {  	s0 =	ssub.s32 $0x2, s0;
	s1 =	sor.u32 s9, s1;
	s8 =	sshrl.u32 s6, $0x3  }
0xa: {  	s28 =	sshrl.u32 s0, $0x1;
	s29 =	sshrl.u32 s26, $0x2;
	s1 =	smul.u32 $0x2800, s1  }
0xb: {  	s6 =	sadd.s32 s6, s7;
	s8 =	sadd.s32 s8, s5;
	s0 =	ssub.s32 s0, s28  }
0xc: {  	s13 =	sadd.s32 s29, s2;
	s6 =	sshrl.u32 s6, $0x3;
	s31 =	sadd.s32 $0x16400, s8  }
0xd: {  	s12 =	smax.u32 s0, $0x1;
	s13 =	sshrl.u32 s13, $0x3;
	s1 =	sshrl.u32 s1, $0x3  }
0xe: {  	s11 =	sadd.s32 s6, s5;
	[dreg:$0x3] =	wrdreg s31;
	s1 =	sadd.s32 s1, s5  }
0xf: {  	s6 =	sor.u32 $0x1C05, s30;
	s11 =	sadd.s32 $0x64E00, s11;
	s7 =	sadd.s32 $0x2400, s1  }
0x10: {  	s8 =	sadd.s32 $0xC400, s1;
	s9 =	sadd.s32 $0x2680, s1;
	s10 =	sadd.s32 $0xC680, s1  }
.LBB2_1:
0x11: {  	s0 =	rddreg [dreg:$0x3]  }
0x12: {  	[spmem:s13], [sflag:s6] =	dma.local [hbm:s0], $0x2780  }
0x13: {  	_ =	swait.ge [sflag:s14], $0x2780  }
0x14: {  	[sflag:s14] =	ssyncset.done $0x0  }
0x15: {  	[sflag:s14] =	ssyncadd.s32 $0xFFFFD880  }
0x16: {  	[bflag:$0x0] =	sbarrier.arrive $0xFFFF  }
0x17: {  	[tilespmem:s3], [sflag:$0x5] =	stream.linear.gather [hbm4b:s7+s3], $0x1400, $0x38;
	[tilespmem:$0x1E400] =	vst v63  }
0x18: {  	_ =	swait.ge [sflag:s14], $0x1400  }
0x19: {  	[sflag:s14] =	ssyncset.done $0x0  }
0x1a: {  	[sflag:s14] =	ssyncadd.s32 $0xFFFFEC00  }
0x1b: {  	[tilespmem:s15], [sflag:$0x5] =	stream.linear.gather [hbm4b:s8+s3], $0x1400, $0x38;
	[tilespmem:$0x1E400] =	vst v63  }
0x1c: {  	_ =	swait.ge [sflag:s14], $0x1400  }
0x1d: {  	[sflag:s14] =	ssyncset.done $0x0  }
0x1e: {  	[sflag:s14] =	ssyncadd.s32 $0xFFFFEC00  }
0x1f: {  	[tilespmem:s17], [sflag:$0x1] =	stream.indirect.gather [hbm4b:s4+s16], $0x80, s3, s16, $0xb8;
	[tilespmem:$0x1E400] =	vst v63  }
0x20: {  	s24 =	simm.s32 $0x2;
	s23 =	simm.s32 $0x100  }
0x21: {  	[tilespmem:s18], [sflag:$0x2] =	stream.indirect.gather [hbm4b:s4+s16], $0x80, s16, s16, $0xb8;
	[tilespmem:$0x1E400] =	vst v63  }
0x22: {  	s26 =	simm.s32 $0x1;
	s0 =	sand.u32 $0x1, s24;
	_ =	swait.ge [sflag:s19], $0x4000  }
0x23: {  	s28 =	sand.u32 $0x1, s26;
	s26 =	simm.s32 $0x1480;
	[sflag:s19] =	ssyncset.done $0x0  }
0x24: {  	s1 =	sadd.s32 $0x3, s0;
	s24 =	sshll.u32 s0, $0xE;
	[sflag:s19] =	ssyncadd.s32 $0xFFFFC000  }
0x25: {  	[spmem:s2] =	stream.indirect.scatter.add.f32 [tilespmem:s17], [sflag:$0x3], $0x80, s15, s16, $0xb8;
	[tilespmem:$0x1E400] =	vst v63  }
0x26: {  	s0 =	sadd.s32 $0x1, s0;
	s30 =	sshll.u32 s28, $0xE;
	_ =	swait.ge [sflag:s1], $0x4000  }
0x27: {  	s31 =	sadd.s32 $0x1, s28;
	s29 =	sadd.s32 $0x3, s28;
	[sflag:s1] =	ssyncset.done $0x0  }
0x28: {  	s25 =	sor.u32 $0x2800, s24;
	s24 =	simm.s32 $0x1480;
	[sflag:s1] =	ssyncadd.s32 $0xFFFFC000  }
0x29: {  	[tilespmem:s25], [sflag:s0] =	stream.indirect.gather [hbm4b:s4+s16], $0x80, s23, s16, $0xb8;
	[tilespmem:$0x1E400] =	vst v63  }
0x2a: {  	s25 =	simm.s32 $0x3;
	s0 =	sor.u32 $0x2800, s30;
	_ =	swait.ge [sflag:s31], $0x4000  }
.LBB2_2:
0x2b: {  	[sflag:s31] =	ssyncset.done $0x0  }
0x2c: {  	s24 =	sadd.s32 $0x80, s24;
	s23 =	sadd.s32 $0x80, s23;
	s1 =	smov.u32 s25  }
0x2d: {  	s5 =	sand.u32 $0x1, s25;
	p0 =	sne.s32 s25, $0x27;
	[sflag:s31] =	ssyncadd.s32 $0xFFFFC000  }
0x2e: {  	[spmem:s2] =	stream.indirect.scatter.add.f32 [tilespmem:s0], [sflag:s29], $0x80, s26, s16, $0xb8;
	[tilespmem:$0x1E400] =	vst v63  }
0x2f: {  	s25 =	sadd.s32 $0x1, s25;
	s28 =	sadd.s32 $0x3, s5;
	s0 =	sshll.u32 s5, $0xE  }
0x30: {  	s26 =	smov.u32 s24;
	_ =	swait.ge [sflag:s28], $0x4000  }
0x31: {  	s29 =	sadd.s32 $0xFFFFFFFF, s1;
	s1 =	sadd.s32 $0x1, s5;
	[sflag:s28] =	ssyncset.done $0x0  }
.Ltmp0:
0x32: {  	s30 =	sor.u32 $0x2800, s0;
	[sflag:s28] =	ssyncadd.s32 $0xFFFFC000;
	(pc) =	sbr.rel @p0 .LBB2_2-.Ltmp0, $4  }
0x33: {  	[tilespmem:s30], [sflag:s1] =	stream.indirect.gather [hbm4b:s4+s16], $0x80, s23, s16, $0xb8;
	[tilespmem:$0x1E400] =	vst v63  }
0x34: {  	s0 =	sand.u32 $0x1, s29  }
0x35: {  	s5 =	sshll.u32 s0, $0xE;
	s31 =	sadd.s32 $0x1, s0;
	s29 =	sadd.s32 $0x3, s0  }
0x36: {  	s0 =	sor.u32 $0x2800, s5;
	_ =	swait.ge [sflag:s31], $0x4000  }
0x37: {  	[sflag:s31] =	ssyncset.done $0x0  }
0x38: {  	[sflag:s31] =	ssyncadd.s32 $0xFFFFC000  }
0x39: {  	[spmem:s2] =	stream.indirect.scatter.add.f32 [tilespmem:s0], [sflag:s29], $0x80, s26, s16, $0xb8;
	[tilespmem:$0x1E400] =	vst v63  }
0x3a: {  	_ =	swait.ge [sflag:s1], $0x4000  }
0x3b: {  	[sflag:s1] =	ssyncset.done $0x0  }
0x3c: {  	s25 =	sadd.s32 $0x80, s24;
	[sflag:s1] =	ssyncadd.s32 $0xFFFFC000  }
0x3d: {  	[spmem:s2] =	stream.indirect.scatter.add.f32 [tilespmem:s30], [sflag:s28], $0x80, s25, s16, $0xb8;
	[tilespmem:$0x1E400] =	vst v63  }
0x3e: {  	_ =	swait.ge [sflag:s20], $0x4000  }
0x3f: {  	[sflag:s20] =	ssyncset.done $0x0  }
0x40: {  	[sflag:s20] =	ssyncadd.s32 $0xFFFFC000  }
0x41: {  	_ =	swait.ge [sflag:s21], $0x4000  }
0x42: {  	[sflag:s21] =	ssyncset.done $0x0  }
0x43: {  	[sflag:s21] =	ssyncadd.s32 $0xFFFFC000  }
0x44: {  	[tilespmem:s3], [sflag:$0x5] =	stream.linear.gather [hbm4b:s9+s3], $0x1400, $0x38;
	[tilespmem:$0x1E400] =	vst v63  }
0x45: {  	_ =	swait.ge [sflag:s14], $0x1400  }
0x46: {  	[sflag:s14] =	ssyncset.done $0x0  }
0x47: {  	[sflag:s14] =	ssyncadd.s32 $0xFFFFEC00  }
0x48: {  	[tilespmem:s15], [sflag:$0x5] =	stream.linear.gather [hbm4b:s10+s3], $0x1400, $0x38;
	[tilespmem:$0x1E400] =	vst v63  }
0x49: {  	_ =	swait.ge [sflag:s14], $0x1400  }
0x4a: {  	[sflag:s14] =	ssyncset.done $0x0  }
0x4b: {  	[sflag:s14] =	ssyncadd.s32 $0xFFFFEC00  }
0x4c: {  	[tilespmem:s17], [sflag:$0x1] =	stream.indirect.gather [hbm4b:s4+s16], $0x80, s3, s16, $0xb8;
	[tilespmem:$0x1E400] =	vst v63  }
0x4d: {  	_ = 	snop  }
0x4e: {  	[tilespmem:s18], [sflag:$0x2] =	stream.indirect.gather [hbm4b:s4+s16], $0x80, s16, s16, $0xb8;
	[tilespmem:$0x1E400] =	vst v63  }
0x4f: {  	s26 =	simm.s32 $0x2;
	_ =	swait.ge [sflag:s19], $0x4000  }
0x50: {  	s23 =	simm.s32 $0x100;
	s0 =	sand.u32 $0x1, s26;
	[sflag:s19] =	ssyncset.done $0x0  }
0x51: {  	s24 =	simm.s32 $0x1480;
	s28 =	sadd.s32 $0x3, s0;
	[sflag:s19] =	ssyncadd.s32 $0xFFFFC000  }
0x52: {  	[spmem:s2] =	stream.indirect.scatter.add.f32 [tilespmem:s17], [sflag:$0x3], $0x80, s15, s16, $0xb8;
	[tilespmem:$0x1E400] =	vst v63  }
0x53: {  	s26 =	simm.s32 $0x1480;
	s5 =	sshll.u32 s0, $0xE;
	_ =	swait.ge [sflag:s28], $0x4000  }
0x54: {  	s30 =	simm.s32 $0x1;
	s25 =	sor.u32 $0x2800, s5;
	[sflag:s28] =	ssyncset.done $0x0  }
0x55: {  	s0 =	sadd.s32 $0x1, s0;
	[sflag:s28] =	ssyncadd.s32 $0xFFFFC000;
	s28 =	sand.u32 $0x1, s30  }
0x56: {  	[tilespmem:s25], [sflag:s0] =	stream.indirect.gather [hbm4b:s4+s16], $0x80, s23, s16, $0xb8;
	[tilespmem:$0x1E400] =	vst v63  }
0x57: {  	s25 =	simm.s32 $0x3;
	s30 =	sshll.u32 s28, $0xE;
	s31 =	sadd.s32 $0x1, s28  }
0x58: {  	s29 =	sadd.s32 $0x3, s28;
	s0 =	sor.u32 $0x2800, s30;
	_ =	swait.ge [sflag:s31], $0x4000  }
.LBB2_4:
0x59: {  	[sflag:s31] =	ssyncset.done $0x0  }
0x5a: {  	s24 =	sadd.s32 $0x80, s24;
	s23 =	sadd.s32 $0x80, s23;
	s1 =	smov.u32 s25  }
0x5b: {  	s5 =	sand.u32 $0x1, s25;
	p0 =	sne.s32 s25, $0x27;
	[sflag:s31] =	ssyncadd.s32 $0xFFFFC000  }
0x5c: {  	[spmem:s2] =	stream.indirect.scatter.add.f32 [tilespmem:s0], [sflag:s29], $0x80, s26, s16, $0xb8;
	[tilespmem:$0x1E400] =	vst v63  }
0x5d: {  	s25 =	sadd.s32 $0x1, s25;
	s28 =	sadd.s32 $0x3, s5;
	s0 =	sshll.u32 s5, $0xE  }
0x5e: {  	s26 =	smov.u32 s24;
	_ =	swait.ge [sflag:s28], $0x4000  }
0x5f: {  	s29 =	sadd.s32 $0xFFFFFFFF, s1;
	s1 =	sadd.s32 $0x1, s5;
	[sflag:s28] =	ssyncset.done $0x0  }
.Ltmp1:
0x60: {  	s30 =	sor.u32 $0x2800, s0;
	[sflag:s28] =	ssyncadd.s32 $0xFFFFC000;
	(pc) =	sbr.rel @p0 .LBB2_4-.Ltmp1, $4  }
0x61: {  	[tilespmem:s30], [sflag:s1] =	stream.indirect.gather [hbm4b:s4+s16], $0x80, s23, s16, $0xb8;
	[tilespmem:$0x1E400] =	vst v63  }
0x62: {  	s0 =	sand.u32 $0x1, s29  }
0x63: {  	s5 =	sshll.u32 s0, $0xE;
	s31 =	sadd.s32 $0x1, s0;
	s29 =	sadd.s32 $0x3, s0  }
0x64: {  	s0 =	sor.u32 $0x2800, s5;
	_ =	swait.ge [sflag:s31], $0x4000  }
0x65: {  	[sflag:s31] =	ssyncset.done $0x0  }
0x66: {  	[sflag:s31] =	ssyncadd.s32 $0xFFFFC000  }
0x67: {  	[spmem:s2] =	stream.indirect.scatter.add.f32 [tilespmem:s0], [sflag:s29], $0x80, s26, s16, $0xb8;
	[tilespmem:$0x1E400] =	vst v63  }
0x68: {  	_ =	swait.ge [sflag:s1], $0x4000  }
0x69: {  	[sflag:s1] =	ssyncset.done $0x0  }
0x6a: {  	s31 =	sadd.s32 $0x80, s24;
	[sflag:s1] =	ssyncadd.s32 $0xFFFFC000  }
0x6b: {  	[spmem:s2] =	stream.indirect.scatter.add.f32 [tilespmem:s30], [sflag:s28], $0x80, s31, s16, $0xb8;
	[tilespmem:$0x1E400] =	vst v63  }
0x6c: {  	_ =	swait.ge [sflag:s20], $0x4000  }
0x6d: {  	[sflag:s20] =	ssyncset.done $0x0  }
0x6e: {  	[sflag:s20] =	ssyncadd.s32 $0xFFFFC000  }
0x6f: {  	_ =	swait.ge [sflag:s21], $0x4000  }
0x70: {  	s22 =	sadd.s32 $0x1, s22;
	[sflag:s21] =	ssyncset.done $0x0  }
0x71: {  	p0 =	sne.s32 s22, s12;
	[sflag:s21] =	ssyncadd.s32 $0xFFFFC000  }
.Ltmp2:
0x72: {  	[bflag:$0x0] =	sbarrier.arrive $0xFFFF;
	(pc) =	sbr.rel @p0 .LBB2_1-.Ltmp2, $4  }
0x73: {  	[hbm:s11], [sflag:s6] =	dma.local [spmem:s13], $0x2780  }
0x74: {  	_ =	swait.ge [sflag:s14], $0x2780  }
0x75: {  	[sflag:s14] =	ssyncset.done $0x0  }
0x76: {  	[sflag:s14] =	ssyncadd.s32 $0xFFFFD880  }
0x77: {  	_ =	sfence.sel $0x180000  }
0x78: {  	[bflag:$0x0] =	sbarrier.arrive $0xFFFF  }
0x79: {  	_ =	strace $0x9000004A  }
0x7a: {  	s0 =	stileid.u32;
	[bflag:$0x2] =	sbarrier.arrive $0xFFFF  }
0x7b: {  	p0 =	sne.s32 s0, $0x0;
	s0 =	rddreg [dreg:$0x2]  }
0x7c: {  	s0 =	sadd.s32 @!p0 $0x100000, s0  }
0x7d: {  	[sflag:s0] =	ssyncadd.tile.s32 @!p0 $0x1;
	_ =	shalt  }
.Lfunc_end2:
_tile_overlayer_lowered:
.L_overlay_start_2:
0x7e: {  	(tag) =	ssettag $0x2  }
0x7f: {  	s0 =	rddreg [dreg:$0x0];
	s2 =	stileid.u32  }
0x80: {  	s1 =	rddreg [dreg:$0x1];
	p0 =	sne.s32 s2, $0x0  }
0x81: {  	s3 =	rddreg [dreg:$0x2];
	[bflag:$0x3] =	sbarrier.arrive $0xFFFF;
	s2 =	simm.s32 @!p0 $0x1C05  }
0x82: {  	[timem:s3], [sflag:s2] =	dma.local @!p0 [hbm:s0], s1  }
0x83: {  	s0 =	simm.s32 @!p0 $0x5  }
0x84: {  	_ =	swait.ge @!p0 [sflag:s0], s1  }
0x85: {  	s1 =	ssub.s32 @!p0 $0x0, s1;
	[sflag:s0] =	ssyncset.done @!p0 $0x0  }
0x86: {  	[sflag:s0] =	ssyncadd.s32 @!p0 s1  }
0x87: {  	[bflag:$0x3] =	sbarrier.arrive $0xFFFF  }
0x88: {  	_ =	shalt  }

// kernel: kernel.13.cloned.1.call-start
scs
__scs_entry_jumppad:
0x0: {  	(pc) =	sbr.rel $0x88, $3  }
0x1: {  	(tag) =	ssettag $0x0;
	lr =	simm.s32 $0x1  }
0x2: {  	[smem:$0x3F97] =	sst lr;
	_ =	strace $0xD0000000  }
0x3: {  	_ = 	snop  }
0x4: {  	_ = 	snop  }
0x5: {  	_ = 	snop  }
0x6: {  	_ = 	snop  }
0x7: {  	_ = 	snop  }
__scs_overlays_trampoline_lowered:
0x8: {  	[smem:$0x3FA6] =	sst s0  }
0x9: {  	[smem:$0x3FA7] =	sst s1  }
0xa: {  	[smem:$0x3FA8] =	sst s2  }
0xb: {  	[smem:$0x3FA9] =	sst s3  }
0xc: {  	[smem:$0x3FAA] =	sst s4  }
0xd: {  	[smem:$0x3FAB] =	sst s5  }
0xe: {  	[smem:$0x3FAC] =	sst s6  }
0xf: {  	[smem:$0x3FAD] =	sst s7  }
0x10: {  	[smem:$0x3FAE] =	sst s8  }
0x11: {  	[smem:$0x3FAF] =	sst s9;
	s0 =	simm.s32 @!p0 $0x0  }
0x12: {  	s1 =	sld [smem:$0x3F95];
	s0 =	simm.s32 @p0 $0x1  }
0x13: {  	[smem:$0x3FB0] =	sst s0;
	s0 =	simm.s32 @!p1 $0x0  }
0x14: {  	s2 =	sld [smem:$0x3F94];
	s0 =	simm.s32 @p1 $0x1  }
0x15: {  	[smem:$0x3FB1] =	sst s0;
	s0 =	simm.s32 @!p2 $0x0  }
0x16: {  	s3 =	sld [smem:$0x3FDB];
	s0 =	simm.s32 @p2 $0x1  }
0x17: {  	s4 =	simm.s32 $0x1BF5;
	[smem:$0x3FB3] =	sst s0  }
0x18: {  	s0 =	sld [smem:$0x3F96];
	_ =	swait.ge [sflag:s4], $0x0  }
0x19: {  	s7 =	sld [smem:$0x3F97]  }
0x1a: {  	s8 =	sadd.s32 $0xFFFFE003, lr  }
0x1b: {  	s9 =	sadd.s32 $0xFFFFFEF7, lr;
	s5 =	simm.s32 $0xFFFFFFFF;
	p2 =	slt.u32 s8, $0xFFFFF086  }
0x1c: {  	p1 =	slt.u32 s9, $0xF7A;
	s5 =	simm.s32 @!p2 $0x0  }
0x1d: {  	s5 =	simm.s32 @p1 $0x1;
	p0 =	seq.s32 s7, s2  }
0x1e: {  	s7 =	smul.u32 @!p0 $0xF7A, s2;
	p2 =	seq.s32 @!p0 s5, $0x0  }
0x1f: {  	s9 =	smul.u32 $0xF7A, s1;
	s8 =	simm.s32 @!p0 $0x1BF5;
	p2 =	por !p2, p0  }
0x20: {  	[sflag:s8] =	ssyncset.s32 @!p0 $0xFFFFF086;
	s6 =	sadd.s32 @!p0 s3, s7;
	s7 =	simm.s32 @!p0 $0x108  }
0x21: {  	s3 =	sadd.s32 s3, s9;
	s6 =	sadd.s32 @!p0 $0x88, s6;
	s7 =	simm.s32 @p2 $0x1082  }
0x22: {  	[simem:s7], [sflag:s8] =	dma.local @!p0 [hbm:s6], $0xF7A  }
0x23: {  	s9 =	sor.u32 $0xD0000000, s2;
	s6 =	simm.s32 $0x108;
	_ =	swait.ge @!p0 [sflag:s8], $0x0  }
0x24: {  	s3 =	sadd.s32 $0x88, s3;
	s6 =	simm.s32 @!p1 $0x1082;
	[sflag:s4] =	ssyncset.s32 $0xFFFFF086  }
0x25: {  	[simem:s6], [sflag:s4] =	dma.local [hbm:s3], $0xF7A  }
0x26: {  	[smem:$0x3F97] =	sst s1;
	(tag) =	ssettag s2;
	_ =	strace s9  }
0x27: {  	s1 =	sld [smem:$0x3FA7]  }
0x28: {  	s2 =	sld [smem:$0x3FA8]  }
0x29: {  	s4 =	sld [smem:$0x3FAA]  }
0x2a: {  	p0 =	seq.s32 s5, $0x0;
	s5 =	sld [smem:$0x3FAB]  }
0x2b: {  	s6 =	sld [smem:$0x3FAC]  }
0x2c: {  	s7 =	sld [smem:$0x3FAD]  }
0x2d: {  	s3 =	simm.s32 $0x108;
	s8 =	sld [smem:$0x3FAE]  }
0x2e: {  	s3 =	simm.s32 @!p0 $0x1082;
	s9 =	sld [smem:$0x3FAF]  }
0x2f: {  	lr =	sadd.s32 s0, s3;
	s0 =	sld [smem:$0x3FA6]  }
0x30: {  	s3 =	sld [smem:$0x3FA9]  }
0x31: {  	[smem:$0x3FB2] =	sst s10  }
0x32: {  	s10 =	sld [smem:$0x3FB0];
	_ =	sdelay $0x3  }
0x33: {  	p0 =	seq.s32 s10, $0x1;
	s10 =	sld [smem:$0x3FB2];
	_ =	sdelay $0x3  }
0x34: {  	[smem:$0x3FB2] =	sst s10  }
0x35: {  	s10 =	sld [smem:$0x3FB1];
	_ =	sdelay $0x3  }
0x36: {  	p1 =	seq.s32 s10, $0x1;
	s10 =	sld [smem:$0x3FB2];
	_ =	sdelay $0x3  }
0x37: {  	[smem:$0x3FB2] =	sst s10  }
0x38: {  	s10 =	sld [smem:$0x3FB3]  }
0x39: {  	_ = 	snop;
	(pc) =	sbr.ind lr, $3  }
0x3a: {  	_ = 	snop  }
0x3b: {  	_ = 	snop  }
0x3c: {  	p2 =	seq.s32 s10, $0x1;
	s10 =	sld [smem:$0x3FB2]  }
0x3d: {  	_ =	shalt  }
0x3e: {  	_ =	shalt  }
0x3f: {  	_ =	shalt  }
0x40: {  	_ =	shalt  }
0x41: {  	_ =	shalt  }
0x42: {  	_ =	shalt  }
0x43: {  	_ =	shalt  }
0x44: {  	_ =	shalt  }
0x45: {  	_ =	shalt  }
0x46: {  	_ =	shalt  }
0x47: {  	_ =	shalt  }
0x48: {  	_ =	shalt  }
0x49: {  	_ =	shalt  }
0x4a: {  	_ =	shalt  }
0x4b: {  	_ =	shalt  }
0x4c: {  	_ =	shalt  }
0x4d: {  	_ =	shalt  }
0x4e: {  	_ =	shalt  }
0x4f: {  	_ =	shalt  }
0x50: {  	_ =	shalt  }
0x51: {  	_ =	shalt  }
0x52: {  	_ =	shalt  }
0x53: {  	_ =	shalt  }
0x54: {  	_ =	shalt  }
0x55: {  	_ =	shalt  }
0x56: {  	_ =	shalt  }
0x57: {  	_ =	shalt  }
0x58: {  	_ =	shalt  }
0x59: {  	_ =	shalt  }
0x5a: {  	_ =	shalt  }
0x5b: {  	_ =	shalt  }
0x5c: {  	_ =	shalt  }
0x5d: {  	_ =	shalt  }
0x5e: {  	_ =	shalt  }
0x5f: {  	_ =	shalt  }
0x60: {  	_ =	shalt  }
0x61: {  	_ =	shalt  }
0x62: {  	_ =	shalt  }
0x63: {  	_ =	shalt  }
0x64: {  	_ =	shalt  }
0x65: {  	_ =	shalt  }
0x66: {  	_ =	shalt  }
0x67: {  	_ =	shalt  }
0x68: {  	_ =	shalt  }
0x69: {  	_ =	shalt  }
0x6a: {  	_ =	shalt  }
0x6b: {  	_ =	shalt  }
0x6c: {  	_ =	shalt  }
0x6d: {  	_ =	shalt  }
0x6e: {  	_ =	shalt  }
0x6f: {  	_ =	shalt  }
0x70: {  	_ =	shalt  }
0x71: {  	_ =	shalt  }
0x72: {  	_ =	shalt  }
0x73: {  	_ =	shalt  }
0x74: {  	_ =	shalt  }
0x75: {  	_ =	shalt  }
0x76: {  	_ =	shalt  }
0x77: {  	_ =	shalt  }
0x78: {  	_ =	shalt  }
0x79: {  	_ =	shalt  }
0x7a: {  	_ =	shalt  }
0x7b: {  	_ =	shalt  }
0x7c: {  	_ =	shalt  }
0x7d: {  	_ =	shalt  }
0x7e: {  	_ =	shalt  }
0x7f: {  	_ =	shalt  }
0x80: {  	_ =	shalt  }
0x81: {  	_ =	shalt  }
0x82: {  	_ =	shalt  }
0x83: {  	_ =	shalt  }
0x84: {  	_ =	shalt  }
0x85: {  	_ =	shalt  }
0x86: {  	_ =	shalt  }
0x87: {  	_ =	shalt  }
.Lfunc_end0:
.L_simem_size_0:
called_computation.2_lowered:
.L_overlay_start_0:
0x88: {  	s2 =	sld [smem:$0x3FD9]  }
0x89: {  	s3 =	sld [smem:$0x3FFE];
	_ =	sdelay $0x1  }
0x8a: {  	s1 =	srdreg.scid  }
0x8b: {  	s0 =	sand.u32 $0x1, s1  }
0x8c: {  	s17 =	sshll.u32 s0, $0xA;
	s2 =	sadd.s32 s3, s2  }
0x8d: {  	s2 =	sadd.s32 s2, s17  }
0x8e: {  	[smem:$0x3FBE] =	sst s2  }
0x8f: {  	_ = 	snop  }
0x90: {  	s2 =	sld [smem:$0x3FC7]  }
0x91: {  	s18 =	sld [smem:$0x3FC6]  }
0x92: {  	s4 =	sld [smem:$0x3FC5]  }
0x93: {  	s5 =	sld [smem:$0x3FC4]  }
0x94: {  	s6 =	sld [smem:$0x3FC1]  }
0x95: {  	s7 =	sld [smem:$0x3FC0]  }
0x96: {  	s8 =	sld [smem:$0x3FD0];
	(tm) =	ssettm $0x1  }
0x97: {  	s9 =	sld [smem:$0x3FFB];
	_ =	sdelay $0x3  }
0x98: {  	_ =	strace s9  }
0x99: {  	s9 =	sld [smem:$0x3FFC];
	_ =	sdelay $0x3  }
0x9a: {  	_ =	strace s9  }
0x9b: {  	s9 =	sld [smem:$0x3FFD];
	_ =	sdelay $0x3  }
0x9c: {  	_ =	strace s9  }
0x9d: {  	_ =	strace $0x8FFFFFFF  }
0x9e: {  	s19 =	sld [smem:$0x3FDB];
	_ =	sdelay $0x1  }
0x9f: {  	s10 =	simm.s32 $_scs_section_size  }
0xa0: {  	s11 =	simm.s32 $_size__tile_overlayer_lowered;
	s12 =	simm.s32 $_tile_overlayer_lowered  }
0xa1: {  	s22 =	simm.s32 $0x1BFF;
	s21 =	sshll.u32 s12, $0x1;
	s9 =	sadd.s32 s10, s19  }
0xa2: {  	s13 =	simm.s32 $0x0;
	s20 =	sshll.u32 s11, $0x1;
	s11 =	sadd.s32 s21, s9  }
0xa3: {  	[timem:s13], [sflag:s22] =	dma.local [hbm:s11], s20  }
0xa4: {  	_ =	swait.ge [sflag:s22], s20  }
0xa5: {  	s10 =	ssub.s32 $0x0, s20;
	[sflag:s22] =	ssyncset.done $0x0  }
0xa6: {  	[sflag:s22] =	ssyncadd.s32 s10;
	_ =	sdelay $0x1  }
0xa7: {  	s23 =	simm.s32 $0x1B8B  }
0xa8: {  	_ =	swait.ge [sflag:s23], $0x1  }
0xa9: {  	[sflag:s23] =	ssyncset.done $0x0  }
0xaa: {  	s25 =	simm.s32 $0x1B8E;
	s24 =	sld [smem:$0x3FFE];
	[sflag:s23] =	ssyncadd.s32 $0xFFFFFFFF  }
0xab: {  	s26 =	simm.s32 $execute0_lowered;
	[smem:$0x3FD2] =	sst s25  }
0xac: {  	s11 =	sshll.u32 s26, $0x1;
	_ =	strace $0x8000004C;
	[dreg:$0x1] =	wrdreg $0xFFFFFFFF  }
0xad: {  	s28 =	simm.s32 $_size_execute0_lowered;
	s9 =	sadd.s32 s9, s11;
	[dreg:$0x0] =	wrdreg $0x0  }
0xae: {  	s11 =	sshll.u32 s28, $0x1;
	[dreg:$0x2] =	wrdreg s9  }
0xaf: {  	[dreg:$0x3] =	wrdreg s11  }
0xb0: {  	[dreg:$0x4] =	wrdreg $0xC0  }
0xb1: {  	_ =	task [dreg:s13], $0x5FFFF  }
0xb2: {  	[dreg:$0x1] =	wrdreg $0xFFFFFFFF  }
0xb3: {  	[dreg:$0x0] =	wrdreg $0x60  }
0xb4: {  	[dreg:$0x2] =	wrdreg s24  }
0xb5: {  	[dreg:$0x3] =	wrdreg s6  }
0xb6: {  	[dreg:$0x4] =	wrdreg s7  }
0xb7: {  	[dreg:$0x5] =	wrdreg s2  }
0xb8: {  	[dreg:$0x6] =	wrdreg s4  }
0xb9: {  	[dreg:$0x7] =	wrdreg s8  }
0xba: {  	[dreg:$0x8] =	wrdreg s18  }
0xbb: {  	[dreg:$0x9] =	wrdreg s5  }
0xbc: {  	[dreg:$0xa] =	wrdreg $0x9  }
0xbd: {  	_ =	task.clear_ibuf [dreg:s13], $0xBFFFF;
	_ =	strace $0x9000004C  }
0xbe: {  	s29 =	simm.s32 $0x9;
	_ =	strace $0x8000004E  }
0xbf: {  	_ =	swait.ge [sflag:s29], $0x1  }
0xc0: {  	[sflag:s29] =	ssyncadd.s32 $0xFFFFFFFF  }
0xc1: {  	_ =	strace $0x9000004E  }
0xc2: {  	_ =	sfence  }
0xc3: {  	s30 =	sld [smem:$0x0];
	_ =	sdelay $0x2  }
0xc4: {  	s31 =	sshll.u32 s1, $0xD;
	s1 =	sshrl.u32 s1, $0x2  }
0xc5: {  	s3 =	sand.u32 $0x4000, s31;
	s1 =	sadd.s32 s1, s30  }
0xc6: {  	s0 =	sor.u32 s3, s0;
	s1 =	sshll.u32 s1, $0x11  }
0xc7: {  	s0 =	sor.u32 s1, s0  }
0xc8: {  	s0 =	sadd.s32 $0x8F2B, s0  }
0xc9: {  	[sflag:s0] =	ssyncadd.remote.s32 $0x1  }
0xca: {  	_ =	sfence.sel $0xFFFF  }
0xcb: {  	[dreg:$0x0] =	wrdreg $0xFFFFFFFF;
	(pc) =	sbr.abs _section_cstart, $3  }
0xcc: {  	[dreg:$0x1] =	wrdreg $0xFFFFFFFF  }
0xcd: {  	_ =	task.clear_ibuf [dreg:s13], $0x2FFFF;
	_ =	strace $0x9FFFFFFF  }
0xce: {  	(tm) =	ssettm $0x7FFFFFFF  }
0xcf: {  	_ =	shalt  }
tec
execute0_lowered:
.L_overlay_start_1:
0x0: {  	(tag) =	ssettag $0x1  }
0x1: {  	s19 =	rddreg [dreg:$0x0]  }
0x2: {  	s0 =	rddreg [dreg:$0x1]  }
0x3: {  	s24 =	rddreg [dreg:$0x2]  }
0x4: {  	s3 =	rddreg [dreg:$0x3]  }
0x5: {  	s6 =	rddreg [dreg:$0x4]  }
0x6: {  	s8 =	rddreg [dreg:$0x5]  }
0x7: {  	s1 =	srdreg.scid;
	s10 =	rddreg [dreg:$0x6]  }
0x8: {  	s25 =	stileid.u32;
	s12 =	rddreg [dreg:$0x7];
	s1 =	sand.u32 $0x1, s1  }
0x9: {  	[dreg:$0x9] =	wrdreg s0;
	s5 =	sshll.u32 s25, $0x7;
	s4 =	sshll.u32 s1, $0xB  }
0xa: {  	s2 =	simm.s32 $0x0;
	[dreg:$0xa] =	wrdreg s24;
	s20 =	sor.u32 s5, s4  }
0xb: {  	[smem:$0x7FF] =	sst s2;
	s13 =	sshrl.u32 s20, $0x3  }
0xc: {  	_ =	strace $0x8000004D;
	s26 =	sadd.s32 s13, s19;
	s3 =	sadd.s32 s3, s13  }
0xd: {  	[tilespmem:s2], [sflag:$0x1] =	stream.linear.gather [hbm4b:s3+s2], $0x80, $0x38;
	[tilespmem:$0x8400] =	vst v63  }
0xe: {  	s5 =	simm.s32 $0x80;
	s4 =	sadd.s32 $0xB3E00, s26  }
0xf: {  	[tilespmem:s5], [sflag:$0x2] =	stream.linear.gather [hbm4b:s4+s2], $0x80, $0x38;
	[tilespmem:$0x8400] =	vst v63  }
0x10: {  	s7 =	simm.s32 $0x100;
	s6 =	sadd.s32 s6, s13  }
0x11: {  	[tilespmem:s7], [sflag:$0x3] =	stream.linear.gather [hbm4b:s6+s2], $0x80, $0x38;
	[tilespmem:$0x8400] =	vst v63  }
0x12: {  	s9 =	simm.s32 $0x180;
	s8 =	sadd.s32 s8, s13  }
0x13: {  	[tilespmem:s9], [sflag:$0x4] =	stream.linear.gather [hbm4b:s8+s2], $0x80, $0x38;
	[tilespmem:$0x8400] =	vst v63  }
0x14: {  	s11 =	simm.s32 $0x200;
	s10 =	sadd.s32 s10, s13  }
0x15: {  	[tilespmem:s11], [sflag:$0x5] =	stream.linear.gather [hbm4b:s10+s2], $0x80, $0x38;
	[tilespmem:$0x8400] =	vst v63  }
0x16: {  	s14 =	simm.s32 $0x1;
	s12 =	sadd.s32 s12, s13;
	s13 =	simm.s32 $0x280  }
0x17: {  	[tilespmem:s13], [sflag:$0x6] =	stream.linear.gather [hbm4b:s12+s2], $0x80, $0x38;
	[tilespmem:$0x8400] =	vst v63  }
0x18: {  	_ =	swait.ge [sflag:s14], $0x80  }
0x19: {  	s16 =	simm.s32 $0x400;
	[sflag:s14] =	ssyncset.done $0x0  }
0x1a: {  	s17 =	simm.s32 $0x7;
	s15 =	sadd.s32 $0x64E00, s19;
	[sflag:s14] =	ssyncadd.s32 $0xFFFFFF80  }
0x1b: {  	[tilespmem:s16], [sflag:$0x7] =	stream.indirect.gather [hbm4b:s15+s5], $0x80, s2, s5, $0xb8;
	[tilespmem:$0x8400] =	vst v63  }
0x1c: {  	_ =	swait.ge [sflag:s17], $0x4000  }
0x1d: {  	[sflag:s17] =	ssyncset.done $0x0  }
0x1e: {  	s18 =	simm.s32 $0x2;
	[sflag:s17] =	ssyncadd.s32 $0xFFFFC000  }
0x1f: {  	_ =	swait.ge [sflag:s18], $0x80  }
0x20: {  	[sflag:s18] =	ssyncset.done $0x0  }
0x21: {  	[sflag:s18] =	ssyncadd.s32 $0xFFFFFF80  }
0x22: {  	[tilespmem:s16], [sflag:$0x7] =	stream.indirect.gather.add.f32 [hbm:s15], $0x80, s5, s5, $0xb8;
	[tilespmem:$0x8400] =	vst v63  }
0x23: {  	s20 =	sshll.u32 s20, $0x4;
	_ =	swait.ge [sflag:s17], $0x4000  }
0x24: {  	s31 =	sadd.s32 s20, s19;
	[sflag:s17] =	ssyncset.done $0x0  }
0x25: {  	s20 =	simm.s32 $0x3;
	s19 =	sadd.s32 $0x2400, s31;
	[sflag:s17] =	ssyncadd.s32 $0xFFFFC000  }
0x26: {  	[hbm4b:s19+s2] =	stream.linear.scatter [tilespmem:s16], [sflag:$0x9], $0x4000, $0x38;
	[tilespmem:$0x8400] =	vst v63  }
0x27: {  	_ =	swait.ge [sflag:s20], $0x80  }
0x28: {  	[sflag:s20] =	ssyncset.done $0x0  }
0x29: {  	s21 =	simm.s32 $0x4400;
	s22 =	simm.s32 $0x8;
	[sflag:s20] =	ssyncadd.s32 $0xFFFFFF80  }
0x2a: {  	[tilespmem:s21], [sflag:$0x8] =	stream.indirect.gather [hbm4b:s15+s5], $0x80, s7, s5, $0xb8;
	[tilespmem:$0x8400] =	vst v63  }
0x2b: {  	_ =	swait.ge [sflag:s22], $0x4000  }
0x2c: {  	[sflag:s22] =	ssyncset.done $0x0  }
0x2d: {  	s23 =	simm.s32 $0x4;
	[sflag:s22] =	ssyncadd.s32 $0xFFFFC000  }
0x2e: {  	_ =	swait.ge [sflag:s23], $0x80  }
0x2f: {  	[sflag:s23] =	ssyncset.done $0x0  }
0x30: {  	[sflag:s23] =	ssyncadd.s32 $0xFFFFFF80  }
0x31: {  	[tilespmem:s21], [sflag:$0x8] =	stream.indirect.gather.add.f32 [hbm:s15], $0x80, s9, s5, $0xb8;
	[tilespmem:$0x8400] =	vst v63  }
0x32: {  	_ =	swait.ge [sflag:s22], $0x4000  }
0x33: {  	[sflag:s22] =	ssyncset.done $0x0  }
0x34: {  	s25 =	simm.s32 $0x9;
	s24 =	sadd.s32 $0x12400, s31;
	[sflag:s22] =	ssyncadd.s32 $0xFFFFC000  }
0x35: {  	[hbm4b:s24+s2] =	stream.linear.scatter [tilespmem:s21], [sflag:$0xA], $0x4000, $0x38;
	[tilespmem:$0x8400] =	vst v63  }
0x36: {  	_ =	swait.ge [sflag:s25], $0x4000  }
0x37: {  	[sflag:s25] =	ssyncset.done $0x0  }
0x38: {  	s26 =	simm.s32 $0x5;
	[sflag:s25] =	ssyncadd.s32 $0xFFFFC000  }
0x39: {  	_ =	swait.ge [sflag:s26], $0x80  }
0x3a: {  	[sflag:s26] =	ssyncset.done $0x0  }
0x3b: {  	s28 =	rddreg [dreg:$0x9];
	[sflag:s26] =	ssyncadd.s32 $0xFFFFFF80  }
0x3c: {  	[tilespmem:s16], [sflag:$0x7] =	stream.indirect.gather [hbm4b:s28+s5], $0x80, s11, s5, $0xb8;
	[tilespmem:$0x8400] =	vst v63  }
0x3d: {  	_ =	swait.ge [sflag:s17], $0x4000  }
0x3e: {  	[sflag:s17] =	ssyncset.done $0x0  }
0x3f: {  	s29 =	simm.s32 $0xA;
	s28 =	sadd.s32 $0x22400, s31;
	[sflag:s17] =	ssyncadd.s32 $0xFFFFC000  }
0x40: {  	[hbm4b:s28+s2] =	stream.linear.scatter [tilespmem:s16], [sflag:$0x9], $0x4000, $0x38;
	[tilespmem:$0x8400] =	vst v63  }
0x41: {  	_ =	swait.ge [sflag:s29], $0x4000  }
0x42: {  	[sflag:s29] =	ssyncset.done $0x0  }
0x43: {  	s30 =	simm.s32 $0x6;
	[sflag:s29] =	ssyncadd.s32 $0xFFFFC000  }
0x44: {  	_ =	swait.ge [sflag:s30], $0x80  }
0x45: {  	[sflag:s30] =	ssyncset.done $0x0  }
0x46: {  	s0 =	rddreg [dreg:$0xa];
	[sflag:s30] =	ssyncadd.s32 $0xFFFFFF80  }
0x47: {  	[tilespmem:s21], [sflag:$0x8] =	stream.indirect.gather [hbm4b:s0+s5], $0x80, s13, s5, $0xb8;
	[tilespmem:$0x8400] =	vst v63  }
0x48: {  	s0 =	ssub.s32 $0x2, s1  }
0x49: {  	_ =	swait.ge [sflag:s22], $0x4000;
	s1 =	sshrl.u32 s0, $0x1  }
0x4a: {  	[sflag:s22] =	ssyncset.done $0x0;
	s0 =	ssub.s32 s0, s1  }
0x4b: {  	s31 =	sadd.s32 $0x32400, s31;
	[sflag:s22] =	ssyncadd.s32 $0xFFFFC000;
	s0 =	smax.u32 s0, $0x1  }
0x4c: {  	[hbm4b:s31+s2] =	stream.linear.scatter [tilespmem:s21], [sflag:$0xA], $0x4000, $0x38;
	[tilespmem:$0x8400] =	vst v63  }
0x4d: {  	p0 =	sne.s32 s0, $0x1  }
.Ltmp0:
0x4e: {  	_ =	swait.ge [sflag:s25], $0x4000;
	(pc) =	sbr.rel @!p0 .LBB2_2-.Ltmp0, $4  }
0x4f: {  	[sflag:s25] =	ssyncset.done $0x0  }
0x50: {  	[sflag:s25] =	ssyncadd.s32 $0xFFFFC000  }
0x51: {  	_ =	swait.ge [sflag:s29], $0x4000  }
0x52: {  	s1 =	sadd.s32 $0xFFFFFFFF, s0;
	[sflag:s29] =	ssyncset.done $0x0  }
.LBB2_1:
0x53: {  	[sflag:s29] =	ssyncadd.s32 $0xFFFFC000  }
0x54: {  	[tilespmem:s2], [sflag:$0x1] =	stream.linear.gather [hbm4b:s3+s2], $0x80, $0x38;
	[tilespmem:$0x8400] =	vst v63  }
0x55: {  	_ = 	snop  }
0x56: {  	[tilespmem:s5], [sflag:$0x2] =	stream.linear.gather [hbm4b:s4+s2], $0x80, $0x38;
	[tilespmem:$0x8400] =	vst v63  }
0x57: {  	_ = 	snop  }
0x58: {  	[tilespmem:s7], [sflag:$0x3] =	stream.linear.gather [hbm4b:s6+s2], $0x80, $0x38;
	[tilespmem:$0x8400] =	vst v63  }
0x59: {  	_ = 	snop  }
0x5a: {  	[tilespmem:s9], [sflag:$0x4] =	stream.linear.gather [hbm4b:s8+s2], $0x80, $0x38;
	[tilespmem:$0x8400] =	vst v63  }
0x5b: {  	_ = 	snop  }
0x5c: {  	[tilespmem:s11], [sflag:$0x5] =	stream.linear.gather [hbm4b:s10+s2], $0x80, $0x38;
	[tilespmem:$0x8400] =	vst v63  }
0x5d: {  	_ = 	snop  }
0x5e: {  	[tilespmem:s13], [sflag:$0x6] =	stream.linear.gather [hbm4b:s12+s2], $0x80, $0x38;
	[tilespmem:$0x8400] =	vst v63  }
0x5f: {  	_ =	swait.ge [sflag:s14], $0x80  }
0x60: {  	[sflag:s14] =	ssyncset.done $0x0  }
0x61: {  	[sflag:s14] =	ssyncadd.s32 $0xFFFFFF80  }
0x62: {  	[tilespmem:s16], [sflag:$0x7] =	stream.indirect.gather [hbm4b:s15+s5], $0x80, s2, s5, $0xb8;
	[tilespmem:$0x8400] =	vst v63  }
0x63: {  	_ =	swait.ge [sflag:s17], $0x4000  }
0x64: {  	[sflag:s17] =	ssyncset.done $0x0  }
0x65: {  	[sflag:s17] =	ssyncadd.s32 $0xFFFFC000  }
0x66: {  	_ =	swait.ge [sflag:s18], $0x80  }
0x67: {  	[sflag:s18] =	ssyncset.done $0x0  }
0x68: {  	[sflag:s18] =	ssyncadd.s32 $0xFFFFFF80  }
0x69: {  	[tilespmem:s16], [sflag:$0x7] =	stream.indirect.gather.add.f32 [hbm:s15], $0x80, s5, s5, $0xb8;
	[tilespmem:$0x8400] =	vst v63  }
0x6a: {  	_ =	swait.ge [sflag:s17], $0x4000  }
0x6b: {  	[sflag:s17] =	ssyncset.done $0x0  }
0x6c: {  	[sflag:s17] =	ssyncadd.s32 $0xFFFFC000  }
0x6d: {  	[hbm4b:s19+s2] =	stream.linear.scatter [tilespmem:s16], [sflag:$0x9], $0x4000, $0x38;
	[tilespmem:$0x8400] =	vst v63  }
0x6e: {  	_ =	swait.ge [sflag:s20], $0x80  }
0x6f: {  	[sflag:s20] =	ssyncset.done $0x0  }
0x70: {  	[sflag:s20] =	ssyncadd.s32 $0xFFFFFF80  }
0x71: {  	[tilespmem:s21], [sflag:$0x8] =	stream.indirect.gather [hbm4b:s15+s5], $0x80, s7, s5, $0xb8;
	[tilespmem:$0x8400] =	vst v63  }
0x72: {  	_ =	swait.ge [sflag:s22], $0x4000  }
0x73: {  	[sflag:s22] =	ssyncset.done $0x0  }
0x74: {  	[sflag:s22] =	ssyncadd.s32 $0xFFFFC000  }
0x75: {  	_ =	swait.ge [sflag:s23], $0x80  }
0x76: {  	[sflag:s23] =	ssyncset.done $0x0  }
0x77: {  	[sflag:s23] =	ssyncadd.s32 $0xFFFFFF80  }
0x78: {  	[tilespmem:s21], [sflag:$0x8] =	stream.indirect.gather.add.f32 [hbm:s15], $0x80, s9, s5, $0xb8;
	[tilespmem:$0x8400] =	vst v63  }
0x79: {  	_ =	swait.ge [sflag:s22], $0x4000  }
0x7a: {  	[sflag:s22] =	ssyncset.done $0x0  }
0x7b: {  	[sflag:s22] =	ssyncadd.s32 $0xFFFFC000  }
0x7c: {  	[hbm4b:s24+s2] =	stream.linear.scatter [tilespmem:s21], [sflag:$0xA], $0x4000, $0x38;
	[tilespmem:$0x8400] =	vst v63  }
0x7d: {  	_ =	swait.ge [sflag:s25], $0x4000  }
0x7e: {  	[sflag:s25] =	ssyncset.done $0x0  }
0x7f: {  	[sflag:s25] =	ssyncadd.s32 $0xFFFFC000  }
0x80: {  	_ =	swait.ge [sflag:s26], $0x80  }
0x81: {  	[sflag:s26] =	ssyncset.done $0x0  }
0x82: {  	s0 =	rddreg [dreg:$0x9];
	[sflag:s26] =	ssyncadd.s32 $0xFFFFFF80  }
0x83: {  	[tilespmem:s16], [sflag:$0x7] =	stream.indirect.gather [hbm4b:s0+s5], $0x80, s11, s5, $0xb8;
	[tilespmem:$0x8400] =	vst v63  }
0x84: {  	_ =	swait.ge [sflag:s17], $0x4000  }
0x85: {  	[sflag:s17] =	ssyncset.done $0x0  }
0x86: {  	[sflag:s17] =	ssyncadd.s32 $0xFFFFC000  }
0x87: {  	[hbm4b:s28+s2] =	stream.linear.scatter [tilespmem:s16], [sflag:$0x9], $0x4000, $0x38;
	[tilespmem:$0x8400] =	vst v63  }
0x88: {  	_ =	swait.ge [sflag:s29], $0x4000  }
0x89: {  	[sflag:s29] =	ssyncset.done $0x0  }
0x8a: {  	[sflag:s29] =	ssyncadd.s32 $0xFFFFC000  }
0x8b: {  	_ =	swait.ge [sflag:s30], $0x80  }
0x8c: {  	[sflag:s30] =	ssyncset.done $0x0  }
0x8d: {  	s0 =	rddreg [dreg:$0xa];
	[sflag:s30] =	ssyncadd.s32 $0xFFFFFF80  }
0x8e: {  	[tilespmem:s21], [sflag:$0x8] =	stream.indirect.gather [hbm4b:s0+s5], $0x80, s13, s5, $0xb8;
	[tilespmem:$0x8400] =	vst v63  }
0x8f: {  	_ =	swait.ge [sflag:s22], $0x4000  }
0x90: {  	[sflag:s22] =	ssyncset.done $0x0  }
0x91: {  	p0 =	sne.s32 s1, $0x1;
	[sflag:s22] =	ssyncadd.s32 $0xFFFFC000  }
0x92: {  	[hbm4b:s31+s2] =	stream.linear.scatter [tilespmem:s21], [sflag:$0xA], $0x4000, $0x38;
	[tilespmem:$0x8400] =	vst v63  }
.Ltmp1:
0x93: {  	_ =	swait.ge [sflag:s25], $0x4000;
	(pc) =	sbr.rel @p0 .LBB2_1-.Ltmp1, $4  }
0x94: {  	[sflag:s25] =	ssyncset.done $0x0  }
0x95: {  	[sflag:s25] =	ssyncadd.s32 $0xFFFFC000  }
0x96: {  	_ =	swait.ge [sflag:s29], $0x4000  }
0x97: {  	s1 =	sadd.s32 $0xFFFFFFFF, s1;
	[sflag:s29] =	ssyncset.done $0x0  }
.LBB2_2:
0x98: {  	[sflag:s29] =	ssyncadd.s32 $0xFFFFC000  }
0x99: {  	_ =	sfence.sel $0x180000  }
0x9a: {  	[bflag:$0x0] =	sbarrier.arrive $0xFFFF  }
0x9b: {  	_ =	strace $0x9000004D  }
0x9c: {  	s0 =	stileid.u32;
	[bflag:$0x2] =	sbarrier.arrive $0xFFFF  }
0x9d: {  	p0 =	sne.s32 s0, $0x0;
	s0 =	rddreg [dreg:$0x8]  }
0x9e: {  	s0 =	sadd.s32 @!p0 $0x100000, s0  }
0x9f: {  	[sflag:s0] =	ssyncadd.tile.s32 @!p0 $0x1;
	_ =	shalt  }
.Lfunc_end2:
_tile_overlayer_lowered:
.L_overlay_start_2:
0xa0: {  	(tag) =	ssettag $0x2  }
0xa1: {  	s0 =	rddreg [dreg:$0x0];
	s2 =	stileid.u32  }
0xa2: {  	s1 =	rddreg [dreg:$0x1];
	p0 =	sne.s32 s2, $0x0  }
0xa3: {  	s3 =	rddreg [dreg:$0x2];
	[bflag:$0x3] =	sbarrier.arrive $0xFFFF;
	s2 =	simm.s32 @!p0 $0x1C0B  }
0xa4: {  	[timem:s3], [sflag:s2] =	dma.local @!p0 [hbm:s0], s1  }
0xa5: {  	s0 =	simm.s32 @!p0 $0xB  }
0xa6: {  	_ =	swait.ge @!p0 [sflag:s0], s1  }
0xa7: {  	s1 =	ssub.s32 @!p0 $0x0, s1;
	[sflag:s0] =	ssyncset.done @!p0 $0x0  }
0xa8: {  	[sflag:s0] =	ssyncadd.s32 @!p0 s1  }
0xa9: {  	[bflag:$0x3] =	sbarrier.arrive $0xFFFF  }
0xaa: {  	_ =	shalt  }

// kernel: kernel.7.cloned.1.call-start
scs
__scs_entry_jumppad:
0x0: {  	(pc) =	sbr.rel $0x88, $3  }
0x1: {  	(tag) =	ssettag $0x0;
	lr =	simm.s32 $0x1  }
0x2: {  	[smem:$0x3F97] =	sst lr;
	_ =	strace $0xD0000000  }
0x3: {  	_ = 	snop  }
0x4: {  	_ = 	snop  }
0x5: {  	_ = 	snop  }
0x6: {  	_ = 	snop  }
0x7: {  	_ = 	snop  }
__scs_overlays_trampoline_lowered:
0x8: {  	[smem:$0x3FA6] =	sst s0  }
0x9: {  	[smem:$0x3FA7] =	sst s1  }
0xa: {  	[smem:$0x3FA8] =	sst s2  }
0xb: {  	[smem:$0x3FA9] =	sst s3  }
0xc: {  	[smem:$0x3FAA] =	sst s4  }
0xd: {  	[smem:$0x3FAB] =	sst s5  }
0xe: {  	[smem:$0x3FAC] =	sst s6  }
0xf: {  	[smem:$0x3FAD] =	sst s7  }
0x10: {  	[smem:$0x3FAE] =	sst s8  }
0x11: {  	[smem:$0x3FAF] =	sst s9;
	s0 =	simm.s32 @!p0 $0x0  }
0x12: {  	s1 =	sld [smem:$0x3F95];
	s0 =	simm.s32 @p0 $0x1  }
0x13: {  	[smem:$0x3FB0] =	sst s0;
	s0 =	simm.s32 @!p1 $0x0  }
0x14: {  	s2 =	sld [smem:$0x3F94];
	s0 =	simm.s32 @p1 $0x1  }
0x15: {  	[smem:$0x3FB1] =	sst s0;
	s0 =	simm.s32 @!p2 $0x0  }
0x16: {  	s3 =	sld [smem:$0x3FDB];
	s0 =	simm.s32 @p2 $0x1  }
0x17: {  	s4 =	simm.s32 $0x1BF5;
	[smem:$0x3FB3] =	sst s0  }
0x18: {  	s0 =	sld [smem:$0x3F96];
	_ =	swait.ge [sflag:s4], $0x0  }
0x19: {  	s7 =	sld [smem:$0x3F97]  }
0x1a: {  	s8 =	sadd.s32 $0xFFFFE003, lr  }
0x1b: {  	s9 =	sadd.s32 $0xFFFFFEF7, lr;
	s5 =	simm.s32 $0xFFFFFFFF;
	p2 =	slt.u32 s8, $0xFFFFF086  }
0x1c: {  	p1 =	slt.u32 s9, $0xF7A;
	s5 =	simm.s32 @!p2 $0x0  }
0x1d: {  	s5 =	simm.s32 @p1 $0x1;
	p0 =	seq.s32 s7, s2  }
0x1e: {  	s7 =	smul.u32 @!p0 $0xF7A, s2;
	p2 =	seq.s32 @!p0 s5, $0x0  }
0x1f: {  	s9 =	smul.u32 $0xF7A, s1;
	s8 =	simm.s32 @!p0 $0x1BF5;
	p2 =	por !p2, p0  }
0x20: {  	[sflag:s8] =	ssyncset.s32 @!p0 $0xFFFFF086;
	s6 =	sadd.s32 @!p0 s3, s7;
	s7 =	simm.s32 @!p0 $0x108  }
0x21: {  	s3 =	sadd.s32 s3, s9;
	s6 =	sadd.s32 @!p0 $0x88, s6;
	s7 =	simm.s32 @p2 $0x1082  }
0x22: {  	[simem:s7], [sflag:s8] =	dma.local @!p0 [hbm:s6], $0xF7A  }
0x23: {  	s9 =	sor.u32 $0xD0000000, s2;
	s6 =	simm.s32 $0x108;
	_ =	swait.ge @!p0 [sflag:s8], $0x0  }
0x24: {  	s3 =	sadd.s32 $0x88, s3;
	s6 =	simm.s32 @!p1 $0x1082;
	[sflag:s4] =	ssyncset.s32 $0xFFFFF086  }
0x25: {  	[simem:s6], [sflag:s4] =	dma.local [hbm:s3], $0xF7A  }
0x26: {  	[smem:$0x3F97] =	sst s1;
	(tag) =	ssettag s2;
	_ =	strace s9  }
0x27: {  	s1 =	sld [smem:$0x3FA7]  }
0x28: {  	s2 =	sld [smem:$0x3FA8]  }
0x29: {  	s4 =	sld [smem:$0x3FAA]  }
0x2a: {  	p0 =	seq.s32 s5, $0x0;
	s5 =	sld [smem:$0x3FAB]  }
0x2b: {  	s6 =	sld [smem:$0x3FAC]  }
0x2c: {  	s7 =	sld [smem:$0x3FAD]  }
0x2d: {  	s3 =	simm.s32 $0x108;
	s8 =	sld [smem:$0x3FAE]  }
0x2e: {  	s3 =	simm.s32 @!p0 $0x1082;
	s9 =	sld [smem:$0x3FAF]  }
0x2f: {  	lr =	sadd.s32 s0, s3;
	s0 =	sld [smem:$0x3FA6]  }
0x30: {  	s3 =	sld [smem:$0x3FA9]  }
0x31: {  	[smem:$0x3FB2] =	sst s10  }
0x32: {  	s10 =	sld [smem:$0x3FB0];
	_ =	sdelay $0x3  }
0x33: {  	p0 =	seq.s32 s10, $0x1;
	s10 =	sld [smem:$0x3FB2];
	_ =	sdelay $0x3  }
0x34: {  	[smem:$0x3FB2] =	sst s10  }
0x35: {  	s10 =	sld [smem:$0x3FB1];
	_ =	sdelay $0x3  }
0x36: {  	p1 =	seq.s32 s10, $0x1;
	s10 =	sld [smem:$0x3FB2];
	_ =	sdelay $0x3  }
0x37: {  	[smem:$0x3FB2] =	sst s10  }
0x38: {  	s10 =	sld [smem:$0x3FB3]  }
0x39: {  	_ = 	snop;
	(pc) =	sbr.ind lr, $3  }
0x3a: {  	_ = 	snop  }
0x3b: {  	_ = 	snop  }
0x3c: {  	p2 =	seq.s32 s10, $0x1;
	s10 =	sld [smem:$0x3FB2]  }
0x3d: {  	_ =	shalt  }
0x3e: {  	_ =	shalt  }
0x3f: {  	_ =	shalt  }
0x40: {  	_ =	shalt  }
0x41: {  	_ =	shalt  }
0x42: {  	_ =	shalt  }
0x43: {  	_ =	shalt  }
0x44: {  	_ =	shalt  }
0x45: {  	_ =	shalt  }
0x46: {  	_ =	shalt  }
0x47: {  	_ =	shalt  }
0x48: {  	_ =	shalt  }
0x49: {  	_ =	shalt  }
0x4a: {  	_ =	shalt  }
0x4b: {  	_ =	shalt  }
0x4c: {  	_ =	shalt  }
0x4d: {  	_ =	shalt  }
0x4e: {  	_ =	shalt  }
0x4f: {  	_ =	shalt  }
0x50: {  	_ =	shalt  }
0x51: {  	_ =	shalt  }
0x52: {  	_ =	shalt  }
0x53: {  	_ =	shalt  }
0x54: {  	_ =	shalt  }
0x55: {  	_ =	shalt  }
0x56: {  	_ =	shalt  }
0x57: {  	_ =	shalt  }
0x58: {  	_ =	shalt  }
0x59: {  	_ =	shalt  }
0x5a: {  	_ =	shalt  }
0x5b: {  	_ =	shalt  }
0x5c: {  	_ =	shalt  }
0x5d: {  	_ =	shalt  }
0x5e: {  	_ =	shalt  }
0x5f: {  	_ =	shalt  }
0x60: {  	_ =	shalt  }
0x61: {  	_ =	shalt  }
0x62: {  	_ =	shalt  }
0x63: {  	_ =	shalt  }
0x64: {  	_ =	shalt  }
0x65: {  	_ =	shalt  }
0x66: {  	_ =	shalt  }
0x67: {  	_ =	shalt  }
0x68: {  	_ =	shalt  }
0x69: {  	_ =	shalt  }
0x6a: {  	_ =	shalt  }
0x6b: {  	_ =	shalt  }
0x6c: {  	_ =	shalt  }
0x6d: {  	_ =	shalt  }
0x6e: {  	_ =	shalt  }
0x6f: {  	_ =	shalt  }
0x70: {  	_ =	shalt  }
0x71: {  	_ =	shalt  }
0x72: {  	_ =	shalt  }
0x73: {  	_ =	shalt  }
0x74: {  	_ =	shalt  }
0x75: {  	_ =	shalt  }
0x76: {  	_ =	shalt  }
0x77: {  	_ =	shalt  }
0x78: {  	_ =	shalt  }
0x79: {  	_ =	shalt  }
0x7a: {  	_ =	shalt  }
0x7b: {  	_ =	shalt  }
0x7c: {  	_ =	shalt  }
0x7d: {  	_ =	shalt  }
0x7e: {  	_ =	shalt  }
0x7f: {  	_ =	shalt  }
0x80: {  	_ =	shalt  }
0x81: {  	_ =	shalt  }
0x82: {  	_ =	shalt  }
0x83: {  	_ =	shalt  }
0x84: {  	_ =	shalt  }
0x85: {  	_ =	shalt  }
0x86: {  	_ =	shalt  }
0x87: {  	_ =	shalt  }
.Lfunc_end0:
.L_simem_size_0:
called_computation_lowered:
.L_overlay_start_0:
0x88: {  	s2 =	sld [smem:$0x3FD9]  }
0x89: {  	s3 =	sld [smem:$0x3FFE];
	_ =	sdelay $0x1  }
0x8a: {  	s1 =	srdreg.scid  }
0x8b: {  	s0 =	sand.u32 $0x1, s1  }
0x8c: {  	s17 =	sshll.u32 s0, $0xA;
	s2 =	sadd.s32 s3, s2  }
0x8d: {  	s2 =	sadd.s32 s2, s17  }
0x8e: {  	[smem:$0x3FBE] =	sst s2  }
0x8f: {  	_ = 	snop  }
0x90: {  	s2 =	sld [smem:$0x3FC9];
	(tm) =	ssettm $0x1  }
0x91: {  	s18 =	sld [smem:$0x3FFB];
	_ =	sdelay $0x3  }
0x92: {  	_ =	strace s18  }
0x93: {  	s3 =	sld [smem:$0x3FFC];
	_ =	sdelay $0x3  }
0x94: {  	_ =	strace s3  }
0x95: {  	s3 =	sld [smem:$0x3FFD];
	_ =	sdelay $0x3  }
0x96: {  	_ =	strace s3  }
0x97: {  	_ =	strace $0x8FFFFFFF  }
0x98: {  	s19 =	sld [smem:$0x3FDB];
	_ =	sdelay $0x1  }
0x99: {  	s4 =	simm.s32 $_scs_section_size  }
0x9a: {  	s5 =	simm.s32 $_size__tile_overlayer_lowered;
	s6 =	simm.s32 $_tile_overlayer_lowered  }
0x9b: {  	s22 =	simm.s32 $0x1BFF;
	s21 =	sshll.u32 s6, $0x1;
	s3 =	sadd.s32 s4, s19  }
0x9c: {  	s7 =	simm.s32 $0x0;
	s20 =	sshll.u32 s5, $0x1;
	s5 =	sadd.s32 s21, s3  }
0x9d: {  	[timem:s7], [sflag:s22] =	dma.local [hbm:s5], s20  }
0x9e: {  	_ =	swait.ge [sflag:s22], s20  }
0x9f: {  	s4 =	ssub.s32 $0x0, s20;
	[sflag:s22] =	ssyncset.done $0x0  }
0xa0: {  	[sflag:s22] =	ssyncadd.s32 s4;
	_ =	sdelay $0x1  }
0xa1: {  	s23 =	simm.s32 $0x1B8B  }
0xa2: {  	_ =	swait.ge [sflag:s23], $0x1  }
0xa3: {  	[sflag:s23] =	ssyncset.done $0x0  }
0xa4: {  	s25 =	simm.s32 $0x1B8E;
	s24 =	sld [smem:$0x3FFE];
	[sflag:s23] =	ssyncadd.s32 $0xFFFFFFFF  }
0xa5: {  	s26 =	simm.s32 $execute0_lowered;
	[smem:$0x3FD2] =	sst s25  }
0xa6: {  	s5 =	sshll.u32 s26, $0x1;
	_ =	strace $0x80000046;
	[dreg:$0x1] =	wrdreg $0xFFFFFFFF  }
0xa7: {  	s28 =	simm.s32 $_size_execute0_lowered;
	s3 =	sadd.s32 s3, s5;
	[dreg:$0x0] =	wrdreg $0x0  }
0xa8: {  	s5 =	sshll.u32 s28, $0x1;
	[dreg:$0x2] =	wrdreg s3  }
0xa9: {  	[dreg:$0x3] =	wrdreg s5  }
0xaa: {  	[dreg:$0x4] =	wrdreg $0xC0  }
0xab: {  	_ =	task [dreg:s7], $0x5FFFF  }
0xac: {  	[dreg:$0x1] =	wrdreg $0xFFFFFFFF  }
0xad: {  	[dreg:$0x0] =	wrdreg $0x60  }
0xae: {  	[dreg:$0x2] =	wrdreg s2  }
0xaf: {  	[dreg:$0x3] =	wrdreg s24  }
0xb0: {  	[dreg:$0x4] =	wrdreg $0xA8000  }
0xb1: {  	[dreg:$0x5] =	wrdreg $0x9  }
0xb2: {  	_ =	task.clear_ibuf [dreg:s7], $0x6FFFF;
	_ =	strace $0x90000046  }
0xb3: {  	s29 =	simm.s32 $0x9;
	_ =	strace $0x80000048  }
0xb4: {  	_ =	swait.ge [sflag:s29], $0x1  }
0xb5: {  	[sflag:s29] =	ssyncadd.s32 $0xFFFFFFFF  }
0xb6: {  	_ =	strace $0x90000048  }
0xb7: {  	_ =	sfence  }
0xb8: {  	s30 =	sld [smem:$0x0];
	_ =	sdelay $0x2  }
0xb9: {  	s31 =	sshll.u32 s1, $0xD;
	s1 =	sshrl.u32 s1, $0x2  }
0xba: {  	s3 =	sand.u32 $0x4000, s31;
	s1 =	sadd.s32 s1, s30  }
0xbb: {  	s0 =	sor.u32 s3, s0;
	s1 =	sshll.u32 s1, $0x11  }
0xbc: {  	s0 =	sor.u32 s1, s0  }
0xbd: {  	s0 =	sadd.s32 $0x8F2B, s0  }
0xbe: {  	[sflag:s0] =	ssyncadd.remote.s32 $0x1  }
0xbf: {  	_ =	sfence.sel $0xFFFF  }
0xc0: {  	[dreg:$0x0] =	wrdreg $0xFFFFFFFF;
	(pc) =	sbr.abs _section_cstart, $3  }
0xc1: {  	[dreg:$0x1] =	wrdreg $0xFFFFFFFF  }
0xc2: {  	_ =	task.clear_ibuf [dreg:s7], $0x2FFFF;
	_ =	strace $0x9FFFFFFF  }
0xc3: {  	(tm) =	ssettm $0x7FFFFFFF  }
tec
execute0_lowered:
.L_overlay_start_1:
0x0: {  	(tag) =	ssettag $0x1  }
0x1: {  	s1 =	rddreg [dreg:$0x0]  }
0x2: {  	s0 =	srdreg.scid;
	s5 =	rddreg [dreg:$0x1]  }
0x3: {  	s9 =	stileid.u32;
	s3 =	rddreg [dreg:$0x2]  }
0x4: {  	s4 =	simm.s32 $0x0;
	s14 =	simm.s32 $0x5;
	s15 =	simm.s32 $0x1400  }
0x5: {  	s16 =	simm.s32 $0x80;
	s17 =	simm.s32 $0x2800;
	s18 =	simm.s32 $0x6800  }
0x6: {  	s19 =	simm.s32 $0x1;
	s20 =	simm.s32 $0x3;
	s21 =	simm.s32 $0x4  }
0x7: {  	s22 =	simm.s32 $0x0;
	s0 =	sand.u32 $0x1, s0;
	s6 =	smul.u32 $0x13C00, s9  }
0x8: {  	[smem:$0x7FF] =	sst s4;
	s26 =	smul.u32 $0x4F000, s9;
	s30 =	sshll.u32 s9, $0x6  }
0x9: {  	s2 =	sshll.u32 s0, $0x4;
	s7 =	smul.u32 $0x13C000, s0;
	_ =	strace $0x80000047  }
0xa: {  	s0 =	ssub.s32 $0x2, s0;
	s2 =	sor.u32 s9, s2;
	s8 =	sshrl.u32 s6, $0x3  }
0xb: {  	s28 =	sshrl.u32 s0, $0x1;
	s29 =	sshrl.u32 s26, $0x2;
	s2 =	smul.u32 $0x2800, s2  }
0xc: {  	s6 =	sadd.s32 s6, s7;
	s8 =	sadd.s32 s8, s5;
	s0 =	ssub.s32 s0, s28  }
0xd: {  	s13 =	sadd.s32 s29, s3;
	s6 =	sshrl.u32 s6, $0x3;
	s31 =	sadd.s32 $0x16400, s8  }
0xe: {  	s12 =	smax.u32 s0, $0x1;
	s13 =	sshrl.u32 s13, $0x3;
	s2 =	sshrl.u32 s2, $0x3  }
0xf: {  	s11 =	sadd.s32 s6, s5;
	[dreg:$0x4] =	wrdreg s31;
	s2 =	sadd.s32 s2, s5  }
0x10: {  	s6 =	sor.u32 $0x1C05, s30;
	s11 =	sadd.s32 $0x3DC00, s11;
	s7 =	sadd.s32 $0x2400, s2  }
0x11: {  	s8 =	sadd.s32 $0xC400, s2;
	s9 =	sadd.s32 $0x2680, s2;
	s10 =	sadd.s32 $0xC680, s2  }
.LBB2_1:
0x12: {  	s0 =	rddreg [dreg:$0x4]  }
0x13: {  	[spmem:s13], [sflag:s6] =	dma.local [hbm:s0], $0x2780  }
0x14: {  	_ =	swait.ge [sflag:s14], $0x2780  }
0x15: {  	[sflag:s14] =	ssyncset.done $0x0  }
0x16: {  	[sflag:s14] =	ssyncadd.s32 $0xFFFFD880  }
0x17: {  	[bflag:$0x0] =	sbarrier.arrive $0xFFFF  }
0x18: {  	[tilespmem:s4], [sflag:$0x5] =	stream.linear.gather [hbm4b:s7+s4], $0x1400, $0x38;
	[tilespmem:$0x1E400] =	vst v63  }
0x19: {  	_ =	swait.ge [sflag:s14], $0x1400  }
0x1a: {  	[sflag:s14] =	ssyncset.done $0x0  }
0x1b: {  	[sflag:s14] =	ssyncadd.s32 $0xFFFFEC00  }
0x1c: {  	[tilespmem:s15], [sflag:$0x5] =	stream.linear.gather [hbm4b:s8+s4], $0x1400, $0x38;
	[tilespmem:$0x1E400] =	vst v63  }
0x1d: {  	_ =	swait.ge [sflag:s14], $0x1400  }
0x1e: {  	[sflag:s14] =	ssyncset.done $0x0  }
0x1f: {  	[sflag:s14] =	ssyncadd.s32 $0xFFFFEC00  }
0x20: {  	[tilespmem:s17], [sflag:$0x1] =	stream.indirect.gather [hbm4b:s1+s16], $0x80, s4, s16, $0xb8;
	[tilespmem:$0x1E400] =	vst v63  }
0x21: {  	s24 =	simm.s32 $0x2;
	s23 =	simm.s32 $0x100  }
0x22: {  	[tilespmem:s18], [sflag:$0x2] =	stream.indirect.gather [hbm4b:s1+s16], $0x80, s16, s16, $0xb8;
	[tilespmem:$0x1E400] =	vst v63  }
0x23: {  	s26 =	simm.s32 $0x1;
	s0 =	sand.u32 $0x1, s24;
	_ =	swait.ge [sflag:s19], $0x4000  }
0x24: {  	s28 =	sand.u32 $0x1, s26;
	s26 =	simm.s32 $0x1480;
	[sflag:s19] =	ssyncset.done $0x0  }
0x25: {  	s2 =	sadd.s32 $0x3, s0;
	s24 =	sshll.u32 s0, $0xE;
	[sflag:s19] =	ssyncadd.s32 $0xFFFFC000  }
0x26: {  	[spmem:s3] =	stream.indirect.scatter.add.f32 [tilespmem:s17], [sflag:$0x3], $0x80, s15, s16, $0xb8;
	[tilespmem:$0x1E400] =	vst v63  }
0x27: {  	s0 =	sadd.s32 $0x1, s0;
	s30 =	sshll.u32 s28, $0xE;
	_ =	swait.ge [sflag:s2], $0x4000  }
0x28: {  	s31 =	sadd.s32 $0x1, s28;
	s29 =	sadd.s32 $0x3, s28;
	[sflag:s2] =	ssyncset.done $0x0  }
0x29: {  	s25 =	sor.u32 $0x2800, s24;
	s24 =	simm.s32 $0x1480;
	[sflag:s2] =	ssyncadd.s32 $0xFFFFC000  }
0x2a: {  	[tilespmem:s25], [sflag:s0] =	stream.indirect.gather [hbm4b:s1+s16], $0x80, s23, s16, $0xb8;
	[tilespmem:$0x1E400] =	vst v63  }
0x2b: {  	s25 =	simm.s32 $0x3;
	s0 =	sor.u32 $0x2800, s30;
	_ =	swait.ge [sflag:s31], $0x4000  }
.LBB2_2:
0x2c: {  	[sflag:s31] =	ssyncset.done $0x0  }
0x2d: {  	s24 =	sadd.s32 $0x80, s24;
	s23 =	sadd.s32 $0x80, s23;
	s2 =	smov.u32 s25  }
0x2e: {  	s5 =	sand.u32 $0x1, s25;
	p0 =	sne.s32 s25, $0x27;
	[sflag:s31] =	ssyncadd.s32 $0xFFFFC000  }
0x2f: {  	[spmem:s3] =	stream.indirect.scatter.add.f32 [tilespmem:s0], [sflag:s29], $0x80, s26, s16, $0xb8;
	[tilespmem:$0x1E400] =	vst v63  }
0x30: {  	s25 =	sadd.s32 $0x1, s25;
	s28 =	sadd.s32 $0x3, s5;
	s0 =	sshll.u32 s5, $0xE  }
0x31: {  	s26 =	smov.u32 s24;
	_ =	swait.ge [sflag:s28], $0x4000  }
0x32: {  	s29 =	sadd.s32 $0xFFFFFFFF, s2;
	s2 =	sadd.s32 $0x1, s5;
	[sflag:s28] =	ssyncset.done $0x0  }
.Ltmp0:
0x33: {  	s30 =	sor.u32 $0x2800, s0;
	[sflag:s28] =	ssyncadd.s32 $0xFFFFC000;
	(pc) =	sbr.rel @p0 .LBB2_2-.Ltmp0, $4  }
0x34: {  	[tilespmem:s30], [sflag:s2] =	stream.indirect.gather [hbm4b:s1+s16], $0x80, s23, s16, $0xb8;
	[tilespmem:$0x1E400] =	vst v63  }
0x35: {  	s0 =	sand.u32 $0x1, s29  }
0x36: {  	s5 =	sshll.u32 s0, $0xE;
	s31 =	sadd.s32 $0x1, s0;
	s29 =	sadd.s32 $0x3, s0  }
0x37: {  	s0 =	sor.u32 $0x2800, s5;
	_ =	swait.ge [sflag:s31], $0x4000  }
0x38: {  	[sflag:s31] =	ssyncset.done $0x0  }
0x39: {  	[sflag:s31] =	ssyncadd.s32 $0xFFFFC000  }
0x3a: {  	[spmem:s3] =	stream.indirect.scatter.add.f32 [tilespmem:s0], [sflag:s29], $0x80, s26, s16, $0xb8;
	[tilespmem:$0x1E400] =	vst v63  }
0x3b: {  	_ =	swait.ge [sflag:s2], $0x4000  }
0x3c: {  	[sflag:s2] =	ssyncset.done $0x0  }
0x3d: {  	s25 =	sadd.s32 $0x80, s24;
	[sflag:s2] =	ssyncadd.s32 $0xFFFFC000  }
0x3e: {  	[spmem:s3] =	stream.indirect.scatter.add.f32 [tilespmem:s30], [sflag:s28], $0x80, s25, s16, $0xb8;
	[tilespmem:$0x1E400] =	vst v63  }
0x3f: {  	_ =	swait.ge [sflag:s20], $0x4000  }
0x40: {  	[sflag:s20] =	ssyncset.done $0x0  }
0x41: {  	[sflag:s20] =	ssyncadd.s32 $0xFFFFC000  }
0x42: {  	_ =	swait.ge [sflag:s21], $0x4000  }
0x43: {  	[sflag:s21] =	ssyncset.done $0x0  }
0x44: {  	[sflag:s21] =	ssyncadd.s32 $0xFFFFC000  }
0x45: {  	[tilespmem:s4], [sflag:$0x5] =	stream.linear.gather [hbm4b:s9+s4], $0x1400, $0x38;
	[tilespmem:$0x1E400] =	vst v63  }
0x46: {  	_ =	swait.ge [sflag:s14], $0x1400  }
0x47: {  	[sflag:s14] =	ssyncset.done $0x0  }
0x48: {  	[sflag:s14] =	ssyncadd.s32 $0xFFFFEC00  }
0x49: {  	[tilespmem:s15], [sflag:$0x5] =	stream.linear.gather [hbm4b:s10+s4], $0x1400, $0x38;
	[tilespmem:$0x1E400] =	vst v63  }
0x4a: {  	_ =	swait.ge [sflag:s14], $0x1400  }
0x4b: {  	[sflag:s14] =	ssyncset.done $0x0  }
0x4c: {  	[sflag:s14] =	ssyncadd.s32 $0xFFFFEC00  }
0x4d: {  	[tilespmem:s17], [sflag:$0x1] =	stream.indirect.gather [hbm4b:s1+s16], $0x80, s4, s16, $0xb8;
	[tilespmem:$0x1E400] =	vst v63  }
0x4e: {  	_ = 	snop  }
0x4f: {  	[tilespmem:s18], [sflag:$0x2] =	stream.indirect.gather [hbm4b:s1+s16], $0x80, s16, s16, $0xb8;
	[tilespmem:$0x1E400] =	vst v63  }
0x50: {  	s26 =	simm.s32 $0x2;
	_ =	swait.ge [sflag:s19], $0x4000  }
0x51: {  	s23 =	simm.s32 $0x100;
	s0 =	sand.u32 $0x1, s26;
	[sflag:s19] =	ssyncset.done $0x0  }
0x52: {  	s24 =	simm.s32 $0x1480;
	s28 =	sadd.s32 $0x3, s0;
	[sflag:s19] =	ssyncadd.s32 $0xFFFFC000  }
0x53: {  	[spmem:s3] =	stream.indirect.scatter.add.f32 [tilespmem:s17], [sflag:$0x3], $0x80, s15, s16, $0xb8;
	[tilespmem:$0x1E400] =	vst v63  }
0x54: {  	s26 =	simm.s32 $0x1480;
	s5 =	sshll.u32 s0, $0xE;
	_ =	swait.ge [sflag:s28], $0x4000  }
0x55: {  	s30 =	simm.s32 $0x1;
	s25 =	sor.u32 $0x2800, s5;
	[sflag:s28] =	ssyncset.done $0x0  }
0x56: {  	s0 =	sadd.s32 $0x1, s0;
	[sflag:s28] =	ssyncadd.s32 $0xFFFFC000;
	s28 =	sand.u32 $0x1, s30  }
0x57: {  	[tilespmem:s25], [sflag:s0] =	stream.indirect.gather [hbm4b:s1+s16], $0x80, s23, s16, $0xb8;
	[tilespmem:$0x1E400] =	vst v63  }
0x58: {  	s25 =	simm.s32 $0x3;
	s30 =	sshll.u32 s28, $0xE;
	s31 =	sadd.s32 $0x1, s28  }
0x59: {  	s29 =	sadd.s32 $0x3, s28;
	s0 =	sor.u32 $0x2800, s30;
	_ =	swait.ge [sflag:s31], $0x4000  }
.LBB2_4:
0x5a: {  	[sflag:s31] =	ssyncset.done $0x0  }
0x5b: {  	s24 =	sadd.s32 $0x80, s24;
	s23 =	sadd.s32 $0x80, s23;
	s2 =	smov.u32 s25  }
0x5c: {  	s5 =	sand.u32 $0x1, s25;
	p0 =	sne.s32 s25, $0x27;
	[sflag:s31] =	ssyncadd.s32 $0xFFFFC000  }
0x5d: {  	[spmem:s3] =	stream.indirect.scatter.add.f32 [tilespmem:s0], [sflag:s29], $0x80, s26, s16, $0xb8;
	[tilespmem:$0x1E400] =	vst v63  }
0x5e: {  	s25 =	sadd.s32 $0x1, s25;
	s28 =	sadd.s32 $0x3, s5;
	s0 =	sshll.u32 s5, $0xE  }
0x5f: {  	s26 =	smov.u32 s24;
	_ =	swait.ge [sflag:s28], $0x4000  }
0x60: {  	s29 =	sadd.s32 $0xFFFFFFFF, s2;
	s2 =	sadd.s32 $0x1, s5;
	[sflag:s28] =	ssyncset.done $0x0  }
.Ltmp1:
0x61: {  	s30 =	sor.u32 $0x2800, s0;
	[sflag:s28] =	ssyncadd.s32 $0xFFFFC000;
	(pc) =	sbr.rel @p0 .LBB2_4-.Ltmp1, $4  }
0x62: {  	[tilespmem:s30], [sflag:s2] =	stream.indirect.gather [hbm4b:s1+s16], $0x80, s23, s16, $0xb8;
	[tilespmem:$0x1E400] =	vst v63  }
0x63: {  	s0 =	sand.u32 $0x1, s29  }
0x64: {  	s5 =	sshll.u32 s0, $0xE;
	s31 =	sadd.s32 $0x1, s0;
	s29 =	sadd.s32 $0x3, s0  }
0x65: {  	s0 =	sor.u32 $0x2800, s5;
	_ =	swait.ge [sflag:s31], $0x4000  }
0x66: {  	[sflag:s31] =	ssyncset.done $0x0  }
0x67: {  	[sflag:s31] =	ssyncadd.s32 $0xFFFFC000  }
0x68: {  	[spmem:s3] =	stream.indirect.scatter.add.f32 [tilespmem:s0], [sflag:s29], $0x80, s26, s16, $0xb8;
	[tilespmem:$0x1E400] =	vst v63  }
0x69: {  	_ =	swait.ge [sflag:s2], $0x4000  }
0x6a: {  	[sflag:s2] =	ssyncset.done $0x0  }
0x6b: {  	s31 =	sadd.s32 $0x80, s24;
	[sflag:s2] =	ssyncadd.s32 $0xFFFFC000  }
0x6c: {  	[spmem:s3] =	stream.indirect.scatter.add.f32 [tilespmem:s30], [sflag:s28], $0x80, s31, s16, $0xb8;
	[tilespmem:$0x1E400] =	vst v63  }
0x6d: {  	_ =	swait.ge [sflag:s20], $0x4000  }
0x6e: {  	[sflag:s20] =	ssyncset.done $0x0  }
0x6f: {  	[sflag:s20] =	ssyncadd.s32 $0xFFFFC000  }
0x70: {  	_ =	swait.ge [sflag:s21], $0x4000  }
0x71: {  	s22 =	sadd.s32 $0x1, s22;
	[sflag:s21] =	ssyncset.done $0x0  }
0x72: {  	p0 =	sne.s32 s22, s12;
	[sflag:s21] =	ssyncadd.s32 $0xFFFFC000  }
.Ltmp2:
0x73: {  	[bflag:$0x0] =	sbarrier.arrive $0xFFFF;
	(pc) =	sbr.rel @p0 .LBB2_1-.Ltmp2, $4  }
0x74: {  	[hbm:s11], [sflag:s6] =	dma.local [spmem:s13], $0x2780  }
0x75: {  	_ =	swait.ge [sflag:s14], $0x2780  }
0x76: {  	[sflag:s14] =	ssyncset.done $0x0  }
0x77: {  	[sflag:s14] =	ssyncadd.s32 $0xFFFFD880  }
0x78: {  	_ =	sfence.sel $0x180000  }
0x79: {  	[bflag:$0x0] =	sbarrier.arrive $0xFFFF  }
0x7a: {  	_ =	strace $0x90000047  }
0x7b: {  	s0 =	stileid.u32;
	[bflag:$0x2] =	sbarrier.arrive $0xFFFF  }
0x7c: {  	p0 =	sne.s32 s0, $0x0;
	s0 =	rddreg [dreg:$0x3]  }
0x7d: {  	s0 =	sadd.s32 @!p0 $0x100000, s0  }
0x7e: {  	[sflag:s0] =	ssyncadd.tile.s32 @!p0 $0x1;
	_ =	shalt  }
.Lfunc_end2:
_tile_overlayer_lowered:
.L_overlay_start_2:
0x7f: {  	(tag) =	ssettag $0x2  }
0x80: {  	s0 =	rddreg [dreg:$0x0];
	s2 =	stileid.u32  }
0x81: {  	s1 =	rddreg [dreg:$0x1];
	p0 =	sne.s32 s2, $0x0  }
0x82: {  	s3 =	rddreg [dreg:$0x2];
	[bflag:$0x3] =	sbarrier.arrive $0xFFFF;
	s2 =	simm.s32 @!p0 $0x1C05  }
0x83: {  	[timem:s3], [sflag:s2] =	dma.local @!p0 [hbm:s0], s1  }
0x84: {  	s0 =	simm.s32 @!p0 $0x5  }
0x85: {  	_ =	swait.ge @!p0 [sflag:s0], s1  }
0x86: {  	s1 =	ssub.s32 @!p0 $0x0, s1;
	[sflag:s0] =	ssyncset.done @!p0 $0x0  }
0x87: {  	[sflag:s0] =	ssyncadd.s32 @!p0 s1  }
0x88: {  	[bflag:$0x3] =	sbarrier.arrive $0xFFFF  }
0x89: {  	_ =	shalt  }

</sc_bundles>
